<compile_context>
chip_gen: v7x
topology: tpu7x:2x2x1
jax: 0.10.2.dev20260603
libtpu: 0.0.44.dev20260713+nightly
codegen_flags: <defaults>
</compile_context>

<pallas_src>
import functools

import jax
import jax.numpy as jnp
from jax import lax
from jax.experimental import pallas as pl
from jax.experimental.pallas import tpu as pltpu
from jax.experimental.pallas import tpu_sc as plsc

_B = 320000
_N = 10000
_D = 128
_NW = 32
_NBUF = 4
_BT = 640
_K = 4
_BK = _B // _K
_CPN = -(-2 * _BK // (128 * _NW))
_RPW = _CPN * 128
_RPAD = _NW * _RPW


def _pre_body(mem_ref, w_ref, t_ref):
    t_ref[...] = jnp.dot(mem_ref[...], w_ref[0],
                         preferred_element_type=jnp.float32)


def _precompute_table(memory, w_stack):
    nblk = 5
    rows = _N // nblk
    return pl.pallas_call(
        _pre_body,
        grid=(2 * nblk,),
        in_specs=[
            pl.BlockSpec((rows, _D), lambda j: (j % nblk, 0)),
            pl.BlockSpec((1, _D, _D), lambda j: (j // nblk, 0, 0)),
        ],
        out_specs=pl.BlockSpec((rows, _D), lambda j: (j, 0)),
        out_shape=jax.ShapeDtypeStruct((2 * _N, _D), jnp.float32),
        compiler_params=pltpu.CompilerParams(
            dimension_semantics=("arbitrary",)),
    )(memory, w_stack)


def _gather_body(idx_hbm, table_hbm, out_hbm, idx_v, rows_v, gsem, osem):
    c = lax.axis_index("c")
    s = lax.axis_index("s")
    wid = s * 2 + c
    base = wid * _RPW
    pltpu.sync_copy(idx_hbm.at[wid], idx_v)

    def gather(i, b):
        return pltpu.make_async_copy(
            table_hbm.at[idx_v.at[i]], rows_v.at[b], gsem.at[b])

    def write(i, b):
        return pltpu.make_async_copy(
            rows_v.at[b], out_hbm.at[pl.ds(base + i * 128, 128)], osem.at[b])

    for b in range(_NBUF):
        gather(b, b).start()

    def body(i, carry):
        b = i % _NBUF
        gather(i, b).wait()
        write(i, b).start()
        write(i, b).wait()
        gather(i + _NBUF, b).start()
        return carry

    lax.fori_loop(0, _CPN - _NBUF, body, 0)
    for k in range(_CPN - _NBUF, _CPN):
        gather(k, k % _NBUF).wait()
        write(k, k % _NBUF).start()
    for k in range(_CPN - _NBUF, _CPN):
        write(k, k % _NBUF).wait()


_gather_call = functools.partial(
    pl.kernel,
    out_type=jax.ShapeDtypeStruct((_RPAD, _D), jnp.float32),
    mesh=plsc.VectorSubcoreMesh(core_axis_name="c", subcore_axis_name="s"),
    scratch_types=[
        pltpu.VMEM((_CPN, 128), jnp.int32),
        pltpu.VMEM((_NBUF, 128, _D), jnp.float32),
        pltpu.SemaphoreType.DMA((_NBUF,)),
        pltpu.SemaphoreType.DMA((_NBUF,)),
    ],
)(_gather_body)


def _mlp_body(ga_ref, gc_ref, xp_ref, xc_ref, wp_ref, wc_ref, b1_ref,
              w2_ref, b2_ref, w3_ref, b3_ref, out_ref):
    f32 = jnp.float32
    bf = jnp.bfloat16
    z = ga_ref[...].astype(f32) + gc_ref[...].astype(f32) + b1_ref[...]
    z = z + jnp.dot(xp_ref[...].astype(bf), wp_ref[...],
                    preferred_element_type=f32)
    z = z + jnp.dot(xc_ref[...].astype(bf), wc_ref[...],
                    preferred_element_type=f32)
    h1 = jnp.maximum(z, 0.0).astype(bf)
    h2 = jnp.dot(h1, w2_ref[...], preferred_element_type=f32)
    h2 = jnp.maximum(h2 + b2_ref[...], 0.0).astype(bf)
    logit = jnp.dot(h2, w3_ref[...], preferred_element_type=f32)
    out_ref[...] = jax.nn.sigmoid(logit + b3_ref[...])


def _mlp_call(g, x_pol, x_comp, wp, wc, b1, w2, b2, w3, b3):
    nb = _BK // _BT
    const = lambda i: (0, 0)
    return pl.pallas_call(
        _mlp_body,
        grid=(nb,),
        in_specs=[
            pl.BlockSpec((_BT, _D), lambda i: (i, 0)),
            pl.BlockSpec((_BT, _D), lambda i: (i + nb, 0)),
            pl.BlockSpec((_BT, _D), lambda i: (i, 0)),
            pl.BlockSpec((_BT, _D), lambda i: (i, 0)),
            pl.BlockSpec((_D, _D), const),
            pl.BlockSpec((_D, _D), const),
            pl.BlockSpec((1, _D), const),
            pl.BlockSpec((_D, 64), const),
            pl.BlockSpec((1, 64), const),
            pl.BlockSpec((64, 1), const),
            pl.BlockSpec((1, 1), const),
        ],
        out_specs=pl.BlockSpec((_BT, 1), lambda i: (i, 0)),
        out_shape=jax.ShapeDtypeStruct((_BK, 1), jnp.float32),
        compiler_params=pltpu.CompilerParams(
            dimension_semantics=("parallel",)),
    )(g, g, x_pol, x_comp, wp, wc, b1, w2, b2, w3, b3)


def kernel(src, dst, t, msg, x_pol, x_comp, memory, pol_W, pol_b, comp_W,
           comp_b, bn_gamma, bn_beta, bn_mean, bn_var, W1, b1, W2, b2, W3,
           b3):
    del t, msg

    scale = bn_gamma * lax.rsqrt(bn_var + 1e-5)
    shift = bn_beta - bn_mean * scale
    W1f = W1 * scale[:, None]
    W1a, W1b = W1f[0:_D], W1f[_D:2 * _D]
    W1c, W1d = W1f[2 * _D:3 * _D], W1f[3 * _D:4 * _D]
    wp = (pol_W @ W1b).astype(jnp.bfloat16)
    wc = (comp_W @ W1d).astype(jnp.bfloat16)
    btot = (b1 + shift @ W1 + pol_b @ W1b + comp_b @ W1d).reshape(1, _D)
    w2 = W2.astype(jnp.bfloat16)
    b2r = b2.reshape(1, 64)
    w3 = W3.astype(jnp.bfloat16)
    b3r = b3.reshape(1, 1)

    table = _precompute_table(memory, jnp.stack([W1a, W1c]))

    srci = src.astype(jnp.int32)
    dsti = dst.astype(jnp.int32) + _N
    pad = jnp.zeros((_RPAD - 2 * _BK,), jnp.int32)

    outs = []
    for k in range(_K):
        sl = slice(k * _BK, (k + 1) * _BK)
        idx = jnp.concatenate([srci[sl], dsti[sl], pad]).reshape(
            _NW, _CPN, 128)
        g = _gather_call(idx, table)
        outs.append(_mlp_call(g, x_pol[sl], x_comp[sl], wp, wc, btot,
                              w2, b2r, w3, b3r))
    return jnp.concatenate(outs, axis=0)

# --- scband reference (transcript-rebuilt; emitter-appended) ---
"""Pipeline reference for scband-gaptgn-32263794328415 (READ-ONLY COPY).

The authoritative reference and input builder live on the scoring server;
editing this copy changes nothing except your own understanding.
"""

import jax, jax.numpy as jnp
import numpy as np

B = 320000
N = 10000
D = 128   # memory_dim = embedding_dim = pol_feat_dim = comp_feat_dim
EF = 16   # edge_feat_dim (msg)


def setup_inputs(seed: int = 0) -> dict:
    key = jax.random.key(seed)
    ks = jax.random.split(key, 16)
    src = jax.random.randint(ks[0], (B,), 0, N, dtype=jnp.int64) if jax.config.jax_enable_x64 else jax.random.randint(ks[0], (B,), 0, N)
    dst = jax.random.randint(ks[1], (B,), 0, N)
    t = jax.random.uniform(ks[2], (B,), dtype=jnp.float32)
    msg = jax.random.normal(ks[3], (B, EF), dtype=jnp.float32)
    x_pol = jax.random.normal(ks[4], (B, D), dtype=jnp.float32)
    x_comp = jax.random.normal(ks[5], (B, D), dtype=jnp.float32)
    # GAPTGN memory buffer (node states). Initialized random for a meaningful benchmark.
    memory = jax.random.normal(ks[6], (N, D), dtype=jnp.float32)
    # LinkPredictor params
    pol_W = jax.random.normal(ks[7], (D, D), dtype=jnp.float32) * (1.0 / np.sqrt(D))
    pol_b = jnp.zeros((D,), jnp.float32)
    comp_W = jax.random.normal(ks[8], (D, D), dtype=jnp.float32) * (1.0 / np.sqrt(D))
    comp_b = jnp.zeros((D,), jnp.float32)
    H = 4 * D  # decoder_input_dim = (memory_dim + memory_dim) * 2 = 512
    bn_gamma = jnp.ones((H,), jnp.float32)
    bn_beta = jnp.zeros((H,), jnp.float32)
    bn_mean = jnp.zeros((H,), jnp.float32)
    bn_var = jnp.ones((H,), jnp.float32)
    W1 = jax.random.normal(ks[9], (H, 128), dtype=jnp.float32) * (1.0 / np.sqrt(H))
    b1 = jnp.zeros((128,), jnp.float32)
    W2 = jax.random.normal(ks[10], (128, 64), dtype=jnp.float32) * (1.0 / np.sqrt(128))
    b2 = jnp.zeros((64,), jnp.float32)
    W3 = jax.random.normal(ks[11], (64, 1), dtype=jnp.float32) * (1.0 / np.sqrt(64))
    b3 = jnp.zeros((1,), jnp.float32)
    return {
        'src': src, 'dst': dst, 't': t, 'msg': msg, 'x_pol': x_pol, 'x_comp': x_comp,
        'memory': memory,
        'pol_W': pol_W, 'pol_b': pol_b, 'comp_W': comp_W, 'comp_b': comp_b,
        'bn_gamma': bn_gamma, 'bn_beta': bn_beta, 'bn_mean': bn_mean, 'bn_var': bn_var,
        'W1': W1, 'b1': b1, 'W2': W2, 'b2': b2, 'W3': W3, 'b3': b3,
    }


def reference(src, dst, t, msg, x_pol, x_comp, memory,
              pol_W, pol_b, comp_W, comp_b,
              bn_gamma, bn_beta, bn_mean, bn_var,
              W1, b1, W2, b2, W3, b3):
    # GAPTGN.forward: memory gather (t, msg unused in forward) + LinkPredictor (eval mode)
    mem_src = jnp.take(memory, src, axis=0)
    mem_dst = jnp.take(memory, dst, axis=0)
    pol_emb = x_pol @ pol_W + pol_b
    comp_emb = x_comp @ comp_W + comp_b
    h = jnp.concatenate([mem_src, pol_emb, mem_dst, comp_emb], axis=-1)
    # BatchNorm1d (eval mode, running stats); Dropout = identity in eval
    h = (h - bn_mean) / jnp.sqrt(bn_var + 1e-5) * bn_gamma + bn_beta
    h = jax.nn.relu(h @ W1 + b1)
    h = jax.nn.relu(h @ W2 + b2)
    logits = h @ W3 + b3
    return jax.nn.sigmoid(logits)

if __name__ == "__main__":
    import jax
    _d = setup_inputs()
    print(jax.jit(kernel)(*tuple(_d.values())))

</pallas_src>

<mosaic_0001>
#map = affine_map<(d0, d1) -> (0, 0, 0)>
#map1 = affine_map<(d0, d1) -> (0, 0)>
module attributes {stable_mosaic.version = 14 : i64} {
  func.func @_gather_body(%arg0: i32, %arg1: i32, %arg2: memref<32x40x128xi32, #tpu.memory_space<hbm>>, %arg3: memref<20000x128xf32, #tpu.memory_space<hbm>>, %arg4: memref<163840x128xf32, #tpu.memory_space<hbm>>, %arg5: memref<40x128xi32, #tpu.memory_space<vmem>>, %arg6: memref<4x128x128xf32, #tpu.memory_space<vmem>>, %arg7: memref<4x!tpu.dma_semaphore, #tpu.memory_space<semaphore_mem>>, %arg8: memref<4x!tpu.dma_semaphore, #tpu.memory_space<semaphore_mem>>) attributes {dimension_semantics = [#tpu.dimension_semantics<core_parallel>, #tpu.dimension_semantics<subcore_parallel>], iteration_bounds = array<i64: 2, 16>, scalar_prefetch = 0 : i64, scratch_operands = 4 : i64, tpu.core_type = #tpu.core_type<sc_vector_subcore>, window_params = [{transform_indices = #map}, {transform_indices = #map1}, {transform_indices = #map1}]} {
    %mul3A = arith.constant 2 : i32
    %mul3A_0 = arith.muli %arg1, %mul3A : i32
    %add3A = arith.addi %mul3A_0, %arg0 : i32
    %mul3A_1 = arith.constant 5120 : i32
    %mul3A_2 = arith.muli %add3A, %mul3A_1 : i32
    "tpu.region"() ({
      %run_scoped3A = tpu.sem_alloc : memref<!tpu.dma_semaphore, #tpu.memory_space<semaphore_mem>>
      %dma_start3A_270 = arith.constant 0 : i32
      %dma_start3A_271 = arith.constant 0 : i32
      %dma_start3A_272 = tpu.memref_slice %arg2[%add3A, %dma_start3A_270, %dma_start3A_271] : memref<32x40x128xi32, #tpu.memory_space<hbm>> -> memref<1x40x128xi32, #tpu.memory_space<hbm>>
      %dma_start3A_273 = tpu.memref_squeeze %dma_start3A_272 : memref<1x40x128xi32, #tpu.memory_space<hbm>> -> memref<40x128xi32, #tpu.memory_space<hbm>>
      %dma_start3A_274 = arith.constant 0 : i32
      %dma_start3A_275 = arith.constant 0 : i32
      %dma_start3A_276 = tpu.memref_slice %arg2[%add3A, %dma_start3A_274, %dma_start3A_275] : memref<32x40x128xi32, #tpu.memory_space<hbm>> -> memref<1x40x128xi32, #tpu.memory_space<hbm>>
      %dma_start3A_277 = tpu.memref_squeeze %dma_start3A_276 : memref<1x40x128xi32, #tpu.memory_space<hbm>> -> memref<40x128xi32, #tpu.memory_space<hbm>>
      tpu.enqueue_dma source(%dma_start3A_277 : memref<40x128xi32, #tpu.memory_space<hbm>>) target(%arg5 : memref<40x128xi32, #tpu.memory_space<vmem>>) target_semaphore(%run_scoped3A : memref<!tpu.dma_semaphore, #tpu.memory_space<semaphore_mem>>)
      %dma_wait3A_278 = arith.constant 0 : i32
      %dma_wait3A_279 = arith.constant 0 : i32
      %dma_wait3A_280 = tpu.memref_slice %arg2[%add3A, %dma_wait3A_278, %dma_wait3A_279] : memref<32x40x128xi32, #tpu.memory_space<hbm>> -> memref<1x40x128xi32, #tpu.memory_space<hbm>>
      %dma_wait3A_281 = tpu.memref_squeeze %dma_wait3A_280 : memref<1x40x128xi32, #tpu.memory_space<hbm>> -> memref<40x128xi32, #tpu.memory_space<hbm>>
      %dma_wait3A_282 = arith.constant 0 : i32
      %dma_wait3A_283 = arith.constant 0 : i32
      %dma_wait3A_284 = tpu.memref_slice %arg2[%add3A, %dma_wait3A_282, %dma_wait3A_283] : memref<32x40x128xi32, #tpu.memory_space<hbm>> -> memref<1x40x128xi32, #tpu.memory_space<hbm>>
      %dma_wait3A_285 = tpu.memref_squeeze %dma_wait3A_284 : memref<1x40x128xi32, #tpu.memory_space<hbm>> -> memref<40x128xi32, #tpu.memory_space<hbm>>
      tpu.wait_dma2 semaphore(%run_scoped3A : memref<!tpu.dma_semaphore, #tpu.memory_space<semaphore_mem>>) src(%dma_wait3A_285 : memref<40x128xi32, #tpu.memory_space<hbm>>) dst(%arg5 : memref<40x128xi32, #tpu.memory_space<vmem>>)
      tpu.yield
    }) : () -> ()
    %dma_start3A = arith.constant 0 : i32
    %dma_start3A_3 = arith.constant 0 : i32
    %dma_start3A_4 = arith.constant 0 : i32
    %dma_start3A_5 = arith.constant 0 : i32
    %dma_start3A_6 = arith.constant 0 : i32
    %dma_start3A_7 = tpu.memref_slice %arg6[%dma_start3A_3, %dma_start3A_5, %dma_start3A_6] : memref<4x128x128xf32, #tpu.memory_space<vmem>> -> memref<1x128x128xf32, #tpu.memory_space<vmem>>
    %dma_start3A_8 = tpu.memref_squeeze %dma_start3A_7 : memref<1x128x128xf32, #tpu.memory_space<vmem>> -> memref<128x128xf32, #tpu.memory_space<vmem>>
    %dma_start3A_9 = arith.constant 0 : i32
    %dma_start3A_10 = tpu.memref_slice %arg5[%dma_start3A, %dma_start3A_9] : memref<40x128xi32, #tpu.memory_space<vmem>> -> memref<1x128xi32, #tpu.memory_space<vmem>>
    %dma_start3A_11 = tpu.memref_squeeze %dma_start3A_10 : memref<1x128xi32, #tpu.memory_space<vmem>> -> memref<128xi32, #tpu.memory_space<vmem>>
    %dma_start3A_12 = arith.constant 0 : i32
    %dma_start3A_13 = arith.constant 0 : i32
    %dma_start3A_14 = tpu.memref_slice %arg3[%dma_start3A_12, %dma_start3A_13] : memref<20000x128xf32, #tpu.memory_space<hbm>> -> memref<20000x128xf32, #tpu.memory_space<hbm>>
    %dma_start3A_15 = tpu.memref_slice %arg7[%dma_start3A_4] : memref<4x!tpu.dma_semaphore, #tpu.memory_space<semaphore_mem>> -> memref<1x!tpu.dma_semaphore, #tpu.memory_space<semaphore_mem>>
    %dma_start3A_16 = tpu.memref_squeeze %dma_start3A_15 : memref<1x!tpu.dma_semaphore, #tpu.memory_space<semaphore_mem>> -> memref<!tpu.dma_semaphore, #tpu.memory_space<semaphore_mem>>
    tpu.enqueue_indirect_dma source(%dma_start3A_14 : memref<20000x128xf32, #tpu.memory_space<hbm>>) target(%dma_start3A_8 : memref<128x128xf32, #tpu.memory_space<vmem>>) offsets(%dma_start3A_11 : memref<128xi32, #tpu.memory_space<vmem>>) semaphore(%dma_start3A_16 : memref<!tpu.dma_semaphore, #tpu.memory_space<semaphore_mem>>)
    %dma_start3A_17 = arith.constant 1 : i32
    %dma_start3A_18 = arith.constant 1 : i32
    %dma_start3A_19 = arith.constant 1 : i32
    %dma_start3A_20 = arith.constant 0 : i32
    %dma_start3A_21 = arith.constant 0 : i32
    %dma_start3A_22 = tpu.memref_slice %arg6[%dma_start3A_18, %dma_start3A_20, %dma_start3A_21] : memref<4x128x128xf32, #tpu.memory_space<vmem>> -> memref<1x128x128xf32, #tpu.memory_space<vmem>>
    %dma_start3A_23 = tpu.memref_squeeze %dma_start3A_22 : memref<1x128x128xf32, #tpu.memory_space<vmem>> -> memref<128x128xf32, #tpu.memory_space<vmem>>
    %dma_start3A_24 = arith.constant 0 : i32
    %dma_start3A_25 = tpu.memref_slice %arg5[%dma_start3A_17, %dma_start3A_24] : memref<40x128xi32, #tpu.memory_space<vmem>> -> memref<1x128xi32, #tpu.memory_space<vmem>>
    %dma_start3A_26 = tpu.memref_squeeze %dma_start3A_25 : memref<1x128xi32, #tpu.memory_space<vmem>> -> memref<128xi32, #tpu.memory_space<vmem>>
    %dma_start3A_27 = arith.constant 0 : i32
    %dma_start3A_28 = arith.constant 0 : i32
    %dma_start3A_29 = tpu.memref_slice %arg3[%dma_start3A_27, %dma_start3A_28] : memref<20000x128xf32, #tpu.memory_space<hbm>> -> memref<20000x128xf32, #tpu.memory_space<hbm>>
    %dma_start3A_30 = tpu.memref_slice %arg7[%dma_start3A_19] : memref<4x!tpu.dma_semaphore, #tpu.memory_space<semaphore_mem>> -> memref<1x!tpu.dma_semaphore, #tpu.memory_space<semaphore_mem>>
    %dma_start3A_31 = tpu.memref_squeeze %dma_start3A_30 : memref<1x!tpu.dma_semaphore, #tpu.memory_space<semaphore_mem>> -> memref<!tpu.dma_semaphore, #tpu.memory_space<semaphore_mem>>
    tpu.enqueue_indirect_dma source(%dma_start3A_29 : memref<20000x128xf32, #tpu.memory_space<hbm>>) target(%dma_start3A_23 : memref<128x128xf32, #tpu.memory_space<vmem>>) offsets(%dma_start3A_26 : memref<128xi32, #tpu.memory_space<vmem>>) semaphore(%dma_start3A_31 : memref<!tpu.dma_semaphore, #tpu.memory_space<semaphore_mem>>)
    %dma_start3A_32 = arith.constant 2 : i32
    %dma_start3A_33 = arith.constant 2 : i32
    %dma_start3A_34 = arith.constant 2 : i32
    %dma_start3A_35 = arith.constant 0 : i32
    %dma_start3A_36 = arith.constant 0 : i32
    %dma_start3A_37 = tpu.memref_slice %arg6[%dma_start3A_33, %dma_start3A_35, %dma_start3A_36] : memref<4x128x128xf32, #tpu.memory_space<vmem>> -> memref<1x128x128xf32, #tpu.memory_space<vmem>>
    %dma_start3A_38 = tpu.memref_squeeze %dma_start3A_37 : memref<1x128x128xf32, #tpu.memory_space<vmem>> -> memref<128x128xf32, #tpu.memory_space<vmem>>
    %dma_start3A_39 = arith.constant 0 : i32
    %dma_start3A_40 = tpu.memref_slice %arg5[%dma_start3A_32, %dma_start3A_39] : memref<40x128xi32, #tpu.memory_space<vmem>> -> memref<1x128xi32, #tpu.memory_space<vmem>>
    %dma_start3A_41 = tpu.memref_squeeze %dma_start3A_40 : memref<1x128xi32, #tpu.memory_space<vmem>> -> memref<128xi32, #tpu.memory_space<vmem>>
    %dma_start3A_42 = arith.constant 0 : i32
    %dma_start3A_43 = arith.constant 0 : i32
    %dma_start3A_44 = tpu.memref_slice %arg3[%dma_start3A_42, %dma_start3A_43] : memref<20000x128xf32, #tpu.memory_space<hbm>> -> memref<20000x128xf32, #tpu.memory_space<hbm>>
    %dma_start3A_45 = tpu.memref_slice %arg7[%dma_start3A_34] : memref<4x!tpu.dma_semaphore, #tpu.memory_space<semaphore_mem>> -> memref<1x!tpu.dma_semaphore, #tpu.memory_space<semaphore_mem>>
    %dma_start3A_46 = tpu.memref_squeeze %dma_start3A_45 : memref<1x!tpu.dma_semaphore, #tpu.memory_space<semaphore_mem>> -> memref<!tpu.dma_semaphore, #tpu.memory_space<semaphore_mem>>
    tpu.enqueue_indirect_dma source(%dma_start3A_44 : memref<20000x128xf32, #tpu.memory_space<hbm>>) target(%dma_start3A_38 : memref<128x128xf32, #tpu.memory_space<vmem>>) offsets(%dma_start3A_41 : memref<128xi32, #tpu.memory_space<vmem>>) semaphore(%dma_start3A_46 : memref<!tpu.dma_semaphore, #tpu.memory_space<semaphore_mem>>)
    %dma_start3A_47 = arith.constant 3 : i32
    %dma_start3A_48 = arith.constant 3 : i32
    %dma_start3A_49 = arith.constant 3 : i32
    %dma_start3A_50 = arith.constant 0 : i32
    %dma_start3A_51 = arith.constant 0 : i32
    %dma_start3A_52 = tpu.memref_slice %arg6[%dma_start3A_48, %dma_start3A_50, %dma_start3A_51] : memref<4x128x128xf32, #tpu.memory_space<vmem>> -> memref<1x128x128xf32, #tpu.memory_space<vmem>>
    %dma_start3A_53 = tpu.memref_squeeze %dma_start3A_52 : memref<1x128x128xf32, #tpu.memory_space<vmem>> -> memref<128x128xf32, #tpu.memory_space<vmem>>
    %dma_start3A_54 = arith.constant 0 : i32
    %dma_start3A_55 = tpu.memref_slice %arg5[%dma_start3A_47, %dma_start3A_54] : memref<40x128xi32, #tpu.memory_space<vmem>> -> memref<1x128xi32, #tpu.memory_space<vmem>>
    %dma_start3A_56 = tpu.memref_squeeze %dma_start3A_55 : memref<1x128xi32, #tpu.memory_space<vmem>> -> memref<128xi32, #tpu.memory_space<vmem>>
    %dma_start3A_57 = arith.constant 0 : i32
    %dma_start3A_58 = arith.constant 0 : i32
    %dma_start3A_59 = tpu.memref_slice %arg3[%dma_start3A_57, %dma_start3A_58] : memref<20000x128xf32, #tpu.memory_space<hbm>> -> memref<20000x128xf32, #tpu.memory_space<hbm>>
    %dma_start3A_60 = tpu.memref_slice %arg7[%dma_start3A_49] : memref<4x!tpu.dma_semaphore, #tpu.memory_space<semaphore_mem>> -> memref<1x!tpu.dma_semaphore, #tpu.memory_space<semaphore_mem>>
    %dma_start3A_61 = tpu.memref_squeeze %dma_start3A_60 : memref<1x!tpu.dma_semaphore, #tpu.memory_space<semaphore_mem>> -> memref<!tpu.dma_semaphore, #tpu.memory_space<semaphore_mem>>
    tpu.enqueue_indirect_dma source(%dma_start3A_59 : memref<20000x128xf32, #tpu.memory_space<hbm>>) target(%dma_start3A_53 : memref<128x128xf32, #tpu.memory_space<vmem>>) offsets(%dma_start3A_56 : memref<128xi32, #tpu.memory_space<vmem>>) semaphore(%dma_start3A_61 : memref<!tpu.dma_semaphore, #tpu.memory_space<semaphore_mem>>)
    %scan3A = arith.constant 0 : i32
    %scan3A_62 = arith.constant 0 : i32
    %scan3A_63 = arith.constant 36 : i32
    %scan3A_64 = arith.addi %scan3A_62, %scan3A_63 : i32
    %scan3A_65 = arith.constant 1 : i32
    scf.for %scan3A_270 = %scan3A_62 to %scan3A_64 step %scan3A_65  : i32 {
      %jit3A = arith.constant 4 : i32
      %eq3A = arith.constant 0 : i32
      %eq3A_271 = arith.cmpi eq, %jit3A, %eq3A : i32
      %jit3A_272 = arith.constant 1 : i32
      %select_n3A = arith.select %eq3A_271, %jit3A_272, %jit3A : i32
      %rem3A = arith.remsi %scan3A_270, %select_n3A : i32
      %ne3A = arith.constant 0 : i32
      %ne3A_273 = arith.cmpi ne, %rem3A, %ne3A : i32
      %lt3A = arith.constant 0 : i32
      %lt3A_274 = arith.cmpi slt, %rem3A, %lt3A : i32
      %lt3A_275 = arith.constant 0 : i32
      %lt3A_276 = arith.cmpi slt, %select_n3A, %lt3A_275 : i32
      %ne3A_277 = arith.xori %lt3A_274, %lt3A_276 : i1
      %and3A = arith.andi %ne3A_277, %ne3A_273 : i1
      %add3A_278 = arith.addi %rem3A, %select_n3A : i32
      %select_n3A_279 = arith.select %and3A, %add3A_278, %rem3A : i32
      %dma_wait3A_280 = arith.constant 0 : i32
      %dma_wait3A_281 = arith.constant 0 : i32
      %dma_wait3A_282 = tpu.memref_slice %arg6[%select_n3A_279, %dma_wait3A_280, %dma_wait3A_281] : memref<4x128x128xf32, #tpu.memory_space<vmem>> -> memref<1x128x128xf32, #tpu.memory_space<vmem>>
      %dma_wait3A_283 = tpu.memref_squeeze %dma_wait3A_282 : memref<1x128x128xf32, #tpu.memory_space<vmem>> -> memref<128x128xf32, #tpu.memory_space<vmem>>
      %dma_wait3A_284 = arith.constant 0 : i32
      %dma_wait3A_285 = tpu.memref_slice %arg5[%scan3A_270, %dma_wait3A_284] : memref<40x128xi32, #tpu.memory_space<vmem>> -> memref<1x128xi32, #tpu.memory_space<vmem>>
      %dma_wait3A_286 = tpu.memref_squeeze %dma_wait3A_285 : memref<1x128xi32, #tpu.memory_space<vmem>> -> memref<128xi32, #tpu.memory_space<vmem>>
      %dma_wait3A_287 = arith.constant 0 : i32
      %dma_wait3A_288 = arith.constant 0 : i32
      %dma_wait3A_289 = tpu.memref_slice %arg3[%dma_wait3A_287, %dma_wait3A_288] : memref<20000x128xf32, #tpu.memory_space<hbm>> -> memref<20000x128xf32, #tpu.memory_space<hbm>>
      %dma_wait3A_290 = tpu.memref_slice %arg7[%select_n3A_279] : memref<4x!tpu.dma_semaphore, #tpu.memory_space<semaphore_mem>> -> memref<1x!tpu.dma_semaphore, #tpu.memory_space<semaphore_mem>>
      %dma_wait3A_291 = tpu.memref_squeeze %dma_wait3A_290 : memref<1x!tpu.dma_semaphore, #tpu.memory_space<semaphore_mem>> -> memref<!tpu.dma_semaphore, #tpu.memory_space<semaphore_mem>>
      tpu.wait_indirect_dma semaphore(%dma_wait3A_291 : memref<!tpu.dma_semaphore, #tpu.memory_space<semaphore_mem>>) src(%dma_wait3A_289 : memref<20000x128xf32, #tpu.memory_space<hbm>>) dst(%dma_wait3A_283 : memref<128x128xf32, #tpu.memory_space<vmem>>)
      %mul3A_292 = arith.constant 128 : i32
      %mul3A_293 = arith.muli %scan3A_270, %mul3A_292 : i32
      %add3A_294 = arith.addi %mul3A_2, %mul3A_293 : i32
      %dma_start3A_295 = arith.constant 0 : i32
      %dma_start3A_296 = arith.constant 0 : i32
      %dma_start3A_297 = tpu.memref_slice %arg6[%select_n3A_279, %dma_start3A_295, %dma_start3A_296] : memref<4x128x128xf32, #tpu.memory_space<vmem>> -> memref<1x128x128xf32, #tpu.memory_space<vmem>>
      %dma_start3A_298 = tpu.memref_squeeze %dma_start3A_297 : memref<1x128x128xf32, #tpu.memory_space<vmem>> -> memref<128x128xf32, #tpu.memory_space<vmem>>
      %dma_start3A_299 = arith.constant 0 : i32
      %dma_start3A_300 = tpu.memref_slice %arg4[%add3A_294, %dma_start3A_299] : memref<163840x128xf32, #tpu.memory_space<hbm>> -> memref<128x128xf32, #tpu.memory_space<hbm>>
      %dma_start3A_301 = tpu.memref_slice %arg8[%select_n3A_279] : memref<4x!tpu.dma_semaphore, #tpu.memory_space<semaphore_mem>> -> memref<1x!tpu.dma_semaphore, #tpu.memory_space<semaphore_mem>>
      %dma_start3A_302 = tpu.memref_squeeze %dma_start3A_301 : memref<1x!tpu.dma_semaphore, #tpu.memory_space<semaphore_mem>> -> memref<!tpu.dma_semaphore, #tpu.memory_space<semaphore_mem>>
      %dma_start3A_303 = arith.constant 0 : i32
      %dma_start3A_304 = tpu.memref_slice %arg4[%add3A_294, %dma_start3A_303] : memref<163840x128xf32, #tpu.memory_space<hbm>> -> memref<128x128xf32, #tpu.memory_space<hbm>>
      %dma_start3A_305 = arith.constant 0 : i32
      %dma_start3A_306 = arith.constant 0 : i32
      %dma_start3A_307 = tpu.memref_slice %arg6[%select_n3A_279, %dma_start3A_305, %dma_start3A_306] : memref<4x128x128xf32, #tpu.memory_space<vmem>> -> memref<1x128x128xf32, #tpu.memory_space<vmem>>
      %dma_start3A_308 = tpu.memref_squeeze %dma_start3A_307 : memref<1x128x128xf32, #tpu.memory_space<vmem>> -> memref<128x128xf32, #tpu.memory_space<vmem>>
      tpu.enqueue_dma source(%dma_start3A_308 : memref<128x128xf32, #tpu.memory_space<vmem>>) target(%dma_start3A_304 : memref<128x128xf32, #tpu.memory_space<hbm>>) target_semaphore(%dma_start3A_302 : memref<!tpu.dma_semaphore, #tpu.memory_space<semaphore_mem>>)
      %mul3A_309 = arith.constant 128 : i32
      %mul3A_310 = arith.muli %scan3A_270, %mul3A_309 : i32
      %add3A_311 = arith.addi %mul3A_2, %mul3A_310 : i32
      %dma_wait3A_312 = arith.constant 0 : i32
      %dma_wait3A_313 = arith.constant 0 : i32
      %dma_wait3A_314 = tpu.memref_slice %arg6[%select_n3A_279, %dma_wait3A_312, %dma_wait3A_313] : memref<4x128x128xf32, #tpu.memory_space<vmem>> -> memref<1x128x128xf32, #tpu.memory_space<vmem>>
      %dma_wait3A_315 = tpu.memref_squeeze %dma_wait3A_314 : memref<1x128x128xf32, #tpu.memory_space<vmem>> -> memref<128x128xf32, #tpu.memory_space<vmem>>
      %dma_wait3A_316 = arith.constant 0 : i32
      %dma_wait3A_317 = tpu.memref_slice %arg4[%add3A_311, %dma_wait3A_316] : memref<163840x128xf32, #tpu.memory_space<hbm>> -> memref<128x128xf32, #tpu.memory_space<hbm>>
      %dma_wait3A_318 = tpu.memref_slice %arg8[%select_n3A_279] : memref<4x!tpu.dma_semaphore, #tpu.memory_space<semaphore_mem>> -> memref<1x!tpu.dma_semaphore, #tpu.memory_space<semaphore_mem>>
      %dma_wait3A_319 = tpu.memref_squeeze %dma_wait3A_318 : memref<1x!tpu.dma_semaphore, #tpu.memory_space<semaphore_mem>> -> memref<!tpu.dma_semaphore, #tpu.memory_space<semaphore_mem>>
      %dma_wait3A_320 = arith.constant 0 : i32
      %dma_wait3A_321 = tpu.memref_slice %arg4[%add3A_311, %dma_wait3A_320] : memref<163840x128xf32, #tpu.memory_space<hbm>> -> memref<128x128xf32, #tpu.memory_space<hbm>>
      %dma_wait3A_322 = arith.constant 0 : i32
      %dma_wait3A_323 = arith.constant 0 : i32
      %dma_wait3A_324 = tpu.memref_slice %arg6[%select_n3A_279, %dma_wait3A_322, %dma_wait3A_323] : memref<4x128x128xf32, #tpu.memory_space<vmem>> -> memref<1x128x128xf32, #tpu.memory_space<vmem>>
      %dma_wait3A_325 = tpu.memref_squeeze %dma_wait3A_324 : memref<1x128x128xf32, #tpu.memory_space<vmem>> -> memref<128x128xf32, #tpu.memory_space<vmem>>
      tpu.wait_dma2 semaphore(%dma_wait3A_319 : memref<!tpu.dma_semaphore, #tpu.memory_space<semaphore_mem>>) src(%dma_wait3A_325 : memref<128x128xf32, #tpu.memory_space<vmem>>) dst(%dma_wait3A_321 : memref<128x128xf32, #tpu.memory_space<hbm>>)
      %add3A_326 = arith.constant 4 : i32
      %add3A_327 = arith.addi %scan3A_270, %add3A_326 : i32
      %dma_start3A_328 = arith.constant 0 : i32
      %dma_start3A_329 = arith.constant 0 : i32
      %dma_start3A_330 = tpu.memref_slice %arg6[%select_n3A_279, %dma_start3A_328, %dma_start3A_329] : memref<4x128x128xf32, #tpu.memory_space<vmem>> -> memref<1x128x128xf32, #tpu.memory_space<vmem>>
      %dma_start3A_331 = tpu.memref_squeeze %dma_start3A_330 : memref<1x128x128xf32, #tpu.memory_space<vmem>> -> memref<128x128xf32, #tpu.memory_space<vmem>>
      %dma_start3A_332 = arith.constant 0 : i32
      %dma_start3A_333 = tpu.memref_slice %arg5[%add3A_327, %dma_start3A_332] : memref<40x128xi32, #tpu.memory_space<vmem>> -> memref<1x128xi32, #tpu.memory_space<vmem>>
      %dma_start3A_334 = tpu.memref_squeeze %dma_start3A_333 : memref<1x128xi32, #tpu.memory_space<vmem>> -> memref<128xi32, #tpu.memory_space<vmem>>
      %dma_start3A_335 = arith.constant 0 : i32
      %dma_start3A_336 = arith.constant 0 : i32
      %dma_start3A_337 = tpu.memref_slice %arg3[%dma_start3A_335, %dma_start3A_336] : memref<20000x128xf32, #tpu.memory_space<hbm>> -> memref<20000x128xf32, #tpu.memory_space<hbm>>
      %dma_start3A_338 = tpu.memref_slice %arg7[%select_n3A_279] : memref<4x!tpu.dma_semaphore, #tpu.memory_space<semaphore_mem>> -> memref<1x!tpu.dma_semaphore, #tpu.memory_space<semaphore_mem>>
      %dma_start3A_339 = tpu.memref_squeeze %dma_start3A_338 : memref<1x!tpu.dma_semaphore, #tpu.memory_space<semaphore_mem>> -> memref<!tpu.dma_semaphore, #tpu.memory_space<semaphore_mem>>
      tpu.enqueue_indirect_dma source(%dma_start3A_337 : memref<20000x128xf32, #tpu.memory_space<hbm>>) target(%dma_start3A_331 : memref<128x128xf32, #tpu.memory_space<vmem>>) offsets(%dma_start3A_334 : memref<128xi32, #tpu.memory_space<vmem>>) semaphore(%dma_start3A_339 : memref<!tpu.dma_semaphore, #tpu.memory_space<semaphore_mem>>)
    }
    %scan3A_66 = arith.constant 36 : i32
    %dma_wait3A = arith.constant 36 : i32
    %dma_wait3A_67 = arith.constant 0 : i32
    %dma_wait3A_68 = arith.constant 0 : i32
    %dma_wait3A_69 = arith.constant 0 : i32
    %dma_wait3A_70 = arith.constant 0 : i32
    %dma_wait3A_71 = tpu.memref_slice %arg6[%dma_wait3A_67, %dma_wait3A_69, %dma_wait3A_70] : memref<4x128x128xf32, #tpu.memory_space<vmem>> -> memref<1x128x128xf32, #tpu.memory_space<vmem>>
    %dma_wait3A_72 = tpu.memref_squeeze %dma_wait3A_71 : memref<1x128x128xf32, #tpu.memory_space<vmem>> -> memref<128x128xf32, #tpu.memory_space<vmem>>
    %dma_wait3A_73 = arith.constant 0 : i32
    %dma_wait3A_74 = tpu.memref_slice %arg5[%dma_wait3A, %dma_wait3A_73] : memref<40x128xi32, #tpu.memory_space<vmem>> -> memref<1x128xi32, #tpu.memory_space<vmem>>
    %dma_wait3A_75 = tpu.memref_squeeze %dma_wait3A_74 : memref<1x128xi32, #tpu.memory_space<vmem>> -> memref<128xi32, #tpu.memory_space<vmem>>
    %dma_wait3A_76 = arith.constant 0 : i32
    %dma_wait3A_77 = arith.constant 0 : i32
    %dma_wait3A_78 = tpu.memref_slice %arg3[%dma_wait3A_76, %dma_wait3A_77] : memref<20000x128xf32, #tpu.memory_space<hbm>> -> memref<20000x128xf32, #tpu.memory_space<hbm>>
    %dma_wait3A_79 = tpu.memref_slice %arg7[%dma_wait3A_68] : memref<4x!tpu.dma_semaphore, #tpu.memory_space<semaphore_mem>> -> memref<1x!tpu.dma_semaphore, #tpu.memory_space<semaphore_mem>>
    %dma_wait3A_80 = tpu.memref_squeeze %dma_wait3A_79 : memref<1x!tpu.dma_semaphore, #tpu.memory_space<semaphore_mem>> -> memref<!tpu.dma_semaphore, #tpu.memory_space<semaphore_mem>>
    tpu.wait_indirect_dma semaphore(%dma_wait3A_80 : memref<!tpu.dma_semaphore, #tpu.memory_space<semaphore_mem>>) src(%dma_wait3A_78 : memref<20000x128xf32, #tpu.memory_space<hbm>>) dst(%dma_wait3A_72 : memref<128x128xf32, #tpu.memory_space<vmem>>)
    %add3A_81 = arith.constant 4608 : i32
    %add3A_82 = arith.addi %mul3A_2, %add3A_81 : i32
    %dma_start3A_83 = arith.constant 0 : i32
    %dma_start3A_84 = arith.constant 0 : i32
    %dma_start3A_85 = arith.constant 0 : i32
    %dma_start3A_86 = arith.constant 0 : i32
    %dma_start3A_87 = tpu.memref_slice %arg6[%dma_start3A_83, %dma_start3A_85, %dma_start3A_86] : memref<4x128x128xf32, #tpu.memory_space<vmem>> -> memref<1x128x128xf32, #tpu.memory_space<vmem>>
    %dma_start3A_88 = tpu.memref_squeeze %dma_start3A_87 : memref<1x128x128xf32, #tpu.memory_space<vmem>> -> memref<128x128xf32, #tpu.memory_space<vmem>>
    %dma_start3A_89 = arith.constant 0 : i32
    %dma_start3A_90 = tpu.memref_slice %arg4[%add3A_82, %dma_start3A_89] : memref<163840x128xf32, #tpu.memory_space<hbm>> -> memref<128x128xf32, #tpu.memory_space<hbm>>
    %dma_start3A_91 = tpu.memref_slice %arg8[%dma_start3A_84] : memref<4x!tpu.dma_semaphore, #tpu.memory_space<semaphore_mem>> -> memref<1x!tpu.dma_semaphore, #tpu.memory_space<semaphore_mem>>
    %dma_start3A_92 = tpu.memref_squeeze %dma_start3A_91 : memref<1x!tpu.dma_semaphore, #tpu.memory_space<semaphore_mem>> -> memref<!tpu.dma_semaphore, #tpu.memory_space<semaphore_mem>>
    %dma_start3A_93 = arith.constant 0 : i32
    %dma_start3A_94 = tpu.memref_slice %arg4[%add3A_82, %dma_start3A_93] : memref<163840x128xf32, #tpu.memory_space<hbm>> -> memref<128x128xf32, #tpu.memory_space<hbm>>
    %dma_start3A_95 = arith.constant 0 : i32
    %dma_start3A_96 = arith.constant 0 : i32
    %dma_start3A_97 = tpu.memref_slice %arg6[%dma_start3A_83, %dma_start3A_95, %dma_start3A_96] : memref<4x128x128xf32, #tpu.memory_space<vmem>> -> memref<1x128x128xf32, #tpu.memory_space<vmem>>
    %dma_start3A_98 = tpu.memref_squeeze %dma_start3A_97 : memref<1x128x128xf32, #tpu.memory_space<vmem>> -> memref<128x128xf32, #tpu.memory_space<vmem>>
    tpu.enqueue_dma source(%dma_start3A_98 : memref<128x128xf32, #tpu.memory_space<vmem>>) target(%dma_start3A_94 : memref<128x128xf32, #tpu.memory_space<hbm>>) target_semaphore(%dma_start3A_92 : memref<!tpu.dma_semaphore, #tpu.memory_space<semaphore_mem>>)
    %dma_wait3A_99 = arith.constant 37 : i32
    %dma_wait3A_100 = arith.constant 1 : i32
    %dma_wait3A_101 = arith.constant 1 : i32
    %dma_wait3A_102 = arith.constant 0 : i32
    %dma_wait3A_103 = arith.constant 0 : i32
    %dma_wait3A_104 = tpu.memref_slice %arg6[%dma_wait3A_100, %dma_wait3A_102, %dma_wait3A_103] : memref<4x128x128xf32, #tpu.memory_space<vmem>> -> memref<1x128x128xf32, #tpu.memory_space<vmem>>
    %dma_wait3A_105 = tpu.memref_squeeze %dma_wait3A_104 : memref<1x128x128xf32, #tpu.memory_space<vmem>> -> memref<128x128xf32, #tpu.memory_space<vmem>>
    %dma_wait3A_106 = arith.constant 0 : i32
    %dma_wait3A_107 = tpu.memref_slice %arg5[%dma_wait3A_99, %dma_wait3A_106] : memref<40x128xi32, #tpu.memory_space<vmem>> -> memref<1x128xi32, #tpu.memory_space<vmem>>
    %dma_wait3A_108 = tpu.memref_squeeze %dma_wait3A_107 : memref<1x128xi32, #tpu.memory_space<vmem>> -> memref<128xi32, #tpu.memory_space<vmem>>
    %dma_wait3A_109 = arith.constant 0 : i32
    %dma_wait3A_110 = arith.constant 0 : i32
    %dma_wait3A_111 = tpu.memref_slice %arg3[%dma_wait3A_109, %dma_wait3A_110] : memref<20000x128xf32, #tpu.memory_space<hbm>> -> memref<20000x128xf32, #tpu.memory_space<hbm>>
    %dma_wait3A_112 = tpu.memref_slice %arg7[%dma_wait3A_101] : memref<4x!tpu.dma_semaphore, #tpu.memory_space<semaphore_mem>> -> memref<1x!tpu.dma_semaphore, #tpu.memory_space<semaphore_mem>>
    %dma_wait3A_113 = tpu.memref_squeeze %dma_wait3A_112 : memref<1x!tpu.dma_semaphore, #tpu.memory_space<semaphore_mem>> -> memref<!tpu.dma_semaphore, #tpu.memory_space<semaphore_mem>>
    tpu.wait_indirect_dma semaphore(%dma_wait3A_113 : memref<!tpu.dma_semaphore, #tpu.memory_space<semaphore_mem>>) src(%dma_wait3A_111 : memref<20000x128xf32, #tpu.memory_space<hbm>>) dst(%dma_wait3A_105 : memref<128x128xf32, #tpu.memory_space<vmem>>)
    %add3A_114 = arith.constant 4736 : i32
    %add3A_115 = arith.addi %mul3A_2, %add3A_114 : i32
    %dma_start3A_116 = arith.constant 1 : i32
    %dma_start3A_117 = arith.constant 1 : i32
    %dma_start3A_118 = arith.constant 0 : i32
    %dma_start3A_119 = arith.constant 0 : i32
    %dma_start3A_120 = tpu.memref_slice %arg6[%dma_start3A_116, %dma_start3A_118, %dma_start3A_119] : memref<4x128x128xf32, #tpu.memory_space<vmem>> -> memref<1x128x128xf32, #tpu.memory_space<vmem>>
    %dma_start3A_121 = tpu.memref_squeeze %dma_start3A_120 : memref<1x128x128xf32, #tpu.memory_space<vmem>> -> memref<128x128xf32, #tpu.memory_space<vmem>>
    %dma_start3A_122 = arith.constant 0 : i32
    %dma_start3A_123 = tpu.memref_slice %arg4[%add3A_115, %dma_start3A_122] : memref<163840x128xf32, #tpu.memory_space<hbm>> -> memref<128x128xf32, #tpu.memory_space<hbm>>
    %dma_start3A_124 = tpu.memref_slice %arg8[%dma_start3A_117] : memref<4x!tpu.dma_semaphore, #tpu.memory_space<semaphore_mem>> -> memref<1x!tpu.dma_semaphore, #tpu.memory_space<semaphore_mem>>
    %dma_start3A_125 = tpu.memref_squeeze %dma_start3A_124 : memref<1x!tpu.dma_semaphore, #tpu.memory_space<semaphore_mem>> -> memref<!tpu.dma_semaphore, #tpu.memory_space<semaphore_mem>>
    %dma_start3A_126 = arith.constant 0 : i32
    %dma_start3A_127 = tpu.memref_slice %arg4[%add3A_115, %dma_start3A_126] : memref<163840x128xf32, #tpu.memory_space<hbm>> -> memref<128x128xf32, #tpu.memory_space<hbm>>
    %dma_start3A_128 = arith.constant 0 : i32
    %dma_start3A_129 = arith.constant 0 : i32
    %dma_start3A_130 = tpu.memref_slice %arg6[%dma_start3A_116, %dma_start3A_128, %dma_start3A_129] : memref<4x128x128xf32, #tpu.memory_space<vmem>> -> memref<1x128x128xf32, #tpu.memory_space<vmem>>
    %dma_start3A_131 = tpu.memref_squeeze %dma_start3A_130 : memref<1x128x128xf32, #tpu.memory_space<vmem>> -> memref<128x128xf32, #tpu.memory_space<vmem>>
    tpu.enqueue_dma source(%dma_start3A_131 : memref<128x128xf32, #tpu.memory_space<vmem>>) target(%dma_start3A_127 : memref<128x128xf32, #tpu.memory_space<hbm>>) target_semaphore(%dma_start3A_125 : memref<!tpu.dma_semaphore, #tpu.memory_space<semaphore_mem>>)
    %dma_wait3A_132 = arith.constant 38 : i32
    %dma_wait3A_133 = arith.constant 2 : i32
    %dma_wait3A_134 = arith.constant 2 : i32
    %dma_wait3A_135 = arith.constant 0 : i32
    %dma_wait3A_136 = arith.constant 0 : i32
    %dma_wait3A_137 = tpu.memref_slice %arg6[%dma_wait3A_133, %dma_wait3A_135, %dma_wait3A_136] : memref<4x128x128xf32, #tpu.memory_space<vmem>> -> memref<1x128x128xf32, #tpu.memory_space<vmem>>
    %dma_wait3A_138 = tpu.memref_squeeze %dma_wait3A_137 : memref<1x128x128xf32, #tpu.memory_space<vmem>> -> memref<128x128xf32, #tpu.memory_space<vmem>>
    %dma_wait3A_139 = arith.constant 0 : i32
    %dma_wait3A_140 = tpu.memref_slice %arg5[%dma_wait3A_132, %dma_wait3A_139] : memref<40x128xi32, #tpu.memory_space<vmem>> -> memref<1x128xi32, #tpu.memory_space<vmem>>
    %dma_wait3A_141 = tpu.memref_squeeze %dma_wait3A_140 : memref<1x128xi32, #tpu.memory_space<vmem>> -> memref<128xi32, #tpu.memory_space<vmem>>
    %dma_wait3A_142 = arith.constant 0 : i32
    %dma_wait3A_143 = arith.constant 0 : i32
    %dma_wait3A_144 = tpu.memref_slice %arg3[%dma_wait3A_142, %dma_wait3A_143] : memref<20000x128xf32, #tpu.memory_space<hbm>> -> memref<20000x128xf32, #tpu.memory_space<hbm>>
    %dma_wait3A_145 = tpu.memref_slice %arg7[%dma_wait3A_134] : memref<4x!tpu.dma_semaphore, #tpu.memory_space<semaphore_mem>> -> memref<1x!tpu.dma_semaphore, #tpu.memory_space<semaphore_mem>>
    %dma_wait3A_146 = tpu.memref_squeeze %dma_wait3A_145 : memref<1x!tpu.dma_semaphore, #tpu.memory_space<semaphore_mem>> -> memref<!tpu.dma_semaphore, #tpu.memory_space<semaphore_mem>>
    tpu.wait_indirect_dma semaphore(%dma_wait3A_146 : memref<!tpu.dma_semaphore, #tpu.memory_space<semaphore_mem>>) src(%dma_wait3A_144 : memref<20000x128xf32, #tpu.memory_space<hbm>>) dst(%dma_wait3A_138 : memref<128x128xf32, #tpu.memory_space<vmem>>)
    %add3A_147 = arith.constant 4864 : i32
    %add3A_148 = arith.addi %mul3A_2, %add3A_147 : i32
    %dma_start3A_149 = arith.constant 2 : i32
    %dma_start3A_150 = arith.constant 2 : i32
    %dma_start3A_151 = arith.constant 0 : i32
    %dma_start3A_152 = arith.constant 0 : i32
    %dma_start3A_153 = tpu.memref_slice %arg6[%dma_start3A_149, %dma_start3A_151, %dma_start3A_152] : memref<4x128x128xf32, #tpu.memory_space<vmem>> -> memref<1x128x128xf32, #tpu.memory_space<vmem>>
    %dma_start3A_154 = tpu.memref_squeeze %dma_start3A_153 : memref<1x128x128xf32, #tpu.memory_space<vmem>> -> memref<128x128xf32, #tpu.memory_space<vmem>>
    %dma_start3A_155 = arith.constant 0 : i32
    %dma_start3A_156 = tpu.memref_slice %arg4[%add3A_148, %dma_start3A_155] : memref<163840x128xf32, #tpu.memory_space<hbm>> -> memref<128x128xf32, #tpu.memory_space<hbm>>
    %dma_start3A_157 = tpu.memref_slice %arg8[%dma_start3A_150] : memref<4x!tpu.dma_semaphore, #tpu.memory_space<semaphore_mem>> -> memref<1x!tpu.dma_semaphore, #tpu.memory_space<semaphore_mem>>
    %dma_start3A_158 = tpu.memref_squeeze %dma_start3A_157 : memref<1x!tpu.dma_semaphore, #tpu.memory_space<semaphore_mem>> -> memref<!tpu.dma_semaphore, #tpu.memory_space<semaphore_mem>>
    %dma_start3A_159 = arith.constant 0 : i32
    %dma_start3A_160 = tpu.memref_slice %arg4[%add3A_148, %dma_start3A_159] : memref<163840x128xf32, #tpu.memory_space<hbm>> -> memref<128x128xf32, #tpu.memory_space<hbm>>
    %dma_start3A_161 = arith.constant 0 : i32
    %dma_start3A_162 = arith.constant 0 : i32
    %dma_start3A_163 = tpu.memref_slice %arg6[%dma_start3A_149, %dma_start3A_161, %dma_start3A_162] : memref<4x128x128xf32, #tpu.memory_space<vmem>> -> memref<1x128x128xf32, #tpu.memory_space<vmem>>
    %dma_start3A_164 = tpu.memref_squeeze %dma_start3A_163 : memref<1x128x128xf32, #tpu.memory_space<vmem>> -> memref<128x128xf32, #tpu.memory_space<vmem>>
    tpu.enqueue_dma source(%dma_start3A_164 : memref<128x128xf32, #tpu.memory_space<vmem>>) target(%dma_start3A_160 : memref<128x128xf32, #tpu.memory_space<hbm>>) target_semaphore(%dma_start3A_158 : memref<!tpu.dma_semaphore, #tpu.memory_space<semaphore_mem>>)
    %dma_wait3A_165 = arith.constant 39 : i32
    %dma_wait3A_166 = arith.constant 3 : i32
    %dma_wait3A_167 = arith.constant 3 : i32
    %dma_wait3A_168 = arith.constant 0 : i32
    %dma_wait3A_169 = arith.constant 0 : i32
    %dma_wait3A_170 = tpu.memref_slice %arg6[%dma_wait3A_166, %dma_wait3A_168, %dma_wait3A_169] : memref<4x128x128xf32, #tpu.memory_space<vmem>> -> memref<1x128x128xf32, #tpu.memory_space<vmem>>
    %dma_wait3A_171 = tpu.memref_squeeze %dma_wait3A_170 : memref<1x128x128xf32, #tpu.memory_space<vmem>> -> memref<128x128xf32, #tpu.memory_space<vmem>>
    %dma_wait3A_172 = arith.constant 0 : i32
    %dma_wait3A_173 = tpu.memref_slice %arg5[%dma_wait3A_165, %dma_wait3A_172] : memref<40x128xi32, #tpu.memory_space<vmem>> -> memref<1x128xi32, #tpu.memory_space<vmem>>
    %dma_wait3A_174 = tpu.memref_squeeze %dma_wait3A_173 : memref<1x128xi32, #tpu.memory_space<vmem>> -> memref<128xi32, #tpu.memory_space<vmem>>
    %dma_wait3A_175 = arith.constant 0 : i32
    %dma_wait3A_176 = arith.constant 0 : i32
    %dma_wait3A_177 = tpu.memref_slice %arg3[%dma_wait3A_175, %dma_wait3A_176] : memref<20000x128xf32, #tpu.memory_space<hbm>> -> memref<20000x128xf32, #tpu.memory_space<hbm>>
    %dma_wait3A_178 = tpu.memref_slice %arg7[%dma_wait3A_167] : memref<4x!tpu.dma_semaphore, #tpu.memory_space<semaphore_mem>> -> memref<1x!tpu.dma_semaphore, #tpu.memory_space<semaphore_mem>>
    %dma_wait3A_179 = tpu.memref_squeeze %dma_wait3A_178 : memref<1x!tpu.dma_semaphore, #tpu.memory_space<semaphore_mem>> -> memref<!tpu.dma_semaphore, #tpu.memory_space<semaphore_mem>>
    tpu.wait_indirect_dma semaphore(%dma_wait3A_179 : memref<!tpu.dma_semaphore, #tpu.memory_space<semaphore_mem>>) src(%dma_wait3A_177 : memref<20000x128xf32, #tpu.memory_space<hbm>>) dst(%dma_wait3A_171 : memref<128x128xf32, #tpu.memory_space<vmem>>)
    %add3A_180 = arith.constant 4992 : i32
    %add3A_181 = arith.addi %mul3A_2, %add3A_180 : i32
    %dma_start3A_182 = arith.constant 3 : i32
    %dma_start3A_183 = arith.constant 3 : i32
    %dma_start3A_184 = arith.constant 0 : i32
    %dma_start3A_185 = arith.constant 0 : i32
    %dma_start3A_186 = tpu.memref_slice %arg6[%dma_start3A_182, %dma_start3A_184, %dma_start3A_185] : memref<4x128x128xf32, #tpu.memory_space<vmem>> -> memref<1x128x128xf32, #tpu.memory_space<vmem>>
    %dma_start3A_187 = tpu.memref_squeeze %dma_start3A_186 : memref<1x128x128xf32, #tpu.memory_space<vmem>> -> memref<128x128xf32, #tpu.memory_space<vmem>>
    %dma_start3A_188 = arith.constant 0 : i32
    %dma_start3A_189 = tpu.memref_slice %arg4[%add3A_181, %dma_start3A_188] : memref<163840x128xf32, #tpu.memory_space<hbm>> -> memref<128x128xf32, #tpu.memory_space<hbm>>
    %dma_start3A_190 = tpu.memref_slice %arg8[%dma_start3A_183] : memref<4x!tpu.dma_semaphore, #tpu.memory_space<semaphore_mem>> -> memref<1x!tpu.dma_semaphore, #tpu.memory_space<semaphore_mem>>
    %dma_start3A_191 = tpu.memref_squeeze %dma_start3A_190 : memref<1x!tpu.dma_semaphore, #tpu.memory_space<semaphore_mem>> -> memref<!tpu.dma_semaphore, #tpu.memory_space<semaphore_mem>>
    %dma_start3A_192 = arith.constant 0 : i32
    %dma_start3A_193 = tpu.memref_slice %arg4[%add3A_181, %dma_start3A_192] : memref<163840x128xf32, #tpu.memory_space<hbm>> -> memref<128x128xf32, #tpu.memory_space<hbm>>
    %dma_start3A_194 = arith.constant 0 : i32
    %dma_start3A_195 = arith.constant 0 : i32
    %dma_start3A_196 = tpu.memref_slice %arg6[%dma_start3A_182, %dma_start3A_194, %dma_start3A_195] : memref<4x128x128xf32, #tpu.memory_space<vmem>> -> memref<1x128x128xf32, #tpu.memory_space<vmem>>
    %dma_start3A_197 = tpu.memref_squeeze %dma_start3A_196 : memref<1x128x128xf32, #tpu.memory_space<vmem>> -> memref<128x128xf32, #tpu.memory_space<vmem>>
    tpu.enqueue_dma source(%dma_start3A_197 : memref<128x128xf32, #tpu.memory_space<vmem>>) target(%dma_start3A_193 : memref<128x128xf32, #tpu.memory_space<hbm>>) target_semaphore(%dma_start3A_191 : memref<!tpu.dma_semaphore, #tpu.memory_space<semaphore_mem>>)
    %add3A_198 = arith.constant 4608 : i32
    %add3A_199 = arith.addi %mul3A_2, %add3A_198 : i32
    %dma_wait3A_200 = arith.constant 0 : i32
    %dma_wait3A_201 = arith.constant 0 : i32
    %dma_wait3A_202 = arith.constant 0 : i32
    %dma_wait3A_203 = arith.constant 0 : i32
    %dma_wait3A_204 = tpu.memref_slice %arg6[%dma_wait3A_200, %dma_wait3A_202, %dma_wait3A_203] : memref<4x128x128xf32, #tpu.memory_space<vmem>> -> memref<1x128x128xf32, #tpu.memory_space<vmem>>
    %dma_wait3A_205 = tpu.memref_squeeze %dma_wait3A_204 : memref<1x128x128xf32, #tpu.memory_space<vmem>> -> memref<128x128xf32, #tpu.memory_space<vmem>>
    %dma_wait3A_206 = arith.constant 0 : i32
    %dma_wait3A_207 = tpu.memref_slice %arg4[%add3A_199, %dma_wait3A_206] : memref<163840x128xf32, #tpu.memory_space<hbm>> -> memref<128x128xf32, #tpu.memory_space<hbm>>
    %dma_wait3A_208 = tpu.memref_slice %arg8[%dma_wait3A_201] : memref<4x!tpu.dma_semaphore, #tpu.memory_space<semaphore_mem>> -> memref<1x!tpu.dma_semaphore, #tpu.memory_space<semaphore_mem>>
    %dma_wait3A_209 = tpu.memref_squeeze %dma_wait3A_208 : memref<1x!tpu.dma_semaphore, #tpu.memory_space<semaphore_mem>> -> memref<!tpu.dma_semaphore, #tpu.memory_space<semaphore_mem>>
    %dma_wait3A_210 = arith.constant 0 : i32
    %dma_wait3A_211 = tpu.memref_slice %arg4[%add3A_199, %dma_wait3A_210] : memref<163840x128xf32, #tpu.memory_space<hbm>> -> memref<128x128xf32, #tpu.memory_space<hbm>>
    %dma_wait3A_212 = arith.constant 0 : i32
    %dma_wait3A_213 = arith.constant 0 : i32
    %dma_wait3A_214 = tpu.memref_slice %arg6[%dma_wait3A_200, %dma_wait3A_212, %dma_wait3A_213] : memref<4x128x128xf32, #tpu.memory_space<vmem>> -> memref<1x128x128xf32, #tpu.memory_space<vmem>>
    %dma_wait3A_215 = tpu.memref_squeeze %dma_wait3A_214 : memref<1x128x128xf32, #tpu.memory_space<vmem>> -> memref<128x128xf32, #tpu.memory_space<vmem>>
    tpu.wait_dma2 semaphore(%dma_wait3A_209 : memref<!tpu.dma_semaphore, #tpu.memory_space<semaphore_mem>>) src(%dma_wait3A_215 : memref<128x128xf32, #tpu.memory_space<vmem>>) dst(%dma_wait3A_211 : memref<128x128xf32, #tpu.memory_space<hbm>>)
    %add3A_216 = arith.constant 4736 : i32
    %add3A_217 = arith.addi %mul3A_2, %add3A_216 : i32
    %dma_wait3A_218 = arith.constant 1 : i32
    %dma_wait3A_219 = arith.constant 1 : i32
    %dma_wait3A_220 = arith.constant 0 : i32
    %dma_wait3A_221 = arith.constant 0 : i32
    %dma_wait3A_222 = tpu.memref_slice %arg6[%dma_wait3A_218, %dma_wait3A_220, %dma_wait3A_221] : memref<4x128x128xf32, #tpu.memory_space<vmem>> -> memref<1x128x128xf32, #tpu.memory_space<vmem>>
    %dma_wait3A_223 = tpu.memref_squeeze %dma_wait3A_222 : memref<1x128x128xf32, #tpu.memory_space<vmem>> -> memref<128x128xf32, #tpu.memory_space<vmem>>
    %dma_wait3A_224 = arith.constant 0 : i32
    %dma_wait3A_225 = tpu.memref_slice %arg4[%add3A_217, %dma_wait3A_224] : memref<163840x128xf32, #tpu.memory_space<hbm>> -> memref<128x128xf32, #tpu.memory_space<hbm>>
    %dma_wait3A_226 = tpu.memref_slice %arg8[%dma_wait3A_219] : memref<4x!tpu.dma_semaphore, #tpu.memory_space<semaphore_mem>> -> memref<1x!tpu.dma_semaphore, #tpu.memory_space<semaphore_mem>>
    %dma_wait3A_227 = tpu.memref_squeeze %dma_wait3A_226 : memref<1x!tpu.dma_semaphore, #tpu.memory_space<semaphore_mem>> -> memref<!tpu.dma_semaphore, #tpu.memory_space<semaphore_mem>>
    %dma_wait3A_228 = arith.constant 0 : i32
    %dma_wait3A_229 = tpu.memref_slice %arg4[%add3A_217, %dma_wait3A_228] : memref<163840x128xf32, #tpu.memory_space<hbm>> -> memref<128x128xf32, #tpu.memory_space<hbm>>
    %dma_wait3A_230 = arith.constant 0 : i32
    %dma_wait3A_231 = arith.constant 0 : i32
    %dma_wait3A_232 = tpu.memref_slice %arg6[%dma_wait3A_218, %dma_wait3A_230, %dma_wait3A_231] : memref<4x128x128xf32, #tpu.memory_space<vmem>> -> memref<1x128x128xf32, #tpu.memory_space<vmem>>
    %dma_wait3A_233 = tpu.memref_squeeze %dma_wait3A_232 : memref<1x128x128xf32, #tpu.memory_space<vmem>> -> memref<128x128xf32, #tpu.memory_space<vmem>>
    tpu.wait_dma2 semaphore(%dma_wait3A_227 : memref<!tpu.dma_semaphore, #tpu.memory_space<semaphore_mem>>) src(%dma_wait3A_233 : memref<128x128xf32, #tpu.memory_space<vmem>>) dst(%dma_wait3A_229 : memref<128x128xf32, #tpu.memory_space<hbm>>)
    %add3A_234 = arith.constant 4864 : i32
    %add3A_235 = arith.addi %mul3A_2, %add3A_234 : i32
    %dma_wait3A_236 = arith.constant 2 : i32
    %dma_wait3A_237 = arith.constant 2 : i32
    %dma_wait3A_238 = arith.constant 0 : i32
    %dma_wait3A_239 = arith.constant 0 : i32
    %dma_wait3A_240 = tpu.memref_slice %arg6[%dma_wait3A_236, %dma_wait3A_238, %dma_wait3A_239] : memref<4x128x128xf32, #tpu.memory_space<vmem>> -> memref<1x128x128xf32, #tpu.memory_space<vmem>>
    %dma_wait3A_241 = tpu.memref_squeeze %dma_wait3A_240 : memref<1x128x128xf32, #tpu.memory_space<vmem>> -> memref<128x128xf32, #tpu.memory_space<vmem>>
    %dma_wait3A_242 = arith.constant 0 : i32
    %dma_wait3A_243 = tpu.memref_slice %arg4[%add3A_235, %dma_wait3A_242] : memref<163840x128xf32, #tpu.memory_space<hbm>> -> memref<128x128xf32, #tpu.memory_space<hbm>>
    %dma_wait3A_244 = tpu.memref_slice %arg8[%dma_wait3A_237] : memref<4x!tpu.dma_semaphore, #tpu.memory_space<semaphore_mem>> -> memref<1x!tpu.dma_semaphore, #tpu.memory_space<semaphore_mem>>
    %dma_wait3A_245 = tpu.memref_squeeze %dma_wait3A_244 : memref<1x!tpu.dma_semaphore, #tpu.memory_space<semaphore_mem>> -> memref<!tpu.dma_semaphore, #tpu.memory_space<semaphore_mem>>
    %dma_wait3A_246 = arith.constant 0 : i32
    %dma_wait3A_247 = tpu.memref_slice %arg4[%add3A_235, %dma_wait3A_246] : memref<163840x128xf32, #tpu.memory_space<hbm>> -> memref<128x128xf32, #tpu.memory_space<hbm>>
    %dma_wait3A_248 = arith.constant 0 : i32
    %dma_wait3A_249 = arith.constant 0 : i32
    %dma_wait3A_250 = tpu.memref_slice %arg6[%dma_wait3A_236, %dma_wait3A_248, %dma_wait3A_249] : memref<4x128x128xf32, #tpu.memory_space<vmem>> -> memref<1x128x128xf32, #tpu.memory_space<vmem>>
    %dma_wait3A_251 = tpu.memref_squeeze %dma_wait3A_250 : memref<1x128x128xf32, #tpu.memory_space<vmem>> -> memref<128x128xf32, #tpu.memory_space<vmem>>
    tpu.wait_dma2 semaphore(%dma_wait3A_245 : memref<!tpu.dma_semaphore, #tpu.memory_space<semaphore_mem>>) src(%dma_wait3A_251 : memref<128x128xf32, #tpu.memory_space<vmem>>) dst(%dma_wait3A_247 : memref<128x128xf32, #tpu.memory_space<hbm>>)
    %add3A_252 = arith.constant 4992 : i32
    %add3A_253 = arith.addi %mul3A_2, %add3A_252 : i32
    %dma_wait3A_254 = arith.constant 3 : i32
    %dma_wait3A_255 = arith.constant 3 : i32
    %dma_wait3A_256 = arith.constant 0 : i32
    %dma_wait3A_257 = arith.constant 0 : i32
    %dma_wait3A_258 = tpu.memref_slice %arg6[%dma_wait3A_254, %dma_wait3A_256, %dma_wait3A_257] : memref<4x128x128xf32, #tpu.memory_space<vmem>> -> memref<1x128x128xf32, #tpu.memory_space<vmem>>
    %dma_wait3A_259 = tpu.memref_squeeze %dma_wait3A_258 : memref<1x128x128xf32, #tpu.memory_space<vmem>> -> memref<128x128xf32, #tpu.memory_space<vmem>>
    %dma_wait3A_260 = arith.constant 0 : i32
    %dma_wait3A_261 = tpu.memref_slice %arg4[%add3A_253, %dma_wait3A_260] : memref<163840x128xf32, #tpu.memory_space<hbm>> -> memref<128x128xf32, #tpu.memory_space<hbm>>
    %dma_wait3A_262 = tpu.memref_slice %arg8[%dma_wait3A_255] : memref<4x!tpu.dma_semaphore, #tpu.memory_space<semaphore_mem>> -> memref<1x!tpu.dma_semaphore, #tpu.memory_space<semaphore_mem>>
    %dma_wait3A_263 = tpu.memref_squeeze %dma_wait3A_262 : memref<1x!tpu.dma_semaphore, #tpu.memory_space<semaphore_mem>> -> memref<!tpu.dma_semaphore, #tpu.memory_space<semaphore_mem>>
    %dma_wait3A_264 = arith.constant 0 : i32
    %dma_wait3A_265 = tpu.memref_slice %arg4[%add3A_253, %dma_wait3A_264] : memref<163840x128xf32, #tpu.memory_space<hbm>> -> memref<128x128xf32, #tpu.memory_space<hbm>>
    %dma_wait3A_266 = arith.constant 0 : i32
    %dma_wait3A_267 = arith.constant 0 : i32
    %dma_wait3A_268 = tpu.memref_slice %arg6[%dma_wait3A_254, %dma_wait3A_266, %dma_wait3A_267] : memref<4x128x128xf32, #tpu.memory_space<vmem>> -> memref<1x128x128xf32, #tpu.memory_space<vmem>>
    %dma_wait3A_269 = tpu.memref_squeeze %dma_wait3A_268 : memref<1x128x128xf32, #tpu.memory_space<vmem>> -> memref<128x128xf32, #tpu.memory_space<vmem>>
    tpu.wait_dma2 semaphore(%dma_wait3A_263 : memref<!tpu.dma_semaphore, #tpu.memory_space<semaphore_mem>>) src(%dma_wait3A_269 : memref<128x128xf32, #tpu.memory_space<vmem>>) dst(%dma_wait3A_265 : memref<128x128xf32, #tpu.memory_space<hbm>>)
    return
  }
}

#map = affine_map<(d0, d1) -> (0, 0, 0)>
#map1 = affine_map<(d0, d1) -> (0, 0)>
module attributes {stable_mosaic.version = 14 : i64} {
  func.func @_gather_body(%arg0: i32, %arg1: i32, %arg2: memref<32x40x128xi32, #tpu.memory_space<hbm>>, %arg3: memref<20000x128xf32, #tpu.memory_space<hbm>>, %arg4: memref<163840x128xf32, #tpu.memory_space<hbm>>, %arg5: memref<40x128xi32, #tpu.memory_space<vmem>>, %arg6: memref<4x128x128xf32, #tpu.memory_space<vmem>>, %arg7: memref<4x!tpu.dma_semaphore, #tpu.memory_space<semaphore_mem>>, %arg8: memref<4x!tpu.dma_semaphore, #tpu.memory_space<semaphore_mem>>) attributes {dimension_semantics = [#tpu.dimension_semantics<core_parallel>, #tpu.dimension_semantics<subcore_parallel>], iteration_bounds = array<i64: 2, 16>, scalar_prefetch = 0 : i64, scratch_operands = 4 : i64, tpu.core_type = #tpu.core_type<sc_vector_subcore>, window_params = [{transform_indices = #map}, {transform_indices = #map1}, {transform_indices = #map1}]} {
    %mul3A = arith.constant 2 : i32
    %mul3A_0 = arith.muli %arg1, %mul3A : i32
    %add3A = arith.addi %mul3A_0, %arg0 : i32
    %mul3A_1 = arith.constant 5120 : i32
    %mul3A_2 = arith.muli %add3A, %mul3A_1 : i32
    "tpu.region"() ({
      %run_scoped3A = tpu.sem_alloc : memref<!tpu.dma_semaphore, #tpu.memory_space<semaphore_mem>>
      %dma_start3A_270 = arith.constant 0 : i32
      %dma_start3A_271 = arith.constant 0 : i32
      %dma_start3A_272 = tpu.memref_slice %arg2[%add3A, %dma_start3A_270, %dma_start3A_271] : memref<32x40x128xi32, #tpu.memory_space<hbm>> -> memref<1x40x128xi32, #tpu.memory_space<hbm>>
      %dma_start3A_273 = tpu.memref_squeeze %dma_start3A_272 : memref<1x40x128xi32, #tpu.memory_space<hbm>> -> memref<40x128xi32, #tpu.memory_space<hbm>>
      %dma_start3A_274 = arith.constant 0 : i32
      %dma_start3A_275 = arith.constant 0 : i32
      %dma_start3A_276 = tpu.memref_slice %arg2[%add3A, %dma_start3A_274, %dma_start3A_275] : memref<32x40x128xi32, #tpu.memory_space<hbm>> -> memref<1x40x128xi32, #tpu.memory_space<hbm>>
      %dma_start3A_277 = tpu.memref_squeeze %dma_start3A_276 : memref<1x40x128xi32, #tpu.memory_space<hbm>> -> memref<40x128xi32, #tpu.memory_space<hbm>>
      tpu.enqueue_dma source(%dma_start3A_277 : memref<40x128xi32, #tpu.memory_space<hbm>>) target(%arg5 : memref<40x128xi32, #tpu.memory_space<vmem>>) target_semaphore(%run_scoped3A : memref<!tpu.dma_semaphore, #tpu.memory_space<semaphore_mem>>)
      %dma_wait3A_278 = arith.constant 0 : i32
      %dma_wait3A_279 = arith.constant 0 : i32
      %dma_wait3A_280 = tpu.memref_slice %arg2[%add3A, %dma_wait3A_278, %dma_wait3A_279] : memref<32x40x128xi32, #tpu.memory_space<hbm>> -> memref<1x40x128xi32, #tpu.memory_space<hbm>>
      %dma_wait3A_281 = tpu.memref_squeeze %dma_wait3A_280 : memref<1x40x128xi32, #tpu.memory_space<hbm>> -> memref<40x128xi32, #tpu.memory_space<hbm>>
      %dma_wait3A_282 = arith.constant 0 : i32
      %dma_wait3A_283 = arith.constant 0 : i32
      %dma_wait3A_284 = tpu.memref_slice %arg2[%add3A, %dma_wait3A_282, %dma_wait3A_283] : memref<32x40x128xi32, #tpu.memory_space<hbm>> -> memref<1x40x128xi32, #tpu.memory_space<hbm>>
      %dma_wait3A_285 = tpu.memref_squeeze %dma_wait3A_284 : memref<1x40x128xi32, #tpu.memory_space<hbm>> -> memref<40x128xi32, #tpu.memory_space<hbm>>
      tpu.wait_dma2 semaphore(%run_scoped3A : memref<!tpu.dma_semaphore, #tpu.memory_space<semaphore_mem>>) src(%dma_wait3A_285 : memref<40x128xi32, #tpu.memory_space<hbm>>) dst(%arg5 : memref<40x128xi32, #tpu.memory_space<vmem>>)
      tpu.yield
    }) : () -> ()
    %dma_start3A = arith.constant 0 : i32
    %dma_start3A_3 = arith.constant 0 : i32
    %dma_start3A_4 = arith.constant 0 : i32
    %dma_start3A_5 = arith.constant 0 : i32
    %dma_start3A_6 = arith.constant 0 : i32
    %dma_start3A_7 = tpu.memref_slice %arg6[%dma_start3A_3, %dma_start3A_5, %dma_start3A_6] : memref<4x128x128xf32, #tpu.memory_space<vmem>> -> memref<1x128x128xf32, #tpu.memory_space<vmem>>
    %dma_start3A_8 = tpu.memref_squeeze %dma_start3A_7 : memref<1x128x128xf32, #tpu.memory_space<vmem>> -> memref<128x128xf32, #tpu.memory_space<vmem>>
    %dma_start3A_9 = arith.constant 0 : i32
    %dma_start3A_10 = tpu.memref_slice %arg5[%dma_start3A, %dma_start3A_9] : memref<40x128xi32, #tpu.memory_space<vmem>> -> memref<1x128xi32, #tpu.memory_space<vmem>>
    %dma_start3A_11 = tpu.memref_squeeze %dma_start3A_10 : memref<1x128xi32, #tpu.memory_space<vmem>> -> memref<128xi32, #tpu.memory_space<vmem>>
    %dma_start3A_12 = arith.constant 0 : i32
    %dma_start3A_13 = arith.constant 0 : i32
    %dma_start3A_14 = tpu.memref_slice %arg3[%dma_start3A_12, %dma_start3A_13] : memref<20000x128xf32, #tpu.memory_space<hbm>> -> memref<20000x128xf32, #tpu.memory_space<hbm>>
    %dma_start3A_15 = tpu.memref_slice %arg7[%dma_start3A_4] : memref<4x!tpu.dma_semaphore, #tpu.memory_space<semaphore_mem>> -> memref<1x!tpu.dma_semaphore, #tpu.memory_space<semaphore_mem>>
    %dma_start3A_16 = tpu.memref_squeeze %dma_start3A_15 : memref<1x!tpu.dma_semaphore, #tpu.memory_space<semaphore_mem>> -> memref<!tpu.dma_semaphore, #tpu.memory_space<semaphore_mem>>
    tpu.enqueue_indirect_dma source(%dma_start3A_14 : memref<20000x128xf32, #tpu.memory_space<hbm>>) target(%dma_start3A_8 : memref<128x128xf32, #tpu.memory_space<vmem>>) offsets(%dma_start3A_11 : memref<128xi32, #tpu.memory_space<vmem>>) semaphore(%dma_start3A_16 : memref<!tpu.dma_semaphore, #tpu.memory_space<semaphore_mem>>)
    %dma_start3A_17 = arith.constant 1 : i32
    %dma_start3A_18 = arith.constant 1 : i32
    %dma_start3A_19 = arith.constant 1 : i32
    %dma_start3A_20 = arith.constant 0 : i32
    %dma_start3A_21 = arith.constant 0 : i32
    %dma_start3A_22 = tpu.memref_slice %arg6[%dma_start3A_18, %dma_start3A_20, %dma_start3A_21] : memref<4x128x128xf32, #tpu.memory_space<vmem>> -> memref<1x128x128xf32, #tpu.memory_space<vmem>>
    %dma_start3A_23 = tpu.memref_squeeze %dma_start3A_22 : memref<1x128x128xf32, #tpu.memory_space<vmem>> -> memref<128x128xf32, #tpu.memory_space<vmem>>
    %dma_start3A_24 = arith.constant 0 : i32
    %dma_start3A_25 = tpu.memref_slice %arg5[%dma_start3A_17, %dma_start3A_24] : memref<40x128xi32, #tpu.memory_space<vmem>> -> memref<1x128xi32, #tpu.memory_space<vmem>>
    %dma_start3A_26 = tpu.memref_squeeze %dma_start3A_25 : memref<1x128xi32, #tpu.memory_space<vmem>> -> memref<128xi32, #tpu.memory_space<vmem>>
    %dma_start3A_27 = arith.constant 0 : i32
    %dma_start3A_28 = arith.constant 0 : i32
    %dma_start3A_29 = tpu.memref_slice %arg3[%dma_start3A_27, %dma_start3A_28] : memref<20000x128xf32, #tpu.memory_space<hbm>> -> memref<20000x128xf32, #tpu.memory_space<hbm>>
    %dma_start3A_30 = tpu.memref_slice %arg7[%dma_start3A_19] : memref<4x!tpu.dma_semaphore, #tpu.memory_space<semaphore_mem>> -> memref<1x!tpu.dma_semaphore, #tpu.memory_space<semaphore_mem>>
    %dma_start3A_31 = tpu.memref_squeeze %dma_start3A_30 : memref<1x!tpu.dma_semaphore, #tpu.memory_space<semaphore_mem>> -> memref<!tpu.dma_semaphore, #tpu.memory_space<semaphore_mem>>
    tpu.enqueue_indirect_dma source(%dma_start3A_29 : memref<20000x128xf32, #tpu.memory_space<hbm>>) target(%dma_start3A_23 : memref<128x128xf32, #tpu.memory_space<vmem>>) offsets(%dma_start3A_26 : memref<128xi32, #tpu.memory_space<vmem>>) semaphore(%dma_start3A_31 : memref<!tpu.dma_semaphore, #tpu.memory_space<semaphore_mem>>)
    %dma_start3A_32 = arith.constant 2 : i32
    %dma_start3A_33 = arith.constant 2 : i32
    %dma_start3A_34 = arith.constant 2 : i32
    %dma_start3A_35 = arith.constant 0 : i32
    %dma_start3A_36 = arith.constant 0 : i32
    %dma_start3A_37 = tpu.memref_slice %arg6[%dma_start3A_33, %dma_start3A_35, %dma_start3A_36] : memref<4x128x128xf32, #tpu.memory_space<vmem>> -> memref<1x128x128xf32, #tpu.memory_space<vmem>>
    %dma_start3A_38 = tpu.memref_squeeze %dma_start3A_37 : memref<1x128x128xf32, #tpu.memory_space<vmem>> -> memref<128x128xf32, #tpu.memory_space<vmem>>
    %dma_start3A_39 = arith.constant 0 : i32
    %dma_start3A_40 = tpu.memref_slice %arg5[%dma_start3A_32, %dma_start3A_39] : memref<40x128xi32, #tpu.memory_space<vmem>> -> memref<1x128xi32, #tpu.memory_space<vmem>>
    %dma_start3A_41 = tpu.memref_squeeze %dma_start3A_40 : memref<1x128xi32, #tpu.memory_space<vmem>> -> memref<128xi32, #tpu.memory_space<vmem>>
    %dma_start3A_42 = arith.constant 0 : i32
    %dma_start3A_43 = arith.constant 0 : i32
    %dma_start3A_44 = tpu.memref_slice %arg3[%dma_start3A_42, %dma_start3A_43] : memref<20000x128xf32, #tpu.memory_space<hbm>> -> memref<20000x128xf32, #tpu.memory_space<hbm>>
    %dma_start3A_45 = tpu.memref_slice %arg7[%dma_start3A_34] : memref<4x!tpu.dma_semaphore, #tpu.memory_space<semaphore_mem>> -> memref<1x!tpu.dma_semaphore, #tpu.memory_space<semaphore_mem>>
    %dma_start3A_46 = tpu.memref_squeeze %dma_start3A_45 : memref<1x!tpu.dma_semaphore, #tpu.memory_space<semaphore_mem>> -> memref<!tpu.dma_semaphore, #tpu.memory_space<semaphore_mem>>
    tpu.enqueue_indirect_dma source(%dma_start3A_44 : memref<20000x128xf32, #tpu.memory_space<hbm>>) target(%dma_start3A_38 : memref<128x128xf32, #tpu.memory_space<vmem>>) offsets(%dma_start3A_41 : memref<128xi32, #tpu.memory_space<vmem>>) semaphore(%dma_start3A_46 : memref<!tpu.dma_semaphore, #tpu.memory_space<semaphore_mem>>)
    %dma_start3A_47 = arith.constant 3 : i32
    %dma_start3A_48 = arith.constant 3 : i32
    %dma_start3A_49 = arith.constant 3 : i32
    %dma_start3A_50 = arith.constant 0 : i32
    %dma_start3A_51 = arith.constant 0 : i32
    %dma_start3A_52 = tpu.memref_slice %arg6[%dma_start3A_48, %dma_start3A_50, %dma_start3A_51] : memref<4x128x128xf32, #tpu.memory_space<vmem>> -> memref<1x128x128xf32, #tpu.memory_space<vmem>>
    %dma_start3A_53 = tpu.memref_squeeze %dma_start3A_52 : memref<1x128x128xf32, #tpu.memory_space<vmem>> -> memref<128x128xf32, #tpu.memory_space<vmem>>
    %dma_start3A_54 = arith.constant 0 : i32
    %dma_start3A_55 = tpu.memref_slice %arg5[%dma_start3A_47, %dma_start3A_54] : memref<40x128xi32, #tpu.memory_space<vmem>> -> memref<1x128xi32, #tpu.memory_space<vmem>>
    %dma_start3A_56 = tpu.memref_squeeze %dma_start3A_55 : memref<1x128xi32, #tpu.memory_space<vmem>> -> memref<128xi32, #tpu.memory_space<vmem>>
    %dma_start3A_57 = arith.constant 0 : i32
    %dma_start3A_58 = arith.constant 0 : i32
    %dma_start3A_59 = tpu.memref_slice %arg3[%dma_start3A_57, %dma_start3A_58] : memref<20000x128xf32, #tpu.memory_space<hbm>> -> memref<20000x128xf32, #tpu.memory_space<hbm>>
    %dma_start3A_60 = tpu.memref_slice %arg7[%dma_start3A_49] : memref<4x!tpu.dma_semaphore, #tpu.memory_space<semaphore_mem>> -> memref<1x!tpu.dma_semaphore, #tpu.memory_space<semaphore_mem>>
    %dma_start3A_61 = tpu.memref_squeeze %dma_start3A_60 : memref<1x!tpu.dma_semaphore, #tpu.memory_space<semaphore_mem>> -> memref<!tpu.dma_semaphore, #tpu.memory_space<semaphore_mem>>
    tpu.enqueue_indirect_dma source(%dma_start3A_59 : memref<20000x128xf32, #tpu.memory_space<hbm>>) target(%dma_start3A_53 : memref<128x128xf32, #tpu.memory_space<vmem>>) offsets(%dma_start3A_56 : memref<128xi32, #tpu.memory_space<vmem>>) semaphore(%dma_start3A_61 : memref<!tpu.dma_semaphore, #tpu.memory_space<semaphore_mem>>)
    %scan3A = arith.constant 0 : i32
    %scan3A_62 = arith.constant 0 : i32
    %scan3A_63 = arith.constant 36 : i32
    %scan3A_64 = arith.addi %scan3A_62, %scan3A_63 : i32
    %scan3A_65 = arith.constant 1 : i32
    scf.for %scan3A_270 = %scan3A_62 to %scan3A_64 step %scan3A_65  : i32 {
      %jit3A = arith.constant 4 : i32
      %eq3A = arith.constant 0 : i32
      %eq3A_271 = arith.cmpi eq, %jit3A, %eq3A : i32
      %jit3A_272 = arith.constant 1 : i32
      %select_n3A = arith.select %eq3A_271, %jit3A_272, %jit3A : i32
      %rem3A = arith.remsi %scan3A_270, %select_n3A : i32
      %ne3A = arith.constant 0 : i32
      %ne3A_273 = arith.cmpi ne, %rem3A, %ne3A : i32
      %lt3A = arith.constant 0 : i32
      %lt3A_274 = arith.cmpi slt, %rem3A, %lt3A : i32
      %lt3A_275 = arith.constant 0 : i32
      %lt3A_276 = arith.cmpi slt, %select_n3A, %lt3A_275 : i32
      %ne3A_277 = arith.xori %lt3A_274, %lt3A_276 : i1
      %and3A = arith.andi %ne3A_277, %ne3A_273 : i1
      %add3A_278 = arith.addi %rem3A, %select_n3A : i32
      %select_n3A_279 = arith.select %and3A, %add3A_278, %rem3A : i32
      %dma_wait3A_280 = arith.constant 0 : i32
      %dma_wait3A_281 = arith.constant 0 : i32
      %dma_wait3A_282 = tpu.memref_slice %arg6[%select_n3A_279, %dma_wait3A_280, %dma_wait3A_281] : memref<4x128x128xf32, #tpu.memory_space<vmem>> -> memref<1x128x128xf32, #tpu.memory_space<vmem>>
      %dma_wait3A_283 = tpu.memref_squeeze %dma_wait3A_282 : memref<1x128x128xf32, #tpu.memory_space<vmem>> -> memref<128x128xf32, #tpu.memory_space<vmem>>
      %dma_wait3A_284 = arith.constant 0 : i32
      %dma_wait3A_285 = tpu.memref_slice %arg5[%scan3A_270, %dma_wait3A_284] : memref<40x128xi32, #tpu.memory_space<vmem>> -> memref<1x128xi32, #tpu.memory_space<vmem>>
      %dma_wait3A_286 = tpu.memref_squeeze %dma_wait3A_285 : memref<1x128xi32, #tpu.memory_space<vmem>> -> memref<128xi32, #tpu.memory_space<vmem>>
      %dma_wait3A_287 = arith.constant 0 : i32
      %dma_wait3A_288 = arith.constant 0 : i32
      %dma_wait3A_289 = tpu.memref_slice %arg3[%dma_wait3A_287, %dma_wait3A_288] : memref<20000x128xf32, #tpu.memory_space<hbm>> -> memref<20000x128xf32, #tpu.memory_space<hbm>>
      %dma_wait3A_290 = tpu.memref_slice %arg7[%select_n3A_279] : memref<4x!tpu.dma_semaphore, #tpu.memory_space<semaphore_mem>> -> memref<1x!tpu.dma_semaphore, #tpu.memory_space<semaphore_mem>>
      %dma_wait3A_291 = tpu.memref_squeeze %dma_wait3A_290 : memref<1x!tpu.dma_semaphore, #tpu.memory_space<semaphore_mem>> -> memref<!tpu.dma_semaphore, #tpu.memory_space<semaphore_mem>>
      tpu.wait_indirect_dma semaphore(%dma_wait3A_291 : memref<!tpu.dma_semaphore, #tpu.memory_space<semaphore_mem>>) src(%dma_wait3A_289 : memref<20000x128xf32, #tpu.memory_space<hbm>>) dst(%dma_wait3A_283 : memref<128x128xf32, #tpu.memory_space<vmem>>)
      %mul3A_292 = arith.constant 128 : i32
      %mul3A_293 = arith.muli %scan3A_270, %mul3A_292 : i32
      %add3A_294 = arith.addi %mul3A_2, %mul3A_293 : i32
      %dma_start3A_295 = arith.constant 0 : i32
      %dma_start3A_296 = arith.constant 0 : i32
      %dma_start3A_297 = tpu.memref_slice %arg6[%select_n3A_279, %dma_start3A_295, %dma_start3A_296] : memref<4x128x128xf32, #tpu.memory_space<vmem>> -> memref<1x128x128xf32, #tpu.memory_space<vmem>>
      %dma_start3A_298 = tpu.memref_squeeze %dma_start3A_297 : memref<1x128x128xf32, #tpu.memory_space<vmem>> -> memref<128x128xf32, #tpu.memory_space<vmem>>
      %dma_start3A_299 = arith.constant 0 : i32
      %dma_start3A_300 = tpu.memref_slice %arg4[%add3A_294, %dma_start3A_299] : memref<163840x128xf32, #tpu.memory_space<hbm>> -> memref<128x128xf32, #tpu.memory_space<hbm>>
      %dma_start3A_301 = tpu.memref_slice %arg8[%select_n3A_279] : memref<4x!tpu.dma_semaphore, #tpu.memory_space<semaphore_mem>> -> memref<1x!tpu.dma_semaphore, #tpu.memory_space<semaphore_mem>>
      %dma_start3A_302 = tpu.memref_squeeze %dma_start3A_301 : memref<1x!tpu.dma_semaphore, #tpu.memory_space<semaphore_mem>> -> memref<!tpu.dma_semaphore, #tpu.memory_space<semaphore_mem>>
      %dma_start3A_303 = arith.constant 0 : i32
      %dma_start3A_304 = tpu.memref_slice %arg4[%add3A_294, %dma_start3A_303] : memref<163840x128xf32, #tpu.memory_space<hbm>> -> memref<128x128xf32, #tpu.memory_space<hbm>>
      %dma_start3A_305 = arith.constant 0 : i32
      %dma_start3A_306 = arith.constant 0 : i32
      %dma_start3A_307 = tpu.memref_slice %arg6[%select_n3A_279, %dma_start3A_305, %dma_start3A_306] : memref<4x128x128xf32, #tpu.memory_space<vmem>> -> memref<1x128x128xf32, #tpu.memory_space<vmem>>
      %dma_start3A_308 = tpu.memref_squeeze %dma_start3A_307 : memref<1x128x128xf32, #tpu.memory_space<vmem>> -> memref<128x128xf32, #tpu.memory_space<vmem>>
      tpu.enqueue_dma source(%dma_start3A_308 : memref<128x128xf32, #tpu.memory_space<vmem>>) target(%dma_start3A_304 : memref<128x128xf32, #tpu.memory_space<hbm>>) target_semaphore(%dma_start3A_302 : memref<!tpu.dma_semaphore, #tpu.memory_space<semaphore_mem>>)
      %mul3A_309 = arith.constant 128 : i32
      %mul3A_310 = arith.muli %scan3A_270, %mul3A_309 : i32
      %add3A_311 = arith.addi %mul3A_2, %mul3A_310 : i32
      %dma_wait3A_312 = arith.constant 0 : i32
      %dma_wait3A_313 = arith.constant 0 : i32
      %dma_wait3A_314 = tpu.memref_slice %arg6[%select_n3A_279, %dma_wait3A_312, %dma_wait3A_313] : memref<4x128x128xf32, #tpu.memory_space<vmem>> -> memref<1x128x128xf32, #tpu.memory_space<vmem>>
      %dma_wait3A_315 = tpu.memref_squeeze %dma_wait3A_314 : memref<1x128x128xf32, #tpu.memory_space<vmem>> -> memref<128x128xf32, #tpu.memory_space<vmem>>
      %dma_wait3A_316 = arith.constant 0 : i32
      %dma_wait3A_317 = tpu.memref_slice %arg4[%add3A_311, %dma_wait3A_316] : memref<163840x128xf32, #tpu.memory_space<hbm>> -> memref<128x128xf32, #tpu.memory_space<hbm>>
      %dma_wait3A_318 = tpu.memref_slice %arg8[%select_n3A_279] : memref<4x!tpu.dma_semaphore, #tpu.memory_space<semaphore_mem>> -> memref<1x!tpu.dma_semaphore, #tpu.memory_space<semaphore_mem>>
      %dma_wait3A_319 = tpu.memref_squeeze %dma_wait3A_318 : memref<1x!tpu.dma_semaphore, #tpu.memory_space<semaphore_mem>> -> memref<!tpu.dma_semaphore, #tpu.memory_space<semaphore_mem>>
      %dma_wait3A_320 = arith.constant 0 : i32
      %dma_wait3A_321 = tpu.memref_slice %arg4[%add3A_311, %dma_wait3A_320] : memref<163840x128xf32, #tpu.memory_space<hbm>> -> memref<128x128xf32, #tpu.memory_space<hbm>>
      %dma_wait3A_322 = arith.constant 0 : i32
      %dma_wait3A_323 = arith.constant 0 : i32
      %dma_wait3A_324 = tpu.memref_slice %arg6[%select_n3A_279, %dma_wait3A_322, %dma_wait3A_323] : memref<4x128x128xf32, #tpu.memory_space<vmem>> -> memref<1x128x128xf32, #tpu.memory_space<vmem>>
      %dma_wait3A_325 = tpu.memref_squeeze %dma_wait3A_324 : memref<1x128x128xf32, #tpu.memory_space<vmem>> -> memref<128x128xf32, #tpu.memory_space<vmem>>
      tpu.wait_dma2 semaphore(%dma_wait3A_319 : memref<!tpu.dma_semaphore, #tpu.memory_space<semaphore_mem>>) src(%dma_wait3A_325 : memref<128x128xf32, #tpu.memory_space<vmem>>) dst(%dma_wait3A_321 : memref<128x128xf32, #tpu.memory_space<hbm>>)
      %add3A_326 = arith.constant 4 : i32
      %add3A_327 = arith.addi %scan3A_270, %add3A_326 : i32
      %dma_start3A_328 = arith.constant 0 : i32
      %dma_start3A_329 = arith.constant 0 : i32
      %dma_start3A_330 = tpu.memref_slice %arg6[%select_n3A_279, %dma_start3A_328, %dma_start3A_329] : memref<4x128x128xf32, #tpu.memory_space<vmem>> -> memref<1x128x128xf32, #tpu.memory_space<vmem>>
      %dma_start3A_331 = tpu.memref_squeeze %dma_start3A_330 : memref<1x128x128xf32, #tpu.memory_space<vmem>> -> memref<128x128xf32, #tpu.memory_space<vmem>>
      %dma_start3A_332 = arith.constant 0 : i32
      %dma_start3A_333 = tpu.memref_slice %arg5[%add3A_327, %dma_start3A_332] : memref<40x128xi32, #tpu.memory_space<vmem>> -> memref<1x128xi32, #tpu.memory_space<vmem>>
      %dma_start3A_334 = tpu.memref_squeeze %dma_start3A_333 : memref<1x128xi32, #tpu.memory_space<vmem>> -> memref<128xi32, #tpu.memory_space<vmem>>
      %dma_start3A_335 = arith.constant 0 : i32
      %dma_start3A_336 = arith.constant 0 : i32
      %dma_start3A_337 = tpu.memref_slice %arg3[%dma_start3A_335, %dma_start3A_336] : memref<20000x128xf32, #tpu.memory_space<hbm>> -> memref<20000x128xf32, #tpu.memory_space<hbm>>
      %dma_start3A_338 = tpu.memref_slice %arg7[%select_n3A_279] : memref<4x!tpu.dma_semaphore, #tpu.memory_space<semaphore_mem>> -> memref<1x!tpu.dma_semaphore, #tpu.memory_space<semaphore_mem>>
      %dma_start3A_339 = tpu.memref_squeeze %dma_start3A_338 : memref<1x!tpu.dma_semaphore, #tpu.memory_space<semaphore_mem>> -> memref<!tpu.dma_semaphore, #tpu.memory_space<semaphore_mem>>
      tpu.enqueue_indirect_dma source(%dma_start3A_337 : memref<20000x128xf32, #tpu.memory_space<hbm>>) target(%dma_start3A_331 : memref<128x128xf32, #tpu.memory_space<vmem>>) offsets(%dma_start3A_334 : memref<128xi32, #tpu.memory_space<vmem>>) semaphore(%dma_start3A_339 : memref<!tpu.dma_semaphore, #tpu.memory_space<semaphore_mem>>)
    }
    %scan3A_66 = arith.constant 36 : i32
    %dma_wait3A = arith.constant 36 : i32
    %dma_wait3A_67 = arith.constant 0 : i32
    %dma_wait3A_68 = arith.constant 0 : i32
    %dma_wait3A_69 = arith.constant 0 : i32
    %dma_wait3A_70 = arith.constant 0 : i32
    %dma_wait3A_71 = tpu.memref_slice %arg6[%dma_wait3A_67, %dma_wait3A_69, %dma_wait3A_70] : memref<4x128x128xf32, #tpu.memory_space<vmem>> -> memref<1x128x128xf32, #tpu.memory_space<vmem>>
    %dma_wait3A_72 = tpu.memref_squeeze %dma_wait3A_71 : memref<1x128x128xf32, #tpu.memory_space<vmem>> -> memref<128x128xf32, #tpu.memory_space<vmem>>
    %dma_wait3A_73 = arith.constant 0 : i32
    %dma_wait3A_74 = tpu.memref_slice %arg5[%dma_wait3A, %dma_wait3A_73] : memref<40x128xi32, #tpu.memory_space<vmem>> -> memref<1x128xi32, #tpu.memory_space<vmem>>
    %dma_wait3A_75 = tpu.memref_squeeze %dma_wait3A_74 : memref<1x128xi32, #tpu.memory_space<vmem>> -> memref<128xi32, #tpu.memory_space<vmem>>
    %dma_wait3A_76 = arith.constant 0 : i32
    %dma_wait3A_77 = arith.constant 0 : i32
    %dma_wait3A_78 = tpu.memref_slice %arg3[%dma_wait3A_76, %dma_wait3A_77] : memref<20000x128xf32, #tpu.memory_space<hbm>> -> memref<20000x128xf32, #tpu.memory_space<hbm>>
    %dma_wait3A_79 = tpu.memref_slice %arg7[%dma_wait3A_68] : memref<4x!tpu.dma_semaphore, #tpu.memory_space<semaphore_mem>> -> memref<1x!tpu.dma_semaphore, #tpu.memory_space<semaphore_mem>>
    %dma_wait3A_80 = tpu.memref_squeeze %dma_wait3A_79 : memref<1x!tpu.dma_semaphore, #tpu.memory_space<semaphore_mem>> -> memref<!tpu.dma_semaphore, #tpu.memory_space<semaphore_mem>>
    tpu.wait_indirect_dma semaphore(%dma_wait3A_80 : memref<!tpu.dma_semaphore, #tpu.memory_space<semaphore_mem>>) src(%dma_wait3A_78 : memref<20000x128xf32, #tpu.memory_space<hbm>>) dst(%dma_wait3A_72 : memref<128x128xf32, #tpu.memory_space<vmem>>)
    %add3A_81 = arith.constant 4608 : i32
    %add3A_82 = arith.addi %mul3A_2, %add3A_81 : i32
    %dma_start3A_83 = arith.constant 0 : i32
    %dma_start3A_84 = arith.constant 0 : i32
    %dma_start3A_85 = arith.constant 0 : i32
    %dma_start3A_86 = arith.constant 0 : i32
    %dma_start3A_87 = tpu.memref_slice %arg6[%dma_start3A_83, %dma_start3A_85, %dma_start3A_86] : memref<4x128x128xf32, #tpu.memory_space<vmem>> -> memref<1x128x128xf32, #tpu.memory_space<vmem>>
    %dma_start3A_88 = tpu.memref_squeeze %dma_start3A_87 : memref<1x128x128xf32, #tpu.memory_space<vmem>> -> memref<128x128xf32, #tpu.memory_space<vmem>>
    %dma_start3A_89 = arith.constant 0 : i32
    %dma_start3A_90 = tpu.memref_slice %arg4[%add3A_82, %dma_start3A_89] : memref<163840x128xf32, #tpu.memory_space<hbm>> -> memref<128x128xf32, #tpu.memory_space<hbm>>
    %dma_start3A_91 = tpu.memref_slice %arg8[%dma_start3A_84] : memref<4x!tpu.dma_semaphore, #tpu.memory_space<semaphore_mem>> -> memref<1x!tpu.dma_semaphore, #tpu.memory_space<semaphore_mem>>
    %dma_start3A_92 = tpu.memref_squeeze %dma_start3A_91 : memref<1x!tpu.dma_semaphore, #tpu.memory_space<semaphore_mem>> -> memref<!tpu.dma_semaphore, #tpu.memory_space<semaphore_mem>>
    %dma_start3A_93 = arith.constant 0 : i32
    %dma_start3A_94 = tpu.memref_slice %arg4[%add3A_82, %dma_start3A_93] : memref<163840x128xf32, #tpu.memory_space<hbm>> -> memref<128x128xf32, #tpu.memory_space<hbm>>
    %dma_start3A_95 = arith.constant 0 : i32
    %dma_start3A_96 = arith.constant 0 : i32
    %dma_start3A_97 = tpu.memref_slice %arg6[%dma_start3A_83, %dma_start3A_95, %dma_start3A_96] : memref<4x128x128xf32, #tpu.memory_space<vmem>> -> memref<1x128x128xf32, #tpu.memory_space<vmem>>
    %dma_start3A_98 = tpu.memref_squeeze %dma_start3A_97 : memref<1x128x128xf32, #tpu.memory_space<vmem>> -> memref<128x128xf32, #tpu.memory_space<vmem>>
    tpu.enqueue_dma source(%dma_start3A_98 : memref<128x128xf32, #tpu.memory_space<vmem>>) target(%dma_start3A_94 : memref<128x128xf32, #tpu.memory_space<hbm>>) target_semaphore(%dma_start3A_92 : memref<!tpu.dma_semaphore, #tpu.memory_space<semaphore_mem>>)
    %dma_wait3A_99 = arith.constant 37 : i32
    %dma_wait3A_100 = arith.constant 1 : i32
    %dma_wait3A_101 = arith.constant 1 : i32
    %dma_wait3A_102 = arith.constant 0 : i32
    %dma_wait3A_103 = arith.constant 0 : i32
    %dma_wait3A_104 = tpu.memref_slice %arg6[%dma_wait3A_100, %dma_wait3A_102, %dma_wait3A_103] : memref<4x128x128xf32, #tpu.memory_space<vmem>> -> memref<1x128x128xf32, #tpu.memory_space<vmem>>
    %dma_wait3A_105 = tpu.memref_squeeze %dma_wait3A_104 : memref<1x128x128xf32, #tpu.memory_space<vmem>> -> memref<128x128xf32, #tpu.memory_space<vmem>>
    %dma_wait3A_106 = arith.constant 0 : i32
    %dma_wait3A_107 = tpu.memref_slice %arg5[%dma_wait3A_99, %dma_wait3A_106] : memref<40x128xi32, #tpu.memory_space<vmem>> -> memref<1x128xi32, #tpu.memory_space<vmem>>
    %dma_wait3A_108 = tpu.memref_squeeze %dma_wait3A_107 : memref<1x128xi32, #tpu.memory_space<vmem>> -> memref<128xi32, #tpu.memory_space<vmem>>
    %dma_wait3A_109 = arith.constant 0 : i32
    %dma_wait3A_110 = arith.constant 0 : i32
    %dma_wait3A_111 = tpu.memref_slice %arg3[%dma_wait3A_109, %dma_wait3A_110] : memref<20000x128xf32, #tpu.memory_space<hbm>> -> memref<20000x128xf32, #tpu.memory_space<hbm>>
    %dma_wait3A_112 = tpu.memref_slice %arg7[%dma_wait3A_101] : memref<4x!tpu.dma_semaphore, #tpu.memory_space<semaphore_mem>> -> memref<1x!tpu.dma_semaphore, #tpu.memory_space<semaphore_mem>>
    %dma_wait3A_113 = tpu.memref_squeeze %dma_wait3A_112 : memref<1x!tpu.dma_semaphore, #tpu.memory_space<semaphore_mem>> -> memref<!tpu.dma_semaphore, #tpu.memory_space<semaphore_mem>>
    tpu.wait_indirect_dma semaphore(%dma_wait3A_113 : memref<!tpu.dma_semaphore, #tpu.memory_space<semaphore_mem>>) src(%dma_wait3A_111 : memref<20000x128xf32, #tpu.memory_space<hbm>>) dst(%dma_wait3A_105 : memref<128x128xf32, #tpu.memory_space<vmem>>)
    %add3A_114 = arith.constant 4736 : i32
    %add3A_115 = arith.addi %mul3A_2, %add3A_114 : i32
    %dma_start3A_116 = arith.constant 1 : i32
    %dma_start3A_117 = arith.constant 1 : i32
    %dma_start3A_118 = arith.constant 0 : i32
    %dma_start3A_119 = arith.constant 0 : i32
    %dma_start3A_120 = tpu.memref_slice %arg6[%dma_start3A_116, %dma_start3A_118, %dma_start3A_119] : memref<4x128x128xf32, #tpu.memory_space<vmem>> -> memref<1x128x128xf32, #tpu.memory_space<vmem>>
    %dma_start3A_121 = tpu.memref_squeeze %dma_start3A_120 : memref<1x128x128xf32, #tpu.memory_space<vmem>> -> memref<128x128xf32, #tpu.memory_space<vmem>>
    %dma_start3A_122 = arith.constant 0 : i32
    %dma_start3A_123 = tpu.memref_slice %arg4[%add3A_115, %dma_start3A_122] : memref<163840x128xf32, #tpu.memory_space<hbm>> -> memref<128x128xf32, #tpu.memory_space<hbm>>
    %dma_start3A_124 = tpu.memref_slice %arg8[%dma_start3A_117] : memref<4x!tpu.dma_semaphore, #tpu.memory_space<semaphore_mem>> -> memref<1x!tpu.dma_semaphore, #tpu.memory_space<semaphore_mem>>
    %dma_start3A_125 = tpu.memref_squeeze %dma_start3A_124 : memref<1x!tpu.dma_semaphore, #tpu.memory_space<semaphore_mem>> -> memref<!tpu.dma_semaphore, #tpu.memory_space<semaphore_mem>>
    %dma_start3A_126 = arith.constant 0 : i32
    %dma_start3A_127 = tpu.memref_slice %arg4[%add3A_115, %dma_start3A_126] : memref<163840x128xf32, #tpu.memory_space<hbm>> -> memref<128x128xf32, #tpu.memory_space<hbm>>
    %dma_start3A_128 = arith.constant 0 : i32
    %dma_start3A_129 = arith.constant 0 : i32
    %dma_start3A_130 = tpu.memref_slice %arg6[%dma_start3A_116, %dma_start3A_128, %dma_start3A_129] : memref<4x128x128xf32, #tpu.memory_space<vmem>> -> memref<1x128x128xf32, #tpu.memory_space<vmem>>
    %dma_start3A_131 = tpu.memref_squeeze %dma_start3A_130 : memref<1x128x128xf32, #tpu.memory_space<vmem>> -> memref<128x128xf32, #tpu.memory_space<vmem>>
    tpu.enqueue_dma source(%dma_start3A_131 : memref<128x128xf32, #tpu.memory_space<vmem>>) target(%dma_start3A_127 : memref<128x128xf32, #tpu.memory_space<hbm>>) target_semaphore(%dma_start3A_125 : memref<!tpu.dma_semaphore, #tpu.memory_space<semaphore_mem>>)
    %dma_wait3A_132 = arith.constant 38 : i32
    %dma_wait3A_133 = arith.constant 2 : i32
    %dma_wait3A_134 = arith.constant 2 : i32
    %dma_wait3A_135 = arith.constant 0 : i32
    %dma_wait3A_136 = arith.constant 0 : i32
    %dma_wait3A_137 = tpu.memref_slice %arg6[%dma_wait3A_133, %dma_wait3A_135, %dma_wait3A_136] : memref<4x128x128xf32, #tpu.memory_space<vmem>> -> memref<1x128x128xf32, #tpu.memory_space<vmem>>
    %dma_wait3A_138 = tpu.memref_squeeze %dma_wait3A_137 : memref<1x128x128xf32, #tpu.memory_space<vmem>> -> memref<128x128xf32, #tpu.memory_space<vmem>>
    %dma_wait3A_139 = arith.constant 0 : i32
    %dma_wait3A_140 = tpu.memref_slice %arg5[%dma_wait3A_132, %dma_wait3A_139] : memref<40x128xi32, #tpu.memory_space<vmem>> -> memref<1x128xi32, #tpu.memory_space<vmem>>
    %dma_wait3A_141 = tpu.memref_squeeze %dma_wait3A_140 : memref<1x128xi32, #tpu.memory_space<vmem>> -> memref<128xi32, #tpu.memory_space<vmem>>
    %dma_wait3A_142 = arith.constant 0 : i32
    %dma_wait3A_143 = arith.constant 0 : i32
    %dma_wait3A_144 = tpu.memref_slice %arg3[%dma_wait3A_142, %dma_wait3A_143] : memref<20000x128xf32, #tpu.memory_space<hbm>> -> memref<20000x128xf32, #tpu.memory_space<hbm>>
    %dma_wait3A_145 = tpu.memref_slice %arg7[%dma_wait3A_134] : memref<4x!tpu.dma_semaphore, #tpu.memory_space<semaphore_mem>> -> memref<1x!tpu.dma_semaphore, #tpu.memory_space<semaphore_mem>>
    %dma_wait3A_146 = tpu.memref_squeeze %dma_wait3A_145 : memref<1x!tpu.dma_semaphore, #tpu.memory_space<semaphore_mem>> -> memref<!tpu.dma_semaphore, #tpu.memory_space<semaphore_mem>>
    tpu.wait_indirect_dma semaphore(%dma_wait3A_146 : memref<!tpu.dma_semaphore, #tpu.memory_space<semaphore_mem>>) src(%dma_wait3A_144 : memref<20000x128xf32, #tpu.memory_space<hbm>>) dst(%dma_wait3A_138 : memref<128x128xf32, #tpu.memory_space<vmem>>)
    %add3A_147 = arith.constant 4864 : i32
    %add3A_148 = arith.addi %mul3A_2, %add3A_147 : i32
    %dma_start3A_149 = arith.constant 2 : i32
    %dma_start3A_150 = arith.constant 2 : i32
    %dma_start3A_151 = arith.constant 0 : i32
    %dma_start3A_152 = arith.constant 0 : i32
    %dma_start3A_153 = tpu.memref_slice %arg6[%dma_start3A_149, %dma_start3A_151, %dma_start3A_152] : memref<4x128x128xf32, #tpu.memory_space<vmem>> -> memref<1x128x128xf32, #tpu.memory_space<vmem>>
    %dma_start3A_154 = tpu.memref_squeeze %dma_start3A_153 : memref<1x128x128xf32, #tpu.memory_space<vmem>> -> memref<128x128xf32, #tpu.memory_space<vmem>>
    %dma_start3A_155 = arith.constant 0 : i32
    %dma_start3A_156 = tpu.memref_slice %arg4[%add3A_148, %dma_start3A_155] : memref<163840x128xf32, #tpu.memory_space<hbm>> -> memref<128x128xf32, #tpu.memory_space<hbm>>
    %dma_start3A_157 = tpu.memref_slice %arg8[%dma_start3A_150] : memref<4x!tpu.dma_semaphore, #tpu.memory_space<semaphore_mem>> -> memref<1x!tpu.dma_semaphore, #tpu.memory_space<semaphore_mem>>
    %dma_start3A_158 = tpu.memref_squeeze %dma_start3A_157 : memref<1x!tpu.dma_semaphore, #tpu.memory_space<semaphore_mem>> -> memref<!tpu.dma_semaphore, #tpu.memory_space<semaphore_mem>>
    %dma_start3A_159 = arith.constant 0 : i32
    %dma_start3A_160 = tpu.memref_slice %arg4[%add3A_148, %dma_start3A_159] : memref<163840x128xf32, #tpu.memory_space<hbm>> -> memref<128x128xf32, #tpu.memory_space<hbm>>
    %dma_start3A_161 = arith.constant 0 : i32
    %dma_start3A_162 = arith.constant 0 : i32
    %dma_start3A_163 = tpu.memref_slice %arg6[%dma_start3A_149, %dma_start3A_161, %dma_start3A_162] : memref<4x128x128xf32, #tpu.memory_space<vmem>> -> memref<1x128x128xf32, #tpu.memory_space<vmem>>
    %dma_start3A_164 = tpu.memref_squeeze %dma_start3A_163 : memref<1x128x128xf32, #tpu.memory_space<vmem>> -> memref<128x128xf32, #tpu.memory_space<vmem>>
    tpu.enqueue_dma source(%dma_start3A_164 : memref<128x128xf32, #tpu.memory_space<vmem>>) target(%dma_start3A_160 : memref<128x128xf32, #tpu.memory_space<hbm>>) target_semaphore(%dma_start3A_158 : memref<!tpu.dma_semaphore, #tpu.memory_space<semaphore_mem>>)
    %dma_wait3A_165 = arith.constant 39 : i32
    %dma_wait3A_166 = arith.constant 3 : i32
    %dma_wait3A_167 = arith.constant 3 : i32
    %dma_wait3A_168 = arith.constant 0 : i32
    %dma_wait3A_169 = arith.constant 0 : i32
    %dma_wait3A_170 = tpu.memref_slice %arg6[%dma_wait3A_166, %dma_wait3A_168, %dma_wait3A_169] : memref<4x128x128xf32, #tpu.memory_space<vmem>> -> memref<1x128x128xf32, #tpu.memory_space<vmem>>
    %dma_wait3A_171 = tpu.memref_squeeze %dma_wait3A_170 : memref<1x128x128xf32, #tpu.memory_space<vmem>> -> memref<128x128xf32, #tpu.memory_space<vmem>>
    %dma_wait3A_172 = arith.constant 0 : i32
    %dma_wait3A_173 = tpu.memref_slice %arg5[%dma_wait3A_165, %dma_wait3A_172] : memref<40x128xi32, #tpu.memory_space<vmem>> -> memref<1x128xi32, #tpu.memory_space<vmem>>
    %dma_wait3A_174 = tpu.memref_squeeze %dma_wait3A_173 : memref<1x128xi32, #tpu.memory_space<vmem>> -> memref<128xi32, #tpu.memory_space<vmem>>
    %dma_wait3A_175 = arith.constant 0 : i32
    %dma_wait3A_176 = arith.constant 0 : i32
    %dma_wait3A_177 = tpu.memref_slice %arg3[%dma_wait3A_175, %dma_wait3A_176] : memref<20000x128xf32, #tpu.memory_space<hbm>> -> memref<20000x128xf32, #tpu.memory_space<hbm>>
    %dma_wait3A_178 = tpu.memref_slice %arg7[%dma_wait3A_167] : memref<4x!tpu.dma_semaphore, #tpu.memory_space<semaphore_mem>> -> memref<1x!tpu.dma_semaphore, #tpu.memory_space<semaphore_mem>>
    %dma_wait3A_179 = tpu.memref_squeeze %dma_wait3A_178 : memref<1x!tpu.dma_semaphore, #tpu.memory_space<semaphore_mem>> -> memref<!tpu.dma_semaphore, #tpu.memory_space<semaphore_mem>>
    tpu.wait_indirect_dma semaphore(%dma_wait3A_179 : memref<!tpu.dma_semaphore, #tpu.memory_space<semaphore_mem>>) src(%dma_wait3A_177 : memref<20000x128xf32, #tpu.memory_space<hbm>>) dst(%dma_wait3A_171 : memref<128x128xf32, #tpu.memory_space<vmem>>)
    %add3A_180 = arith.constant 4992 : i32
    %add3A_181 = arith.addi %mul3A_2, %add3A_180 : i32
    %dma_start3A_182 = arith.constant 3 : i32
    %dma_start3A_183 = arith.constant 3 : i32
    %dma_start3A_184 = arith.constant 0 : i32
    %dma_start3A_185 = arith.constant 0 : i32
    %dma_start3A_186 = tpu.memref_slice %arg6[%dma_start3A_182, %dma_start3A_184, %dma_start3A_185] : memref<4x128x128xf32, #tpu.memory_space<vmem>> -> memref<1x128x128xf32, #tpu.memory_space<vmem>>
    %dma_start3A_187 = tpu.memref_squeeze %dma_start3A_186 : memref<1x128x128xf32, #tpu.memory_space<vmem>> -> memref<128x128xf32, #tpu.memory_space<vmem>>
    %dma_start3A_188 = arith.constant 0 : i32
    %dma_start3A_189 = tpu.memref_slice %arg4[%add3A_181, %dma_start3A_188] : memref<163840x128xf32, #tpu.memory_space<hbm>> -> memref<128x128xf32, #tpu.memory_space<hbm>>
    %dma_start3A_190 = tpu.memref_slice %arg8[%dma_start3A_183] : memref<4x!tpu.dma_semaphore, #tpu.memory_space<semaphore_mem>> -> memref<1x!tpu.dma_semaphore, #tpu.memory_space<semaphore_mem>>
    %dma_start3A_191 = tpu.memref_squeeze %dma_start3A_190 : memref<1x!tpu.dma_semaphore, #tpu.memory_space<semaphore_mem>> -> memref<!tpu.dma_semaphore, #tpu.memory_space<semaphore_mem>>
    %dma_start3A_192 = arith.constant 0 : i32
    %dma_start3A_193 = tpu.memref_slice %arg4[%add3A_181, %dma_start3A_192] : memref<163840x128xf32, #tpu.memory_space<hbm>> -> memref<128x128xf32, #tpu.memory_space<hbm>>
    %dma_start3A_194 = arith.constant 0 : i32
    %dma_start3A_195 = arith.constant 0 : i32
    %dma_start3A_196 = tpu.memref_slice %arg6[%dma_start3A_182, %dma_start3A_194, %dma_start3A_195] : memref<4x128x128xf32, #tpu.memory_space<vmem>> -> memref<1x128x128xf32, #tpu.memory_space<vmem>>
    %dma_start3A_197 = tpu.memref_squeeze %dma_start3A_196 : memref<1x128x128xf32, #tpu.memory_space<vmem>> -> memref<128x128xf32, #tpu.memory_space<vmem>>
    tpu.enqueue_dma source(%dma_start3A_197 : memref<128x128xf32, #tpu.memory_space<vmem>>) target(%dma_start3A_193 : memref<128x128xf32, #tpu.memory_space<hbm>>) target_semaphore(%dma_start3A_191 : memref<!tpu.dma_semaphore, #tpu.memory_space<semaphore_mem>>)
    %add3A_198 = arith.constant 4608 : i32
    %add3A_199 = arith.addi %mul3A_2, %add3A_198 : i32
    %dma_wait3A_200 = arith.constant 0 : i32
    %dma_wait3A_201 = arith.constant 0 : i32
    %dma_wait3A_202 = arith.constant 0 : i32
    %dma_wait3A_203 = arith.constant 0 : i32
    %dma_wait3A_204 = tpu.memref_slice %arg6[%dma_wait3A_200, %dma_wait3A_202, %dma_wait3A_203] : memref<4x128x128xf32, #tpu.memory_space<vmem>> -> memref<1x128x128xf32, #tpu.memory_space<vmem>>
    %dma_wait3A_205 = tpu.memref_squeeze %dma_wait3A_204 : memref<1x128x128xf32, #tpu.memory_space<vmem>> -> memref<128x128xf32, #tpu.memory_space<vmem>>
    %dma_wait3A_206 = arith.constant 0 : i32
    %dma_wait3A_207 = tpu.memref_slice %arg4[%add3A_199, %dma_wait3A_206] : memref<163840x128xf32, #tpu.memory_space<hbm>> -> memref<128x128xf32, #tpu.memory_space<hbm>>
    %dma_wait3A_208 = tpu.memref_slice %arg8[%dma_wait3A_201] : memref<4x!tpu.dma_semaphore, #tpu.memory_space<semaphore_mem>> -> memref<1x!tpu.dma_semaphore, #tpu.memory_space<semaphore_mem>>
    %dma_wait3A_209 = tpu.memref_squeeze %dma_wait3A_208 : memref<1x!tpu.dma_semaphore, #tpu.memory_space<semaphore_mem>> -> memref<!tpu.dma_semaphore, #tpu.memory_space<semaphore_mem>>
    %dma_wait3A_210 = arith.constant 0 : i32
    %dma_wait3A_211 = tpu.memref_slice %arg4[%add3A_199, %dma_wait3A_210] : memref<163840x128xf32, #tpu.memory_space<hbm>> -> memref<128x128xf32, #tpu.memory_space<hbm>>
    %dma_wait3A_212 = arith.constant 0 : i32
    %dma_wait3A_213 = arith.constant 0 : i32
    %dma_wait3A_214 = tpu.memref_slice %arg6[%dma_wait3A_200, %dma_wait3A_212, %dma_wait3A_213] : memref<4x128x128xf32, #tpu.memory_space<vmem>> -> memref<1x128x128xf32, #tpu.memory_space<vmem>>
    %dma_wait3A_215 = tpu.memref_squeeze %dma_wait3A_214 : memref<1x128x128xf32, #tpu.memory_space<vmem>> -> memref<128x128xf32, #tpu.memory_space<vmem>>
    tpu.wait_dma2 semaphore(%dma_wait3A_209 : memref<!tpu.dma_semaphore, #tpu.memory_space<semaphore_mem>>) src(%dma_wait3A_215 : memref<128x128xf32, #tpu.memory_space<vmem>>) dst(%dma_wait3A_211 : memref<128x128xf32, #tpu.memory_space<hbm>>)
    %add3A_216 = arith.constant 4736 : i32
    %add3A_217 = arith.addi %mul3A_2, %add3A_216 : i32
    %dma_wait3A_218 = arith.constant 1 : i32
    %dma_wait3A_219 = arith.constant 1 : i32
    %dma_wait3A_220 = arith.constant 0 : i32
    %dma_wait3A_221 = arith.constant 0 : i32
    %dma_wait3A_222 = tpu.memref_slice %arg6[%dma_wait3A_218, %dma_wait3A_220, %dma_wait3A_221] : memref<4x128x128xf32, #tpu.memory_space<vmem>> -> memref<1x128x128xf32, #tpu.memory_space<vmem>>
    %dma_wait3A_223 = tpu.memref_squeeze %dma_wait3A_222 : memref<1x128x128xf32, #tpu.memory_space<vmem>> -> memref<128x128xf32, #tpu.memory_space<vmem>>
    %dma_wait3A_224 = arith.constant 0 : i32
    %dma_wait3A_225 = tpu.memref_slice %arg4[%add3A_217, %dma_wait3A_224] : memref<163840x128xf32, #tpu.memory_space<hbm>> -> memref<128x128xf32, #tpu.memory_space<hbm>>
    %dma_wait3A_226 = tpu.memref_slice %arg8[%dma_wait3A_219] : memref<4x!tpu.dma_semaphore, #tpu.memory_space<semaphore_mem>> -> memref<1x!tpu.dma_semaphore, #tpu.memory_space<semaphore_mem>>
    %dma_wait3A_227 = tpu.memref_squeeze %dma_wait3A_226 : memref<1x!tpu.dma_semaphore, #tpu.memory_space<semaphore_mem>> -> memref<!tpu.dma_semaphore, #tpu.memory_space<semaphore_mem>>
    %dma_wait3A_228 = arith.constant 0 : i32
    %dma_wait3A_229 = tpu.memref_slice %arg4[%add3A_217, %dma_wait3A_228] : memref<163840x128xf32, #tpu.memory_space<hbm>> -> memref<128x128xf32, #tpu.memory_space<hbm>>
    %dma_wait3A_230 = arith.constant 0 : i32
    %dma_wait3A_231 = arith.constant 0 : i32
    %dma_wait3A_232 = tpu.memref_slice %arg6[%dma_wait3A_218, %dma_wait3A_230, %dma_wait3A_231] : memref<4x128x128xf32, #tpu.memory_space<vmem>> -> memref<1x128x128xf32, #tpu.memory_space<vmem>>
    %dma_wait3A_233 = tpu.memref_squeeze %dma_wait3A_232 : memref<1x128x128xf32, #tpu.memory_space<vmem>> -> memref<128x128xf32, #tpu.memory_space<vmem>>
    tpu.wait_dma2 semaphore(%dma_wait3A_227 : memref<!tpu.dma_semaphore, #tpu.memory_space<semaphore_mem>>) src(%dma_wait3A_233 : memref<128x128xf32, #tpu.memory_space<vmem>>) dst(%dma_wait3A_229 : memref<128x128xf32, #tpu.memory_space<hbm>>)
    %add3A_234 = arith.constant 4864 : i32
    %add3A_235 = arith.addi %mul3A_2, %add3A_234 : i32
    %dma_wait3A_236 = arith.constant 2 : i32
    %dma_wait3A_237 = arith.constant 2 : i32
    %dma_wait3A_238 = arith.constant 0 : i32
    %dma_wait3A_239 = arith.constant 0 : i32
    %dma_wait3A_240 = tpu.memref_slice %arg6[%dma_wait3A_236, %dma_wait3A_238, %dma_wait3A_239] : memref<4x128x128xf32, #tpu.memory_space<vmem>> -> memref<1x128x128xf32, #tpu.memory_space<vmem>>
    %dma_wait3A_241 = tpu.memref_squeeze %dma_wait3A_240 : memref<1x128x128xf32, #tpu.memory_space<vmem>> -> memref<128x128xf32, #tpu.memory_space<vmem>>
    %dma_wait3A_242 = arith.constant 0 : i32
    %dma_wait3A_243 = tpu.memref_slice %arg4[%add3A_235, %dma_wait3A_242] : memref<163840x128xf32, #tpu.memory_space<hbm>> -> memref<128x128xf32, #tpu.memory_space<hbm>>
    %dma_wait3A_244 = tpu.memref_slice %arg8[%dma_wait3A_237] : memref<4x!tpu.dma_semaphore, #tpu.memory_space<semaphore_mem>> -> memref<1x!tpu.dma_semaphore, #tpu.memory_space<semaphore_mem>>
    %dma_wait3A_245 = tpu.memref_squeeze %dma_wait3A_244 : memref<1x!tpu.dma_semaphore, #tpu.memory_space<semaphore_mem>> -> memref<!tpu.dma_semaphore, #tpu.memory_space<semaphore_mem>>
    %dma_wait3A_246 = arith.constant 0 : i32
    %dma_wait3A_247 = tpu.memref_slice %arg4[%add3A_235, %dma_wait3A_246] : memref<163840x128xf32, #tpu.memory_space<hbm>> -> memref<128x128xf32, #tpu.memory_space<hbm>>
    %dma_wait3A_248 = arith.constant 0 : i32
    %dma_wait3A_249 = arith.constant 0 : i32
    %dma_wait3A_250 = tpu.memref_slice %arg6[%dma_wait3A_236, %dma_wait3A_248, %dma_wait3A_249] : memref<4x128x128xf32, #tpu.memory_space<vmem>> -> memref<1x128x128xf32, #tpu.memory_space<vmem>>
    %dma_wait3A_251 = tpu.memref_squeeze %dma_wait3A_250 : memref<1x128x128xf32, #tpu.memory_space<vmem>> -> memref<128x128xf32, #tpu.memory_space<vmem>>
    tpu.wait_dma2 semaphore(%dma_wait3A_245 : memref<!tpu.dma_semaphore, #tpu.memory_space<semaphore_mem>>) src(%dma_wait3A_251 : memref<128x128xf32, #tpu.memory_space<vmem>>) dst(%dma_wait3A_247 : memref<128x128xf32, #tpu.memory_space<hbm>>)
    %add3A_252 = arith.constant 4992 : i32
    %add3A_253 = arith.addi %mul3A_2, %add3A_252 : i32
    %dma_wait3A_254 = arith.constant 3 : i32
    %dma_wait3A_255 = arith.constant 3 : i32
    %dma_wait3A_256 = arith.constant 0 : i32
    %dma_wait3A_257 = arith.constant 0 : i32
    %dma_wait3A_258 = tpu.memref_slice %arg6[%dma_wait3A_254, %dma_wait3A_256, %dma_wait3A_257] : memref<4x128x128xf32, #tpu.memory_space<vmem>> -> memref<1x128x128xf32, #tpu.memory_space<vmem>>
    %dma_wait3A_259 = tpu.memref_squeeze %dma_wait3A_258 : memref<1x128x128xf32, #tpu.memory_space<vmem>> -> memref<128x128xf32, #tpu.memory_space<vmem>>
    %dma_wait3A_260 = arith.constant 0 : i32
    %dma_wait3A_261 = tpu.memref_slice %arg4[%add3A_253, %dma_wait3A_260] : memref<163840x128xf32, #tpu.memory_space<hbm>> -> memref<128x128xf32, #tpu.memory_space<hbm>>
    %dma_wait3A_262 = tpu.memref_slice %arg8[%dma_wait3A_255] : memref<4x!tpu.dma_semaphore, #tpu.memory_space<semaphore_mem>> -> memref<1x!tpu.dma_semaphore, #tpu.memory_space<semaphore_mem>>
    %dma_wait3A_263 = tpu.memref_squeeze %dma_wait3A_262 : memref<1x!tpu.dma_semaphore, #tpu.memory_space<semaphore_mem>> -> memref<!tpu.dma_semaphore, #tpu.memory_space<semaphore_mem>>
    %dma_wait3A_264 = arith.constant 0 : i32
    %dma_wait3A_265 = tpu.memref_slice %arg4[%add3A_253, %dma_wait3A_264] : memref<163840x128xf32, #tpu.memory_space<hbm>> -> memref<128x128xf32, #tpu.memory_space<hbm>>
    %dma_wait3A_266 = arith.constant 0 : i32
    %dma_wait3A_267 = arith.constant 0 : i32
    %dma_wait3A_268 = tpu.memref_slice %arg6[%dma_wait3A_254, %dma_wait3A_266, %dma_wait3A_267] : memref<4x128x128xf32, #tpu.memory_space<vmem>> -> memref<1x128x128xf32, #tpu.memory_space<vmem>>
    %dma_wait3A_269 = tpu.memref_squeeze %dma_wait3A_268 : memref<1x128x128xf32, #tpu.memory_space<vmem>> -> memref<128x128xf32, #tpu.memory_space<vmem>>
    tpu.wait_dma2 semaphore(%dma_wait3A_263 : memref<!tpu.dma_semaphore, #tpu.memory_space<semaphore_mem>>) src(%dma_wait3A_269 : memref<128x128xf32, #tpu.memory_space<vmem>>) dst(%dma_wait3A_265 : memref<128x128xf32, #tpu.memory_space<hbm>>)
    return
  }
}

#map = affine_map<(d0, d1) -> (0, 0, 0)>
#map1 = affine_map<(d0, d1) -> (0, 0)>
module attributes {stable_mosaic.version = 14 : i64} {
  func.func @_gather_body(%arg0: i32, %arg1: i32, %arg2: memref<32x40x128xi32, #tpu.memory_space<hbm>>, %arg3: memref<20000x128xf32, #tpu.memory_space<hbm>>, %arg4: memref<163840x128xf32, #tpu.memory_space<hbm>>, %arg5: memref<40x128xi32, #tpu.memory_space<vmem>>, %arg6: memref<4x128x128xf32, #tpu.memory_space<vmem>>, %arg7: memref<4x!tpu.dma_semaphore, #tpu.memory_space<semaphore_mem>>, %arg8: memref<4x!tpu.dma_semaphore, #tpu.memory_space<semaphore_mem>>) attributes {dimension_semantics = [#tpu.dimension_semantics<core_parallel>, #tpu.dimension_semantics<subcore_parallel>], iteration_bounds = array<i64: 2, 16>, scalar_prefetch = 0 : i64, scratch_operands = 4 : i64, tpu.core_type = #tpu.core_type<sc_vector_subcore>, window_params = [{transform_indices = #map}, {transform_indices = #map1}, {transform_indices = #map1}]} {
    %mul3A = arith.constant 2 : i32
    %mul3A_0 = arith.muli %arg1, %mul3A : i32
    %add3A = arith.addi %mul3A_0, %arg0 : i32
    %mul3A_1 = arith.constant 5120 : i32
    %mul3A_2 = arith.muli %add3A, %mul3A_1 : i32
    "tpu.region"() ({
      %run_scoped3A = tpu.sem_alloc : memref<!tpu.dma_semaphore, #tpu.memory_space<semaphore_mem>>
      %dma_start3A_270 = arith.constant 0 : i32
      %dma_start3A_271 = arith.constant 0 : i32
      %dma_start3A_272 = tpu.memref_slice %arg2[%add3A, %dma_start3A_270, %dma_start3A_271] : memref<32x40x128xi32, #tpu.memory_space<hbm>> -> memref<1x40x128xi32, #tpu.memory_space<hbm>>
      %dma_start3A_273 = tpu.memref_squeeze %dma_start3A_272 : memref<1x40x128xi32, #tpu.memory_space<hbm>> -> memref<40x128xi32, #tpu.memory_space<hbm>>
      %dma_start3A_274 = arith.constant 0 : i32
      %dma_start3A_275 = arith.constant 0 : i32
      %dma_start3A_276 = tpu.memref_slice %arg2[%add3A, %dma_start3A_274, %dma_start3A_275] : memref<32x40x128xi32, #tpu.memory_space<hbm>> -> memref<1x40x128xi32, #tpu.memory_space<hbm>>
      %dma_start3A_277 = tpu.memref_squeeze %dma_start3A_276 : memref<1x40x128xi32, #tpu.memory_space<hbm>> -> memref<40x128xi32, #tpu.memory_space<hbm>>
      tpu.enqueue_dma source(%dma_start3A_277 : memref<40x128xi32, #tpu.memory_space<hbm>>) target(%arg5 : memref<40x128xi32, #tpu.memory_space<vmem>>) target_semaphore(%run_scoped3A : memref<!tpu.dma_semaphore, #tpu.memory_space<semaphore_mem>>)
      %dma_wait3A_278 = arith.constant 0 : i32
      %dma_wait3A_279 = arith.constant 0 : i32
      %dma_wait3A_280 = tpu.memref_slice %arg2[%add3A, %dma_wait3A_278, %dma_wait3A_279] : memref<32x40x128xi32, #tpu.memory_space<hbm>> -> memref<1x40x128xi32, #tpu.memory_space<hbm>>
      %dma_wait3A_281 = tpu.memref_squeeze %dma_wait3A_280 : memref<1x40x128xi32, #tpu.memory_space<hbm>> -> memref<40x128xi32, #tpu.memory_space<hbm>>
      %dma_wait3A_282 = arith.constant 0 : i32
      %dma_wait3A_283 = arith.constant 0 : i32
      %dma_wait3A_284 = tpu.memref_slice %arg2[%add3A, %dma_wait3A_282, %dma_wait3A_283] : memref<32x40x128xi32, #tpu.memory_space<hbm>> -> memref<1x40x128xi32, #tpu.memory_space<hbm>>
      %dma_wait3A_285 = tpu.memref_squeeze %dma_wait3A_284 : memref<1x40x128xi32, #tpu.memory_space<hbm>> -> memref<40x128xi32, #tpu.memory_space<hbm>>
      tpu.wait_dma2 semaphore(%run_scoped3A : memref<!tpu.dma_semaphore, #tpu.memory_space<semaphore_mem>>) src(%dma_wait3A_285 : memref<40x128xi32, #tpu.memory_space<hbm>>) dst(%arg5 : memref<40x128xi32, #tpu.memory_space<vmem>>)
      tpu.yield
    }) : () -> ()
    %dma_start3A = arith.constant 0 : i32
    %dma_start3A_3 = arith.constant 0 : i32
    %dma_start3A_4 = arith.constant 0 : i32
    %dma_start3A_5 = arith.constant 0 : i32
    %dma_start3A_6 = arith.constant 0 : i32
    %dma_start3A_7 = tpu.memref_slice %arg6[%dma_start3A_3, %dma_start3A_5, %dma_start3A_6] : memref<4x128x128xf32, #tpu.memory_space<vmem>> -> memref<1x128x128xf32, #tpu.memory_space<vmem>>
    %dma_start3A_8 = tpu.memref_squeeze %dma_start3A_7 : memref<1x128x128xf32, #tpu.memory_space<vmem>> -> memref<128x128xf32, #tpu.memory_space<vmem>>
    %dma_start3A_9 = arith.constant 0 : i32
    %dma_start3A_10 = tpu.memref_slice %arg5[%dma_start3A, %dma_start3A_9] : memref<40x128xi32, #tpu.memory_space<vmem>> -> memref<1x128xi32, #tpu.memory_space<vmem>>
    %dma_start3A_11 = tpu.memref_squeeze %dma_start3A_10 : memref<1x128xi32, #tpu.memory_space<vmem>> -> memref<128xi32, #tpu.memory_space<vmem>>
    %dma_start3A_12 = arith.constant 0 : i32
    %dma_start3A_13 = arith.constant 0 : i32
    %dma_start3A_14 = tpu.memref_slice %arg3[%dma_start3A_12, %dma_start3A_13] : memref<20000x128xf32, #tpu.memory_space<hbm>> -> memref<20000x128xf32, #tpu.memory_space<hbm>>
    %dma_start3A_15 = tpu.memref_slice %arg7[%dma_start3A_4] : memref<4x!tpu.dma_semaphore, #tpu.memory_space<semaphore_mem>> -> memref<1x!tpu.dma_semaphore, #tpu.memory_space<semaphore_mem>>
    %dma_start3A_16 = tpu.memref_squeeze %dma_start3A_15 : memref<1x!tpu.dma_semaphore, #tpu.memory_space<semaphore_mem>> -> memref<!tpu.dma_semaphore, #tpu.memory_space<semaphore_mem>>
    tpu.enqueue_indirect_dma source(%dma_start3A_14 : memref<20000x128xf32, #tpu.memory_space<hbm>>) target(%dma_start3A_8 : memref<128x128xf32, #tpu.memory_space<vmem>>) offsets(%dma_start3A_11 : memref<128xi32, #tpu.memory_space<vmem>>) semaphore(%dma_start3A_16 : memref<!tpu.dma_semaphore, #tpu.memory_space<semaphore_mem>>)
    %dma_start3A_17 = arith.constant 1 : i32
    %dma_start3A_18 = arith.constant 1 : i32
    %dma_start3A_19 = arith.constant 1 : i32
    %dma_start3A_20 = arith.constant 0 : i32
    %dma_start3A_21 = arith.constant 0 : i32
    %dma_start3A_22 = tpu.memref_slice %arg6[%dma_start3A_18, %dma_start3A_20, %dma_start3A_21] : memref<4x128x128xf32, #tpu.memory_space<vmem>> -> memref<1x128x128xf32, #tpu.memory_space<vmem>>
    %dma_start3A_23 = tpu.memref_squeeze %dma_start3A_22 : memref<1x128x128xf32, #tpu.memory_space<vmem>> -> memref<128x128xf32, #tpu.memory_space<vmem>>
    %dma_start3A_24 = arith.constant 0 : i32
    %dma_start3A_25 = tpu.memref_slice %arg5[%dma_start3A_17, %dma_start3A_24] : memref<40x128xi32, #tpu.memory_space<vmem>> -> memref<1x128xi32, #tpu.memory_space<vmem>>
    %dma_start3A_26 = tpu.memref_squeeze %dma_start3A_25 : memref<1x128xi32, #tpu.memory_space<vmem>> -> memref<128xi32, #tpu.memory_space<vmem>>
    %dma_start3A_27 = arith.constant 0 : i32
    %dma_start3A_28 = arith.constant 0 : i32
    %dma_start3A_29 = tpu.memref_slice %arg3[%dma_start3A_27, %dma_start3A_28] : memref<20000x128xf32, #tpu.memory_space<hbm>> -> memref<20000x128xf32, #tpu.memory_space<hbm>>
    %dma_start3A_30 = tpu.memref_slice %arg7[%dma_start3A_19] : memref<4x!tpu.dma_semaphore, #tpu.memory_space<semaphore_mem>> -> memref<1x!tpu.dma_semaphore, #tpu.memory_space<semaphore_mem>>
    %dma_start3A_31 = tpu.memref_squeeze %dma_start3A_30 : memref<1x!tpu.dma_semaphore, #tpu.memory_space<semaphore_mem>> -> memref<!tpu.dma_semaphore, #tpu.memory_space<semaphore_mem>>
    tpu.enqueue_indirect_dma source(%dma_start3A_29 : memref<20000x128xf32, #tpu.memory_space<hbm>>) target(%dma_start3A_23 : memref<128x128xf32, #tpu.memory_space<vmem>>) offsets(%dma_start3A_26 : memref<128xi32, #tpu.memory_space<vmem>>) semaphore(%dma_start3A_31 : memref<!tpu.dma_semaphore, #tpu.memory_space<semaphore_mem>>)
    %dma_start3A_32 = arith.constant 2 : i32
    %dma_start3A_33 = arith.constant 2 : i32
    %dma_start3A_34 = arith.constant 2 : i32
    %dma_start3A_35 = arith.constant 0 : i32
    %dma_start3A_36 = arith.constant 0 : i32
    %dma_start3A_37 = tpu.memref_slice %arg6[%dma_start3A_33, %dma_start3A_35, %dma_start3A_36] : memref<4x128x128xf32, #tpu.memory_space<vmem>> -> memref<1x128x128xf32, #tpu.memory_space<vmem>>
    %dma_start3A_38 = tpu.memref_squeeze %dma_start3A_37 : memref<1x128x128xf32, #tpu.memory_space<vmem>> -> memref<128x128xf32, #tpu.memory_space<vmem>>
    %dma_start3A_39 = arith.constant 0 : i32
    %dma_start3A_40 = tpu.memref_slice %arg5[%dma_start3A_32, %dma_start3A_39] : memref<40x128xi32, #tpu.memory_space<vmem>> -> memref<1x128xi32, #tpu.memory_space<vmem>>
    %dma_start3A_41 = tpu.memref_squeeze %dma_start3A_40 : memref<1x128xi32, #tpu.memory_space<vmem>> -> memref<128xi32, #tpu.memory_space<vmem>>
    %dma_start3A_42 = arith.constant 0 : i32
    %dma_start3A_43 = arith.constant 0 : i32
    %dma_start3A_44 = tpu.memref_slice %arg3[%dma_start3A_42, %dma_start3A_43] : memref<20000x128xf32, #tpu.memory_space<hbm>> -> memref<20000x128xf32, #tpu.memory_space<hbm>>
    %dma_start3A_45 = tpu.memref_slice %arg7[%dma_start3A_34] : memref<4x!tpu.dma_semaphore, #tpu.memory_space<semaphore_mem>> -> memref<1x!tpu.dma_semaphore, #tpu.memory_space<semaphore_mem>>
    %dma_start3A_46 = tpu.memref_squeeze %dma_start3A_45 : memref<1x!tpu.dma_semaphore, #tpu.memory_space<semaphore_mem>> -> memref<!tpu.dma_semaphore, #tpu.memory_space<semaphore_mem>>
    tpu.enqueue_indirect_dma source(%dma_start3A_44 : memref<20000x128xf32, #tpu.memory_space<hbm>>) target(%dma_start3A_38 : memref<128x128xf32, #tpu.memory_space<vmem>>) offsets(%dma_start3A_41 : memref<128xi32, #tpu.memory_space<vmem>>) semaphore(%dma_start3A_46 : memref<!tpu.dma_semaphore, #tpu.memory_space<semaphore_mem>>)
    %dma_start3A_47 = arith.constant 3 : i32
    %dma_start3A_48 = arith.constant 3 : i32
    %dma_start3A_49 = arith.constant 3 : i32
    %dma_start3A_50 = arith.constant 0 : i32
    %dma_start3A_51 = arith.constant 0 : i32
    %dma_start3A_52 = tpu.memref_slice %arg6[%dma_start3A_48, %dma_start3A_50, %dma_start3A_51] : memref<4x128x128xf32, #tpu.memory_space<vmem>> -> memref<1x128x128xf32, #tpu.memory_space<vmem>>
    %dma_start3A_53 = tpu.memref_squeeze %dma_start3A_52 : memref<1x128x128xf32, #tpu.memory_space<vmem>> -> memref<128x128xf32, #tpu.memory_space<vmem>>
    %dma_start3A_54 = arith.constant 0 : i32
    %dma_start3A_55 = tpu.memref_slice %arg5[%dma_start3A_47, %dma_start3A_54] : memref<40x128xi32, #tpu.memory_space<vmem>> -> memref<1x128xi32, #tpu.memory_space<vmem>>
    %dma_start3A_56 = tpu.memref_squeeze %dma_start3A_55 : memref<1x128xi32, #tpu.memory_space<vmem>> -> memref<128xi32, #tpu.memory_space<vmem>>
    %dma_start3A_57 = arith.constant 0 : i32
    %dma_start3A_58 = arith.constant 0 : i32
    %dma_start3A_59 = tpu.memref_slice %arg3[%dma_start3A_57, %dma_start3A_58] : memref<20000x128xf32, #tpu.memory_space<hbm>> -> memref<20000x128xf32, #tpu.memory_space<hbm>>
    %dma_start3A_60 = tpu.memref_slice %arg7[%dma_start3A_49] : memref<4x!tpu.dma_semaphore, #tpu.memory_space<semaphore_mem>> -> memref<1x!tpu.dma_semaphore, #tpu.memory_space<semaphore_mem>>
    %dma_start3A_61 = tpu.memref_squeeze %dma_start3A_60 : memref<1x!tpu.dma_semaphore, #tpu.memory_space<semaphore_mem>> -> memref<!tpu.dma_semaphore, #tpu.memory_space<semaphore_mem>>
    tpu.enqueue_indirect_dma source(%dma_start3A_59 : memref<20000x128xf32, #tpu.memory_space<hbm>>) target(%dma_start3A_53 : memref<128x128xf32, #tpu.memory_space<vmem>>) offsets(%dma_start3A_56 : memref<128xi32, #tpu.memory_space<vmem>>) semaphore(%dma_start3A_61 : memref<!tpu.dma_semaphore, #tpu.memory_space<semaphore_mem>>)
    %scan3A = arith.constant 0 : i32
    %scan3A_62 = arith.constant 0 : i32
    %scan3A_63 = arith.constant 36 : i32
    %scan3A_64 = arith.addi %scan3A_62, %scan3A_63 : i32
    %scan3A_65 = arith.constant 1 : i32
    scf.for %scan3A_270 = %scan3A_62 to %scan3A_64 step %scan3A_65  : i32 {
      %jit3A = arith.constant 4 : i32
      %eq3A = arith.constant 0 : i32
      %eq3A_271 = arith.cmpi eq, %jit3A, %eq3A : i32
      %jit3A_272 = arith.constant 1 : i32
      %select_n3A = arith.select %eq3A_271, %jit3A_272, %jit3A : i32
      %rem3A = arith.remsi %scan3A_270, %select_n3A : i32
      %ne3A = arith.constant 0 : i32
      %ne3A_273 = arith.cmpi ne, %rem3A, %ne3A : i32
      %lt3A = arith.constant 0 : i32
      %lt3A_274 = arith.cmpi slt, %rem3A, %lt3A : i32
      %lt3A_275 = arith.constant 0 : i32
      %lt3A_276 = arith.cmpi slt, %select_n3A, %lt3A_275 : i32
      %ne3A_277 = arith.xori %lt3A_274, %lt3A_276 : i1
      %and3A = arith.andi %ne3A_277, %ne3A_273 : i1
      %add3A_278 = arith.addi %rem3A, %select_n3A : i32
      %select_n3A_279 = arith.select %and3A, %add3A_278, %rem3A : i32
      %dma_wait3A_280 = arith.constant 0 : i32
      %dma_wait3A_281 = arith.constant 0 : i32
      %dma_wait3A_282 = tpu.memref_slice %arg6[%select_n3A_279, %dma_wait3A_280, %dma_wait3A_281] : memref<4x128x128xf32, #tpu.memory_space<vmem>> -> memref<1x128x128xf32, #tpu.memory_space<vmem>>
      %dma_wait3A_283 = tpu.memref_squeeze %dma_wait3A_282 : memref<1x128x128xf32, #tpu.memory_space<vmem>> -> memref<128x128xf32, #tpu.memory_space<vmem>>
      %dma_wait3A_284 = arith.constant 0 : i32
      %dma_wait3A_285 = tpu.memref_slice %arg5[%scan3A_270, %dma_wait3A_284] : memref<40x128xi32, #tpu.memory_space<vmem>> -> memref<1x128xi32, #tpu.memory_space<vmem>>
      %dma_wait3A_286 = tpu.memref_squeeze %dma_wait3A_285 : memref<1x128xi32, #tpu.memory_space<vmem>> -> memref<128xi32, #tpu.memory_space<vmem>>
      %dma_wait3A_287 = arith.constant 0 : i32
      %dma_wait3A_288 = arith.constant 0 : i32
      %dma_wait3A_289 = tpu.memref_slice %arg3[%dma_wait3A_287, %dma_wait3A_288] : memref<20000x128xf32, #tpu.memory_space<hbm>> -> memref<20000x128xf32, #tpu.memory_space<hbm>>
      %dma_wait3A_290 = tpu.memref_slice %arg7[%select_n3A_279] : memref<4x!tpu.dma_semaphore, #tpu.memory_space<semaphore_mem>> -> memref<1x!tpu.dma_semaphore, #tpu.memory_space<semaphore_mem>>
      %dma_wait3A_291 = tpu.memref_squeeze %dma_wait3A_290 : memref<1x!tpu.dma_semaphore, #tpu.memory_space<semaphore_mem>> -> memref<!tpu.dma_semaphore, #tpu.memory_space<semaphore_mem>>
      tpu.wait_indirect_dma semaphore(%dma_wait3A_291 : memref<!tpu.dma_semaphore, #tpu.memory_space<semaphore_mem>>) src(%dma_wait3A_289 : memref<20000x128xf32, #tpu.memory_space<hbm>>) dst(%dma_wait3A_283 : memref<128x128xf32, #tpu.memory_space<vmem>>)
      %mul3A_292 = arith.constant 128 : i32
      %mul3A_293 = arith.muli %scan3A_270, %mul3A_292 : i32
      %add3A_294 = arith.addi %mul3A_2, %mul3A_293 : i32
      %dma_start3A_295 = arith.constant 0 : i32
      %dma_start3A_296 = arith.constant 0 : i32
      %dma_start3A_297 = tpu.memref_slice %arg6[%select_n3A_279, %dma_start3A_295, %dma_start3A_296] : memref<4x128x128xf32, #tpu.memory_space<vmem>> -> memref<1x128x128xf32, #tpu.memory_space<vmem>>
      %dma_start3A_298 = tpu.memref_squeeze %dma_start3A_297 : memref<1x128x128xf32, #tpu.memory_space<vmem>> -> memref<128x128xf32, #tpu.memory_space<vmem>>
      %dma_start3A_299 = arith.constant 0 : i32
      %dma_start3A_300 = tpu.memref_slice %arg4[%add3A_294, %dma_start3A_299] : memref<163840x128xf32, #tpu.memory_space<hbm>> -> memref<128x128xf32, #tpu.memory_space<hbm>>
      %dma_start3A_301 = tpu.memref_slice %arg8[%select_n3A_279] : memref<4x!tpu.dma_semaphore, #tpu.memory_space<semaphore_mem>> -> memref<1x!tpu.dma_semaphore, #tpu.memory_space<semaphore_mem>>
      %dma_start3A_302 = tpu.memref_squeeze %dma_start3A_301 : memref<1x!tpu.dma_semaphore, #tpu.memory_space<semaphore_mem>> -> memref<!tpu.dma_semaphore, #tpu.memory_space<semaphore_mem>>
      %dma_start3A_303 = arith.constant 0 : i32
      %dma_start3A_304 = tpu.memref_slice %arg4[%add3A_294, %dma_start3A_303] : memref<163840x128xf32, #tpu.memory_space<hbm>> -> memref<128x128xf32, #tpu.memory_space<hbm>>
      %dma_start3A_305 = arith.constant 0 : i32
      %dma_start3A_306 = arith.constant 0 : i32
      %dma_start3A_307 = tpu.memref_slice %arg6[%select_n3A_279, %dma_start3A_305, %dma_start3A_306] : memref<4x128x128xf32, #tpu.memory_space<vmem>> -> memref<1x128x128xf32, #tpu.memory_space<vmem>>
      %dma_start3A_308 = tpu.memref_squeeze %dma_start3A_307 : memref<1x128x128xf32, #tpu.memory_space<vmem>> -> memref<128x128xf32, #tpu.memory_space<vmem>>
      tpu.enqueue_dma source(%dma_start3A_308 : memref<128x128xf32, #tpu.memory_space<vmem>>) target(%dma_start3A_304 : memref<128x128xf32, #tpu.memory_space<hbm>>) target_semaphore(%dma_start3A_302 : memref<!tpu.dma_semaphore, #tpu.memory_space<semaphore_mem>>)
      %mul3A_309 = arith.constant 128 : i32
      %mul3A_310 = arith.muli %scan3A_270, %mul3A_309 : i32
      %add3A_311 = arith.addi %mul3A_2, %mul3A_310 : i32
      %dma_wait3A_312 = arith.constant 0 : i32
      %dma_wait3A_313 = arith.constant 0 : i32
      %dma_wait3A_314 = tpu.memref_slice %arg6[%select_n3A_279, %dma_wait3A_312, %dma_wait3A_313] : memref<4x128x128xf32, #tpu.memory_space<vmem>> -> memref<1x128x128xf32, #tpu.memory_space<vmem>>
      %dma_wait3A_315 = tpu.memref_squeeze %dma_wait3A_314 : memref<1x128x128xf32, #tpu.memory_space<vmem>> -> memref<128x128xf32, #tpu.memory_space<vmem>>
      %dma_wait3A_316 = arith.constant 0 : i32
      %dma_wait3A_317 = tpu.memref_slice %arg4[%add3A_311, %dma_wait3A_316] : memref<163840x128xf32, #tpu.memory_space<hbm>> -> memref<128x128xf32, #tpu.memory_space<hbm>>
      %dma_wait3A_318 = tpu.memref_slice %arg8[%select_n3A_279] : memref<4x!tpu.dma_semaphore, #tpu.memory_space<semaphore_mem>> -> memref<1x!tpu.dma_semaphore, #tpu.memory_space<semaphore_mem>>
      %dma_wait3A_319 = tpu.memref_squeeze %dma_wait3A_318 : memref<1x!tpu.dma_semaphore, #tpu.memory_space<semaphore_mem>> -> memref<!tpu.dma_semaphore, #tpu.memory_space<semaphore_mem>>
      %dma_wait3A_320 = arith.constant 0 : i32
      %dma_wait3A_321 = tpu.memref_slice %arg4[%add3A_311, %dma_wait3A_320] : memref<163840x128xf32, #tpu.memory_space<hbm>> -> memref<128x128xf32, #tpu.memory_space<hbm>>
      %dma_wait3A_322 = arith.constant 0 : i32
      %dma_wait3A_323 = arith.constant 0 : i32
      %dma_wait3A_324 = tpu.memref_slice %arg6[%select_n3A_279, %dma_wait3A_322, %dma_wait3A_323] : memref<4x128x128xf32, #tpu.memory_space<vmem>> -> memref<1x128x128xf32, #tpu.memory_space<vmem>>
      %dma_wait3A_325 = tpu.memref_squeeze %dma_wait3A_324 : memref<1x128x128xf32, #tpu.memory_space<vmem>> -> memref<128x128xf32, #tpu.memory_space<vmem>>
      tpu.wait_dma2 semaphore(%dma_wait3A_319 : memref<!tpu.dma_semaphore, #tpu.memory_space<semaphore_mem>>) src(%dma_wait3A_325 : memref<128x128xf32, #tpu.memory_space<vmem>>) dst(%dma_wait3A_321 : memref<128x128xf32, #tpu.memory_space<hbm>>)
      %add3A_326 = arith.constant 4 : i32
      %add3A_327 = arith.addi %scan3A_270, %add3A_326 : i32
      %dma_start3A_328 = arith.constant 0 : i32
      %dma_start3A_329 = arith.constant 0 : i32
      %dma_start3A_330 = tpu.memref_slice %arg6[%select_n3A_279, %dma_start3A_328, %dma_start3A_329] : memref<4x128x128xf32, #tpu.memory_space<vmem>> -> memref<1x128x128xf32, #tpu.memory_space<vmem>>
      %dma_start3A_331 = tpu.memref_squeeze %dma_start3A_330 : memref<1x128x128xf32, #tpu.memory_space<vmem>> -> memref<128x128xf32, #tpu.memory_space<vmem>>
      %dma_start3A_332 = arith.constant 0 : i32
      %dma_start3A_333 = tpu.memref_slice %arg5[%add3A_327, %dma_start3A_332] : memref<40x128xi32, #tpu.memory_space<vmem>> -> memref<1x128xi32, #tpu.memory_space<vmem>>
      %dma_start3A_334 = tpu.memref_squeeze %dma_start3A_333 : memref<1x128xi32, #tpu.memory_space<vmem>> -> memref<128xi32, #tpu.memory_space<vmem>>
      %dma_start3A_335 = arith.constant 0 : i32
      %dma_start3A_336 = arith.constant 0 : i32
      %dma_start3A_337 = tpu.memref_slice %arg3[%dma_start3A_335, %dma_start3A_336] : memref<20000x128xf32, #tpu.memory_space<hbm>> -> memref<20000x128xf32, #tpu.memory_space<hbm>>
      %dma_start3A_338 = tpu.memref_slice %arg7[%select_n3A_279] : memref<4x!tpu.dma_semaphore, #tpu.memory_space<semaphore_mem>> -> memref<1x!tpu.dma_semaphore, #tpu.memory_space<semaphore_mem>>
      %dma_start3A_339 = tpu.memref_squeeze %dma_start3A_338 : memref<1x!tpu.dma_semaphore, #tpu.memory_space<semaphore_mem>> -> memref<!tpu.dma_semaphore, #tpu.memory_space<semaphore_mem>>
      tpu.enqueue_indirect_dma source(%dma_start3A_337 : memref<20000x128xf32, #tpu.memory_space<hbm>>) target(%dma_start3A_331 : memref<128x128xf32, #tpu.memory_space<vmem>>) offsets(%dma_start3A_334 : memref<128xi32, #tpu.memory_space<vmem>>) semaphore(%dma_start3A_339 : memref<!tpu.dma_semaphore, #tpu.memory_space<semaphore_mem>>)
    }
    %scan3A_66 = arith.constant 36 : i32
    %dma_wait3A = arith.constant 36 : i32
    %dma_wait3A_67 = arith.constant 0 : i32
    %dma_wait3A_68 = arith.constant 0 : i32
    %dma_wait3A_69 = arith.constant 0 : i32
    %dma_wait3A_70 = arith.constant 0 : i32
    %dma_wait3A_71 = tpu.memref_slice %arg6[%dma_wait3A_67, %dma_wait3A_69, %dma_wait3A_70] : memref<4x128x128xf32, #tpu.memory_space<vmem>> -> memref<1x128x128xf32, #tpu.memory_space<vmem>>
    %dma_wait3A_72 = tpu.memref_squeeze %dma_wait3A_71 : memref<1x128x128xf32, #tpu.memory_space<vmem>> -> memref<128x128xf32, #tpu.memory_space<vmem>>
    %dma_wait3A_73 = arith.constant 0 : i32
    %dma_wait3A_74 = tpu.memref_slice %arg5[%dma_wait3A, %dma_wait3A_73] : memref<40x128xi32, #tpu.memory_space<vmem>> -> memref<1x128xi32, #tpu.memory_space<vmem>>
    %dma_wait3A_75 = tpu.memref_squeeze %dma_wait3A_74 : memref<1x128xi32, #tpu.memory_space<vmem>> -> memref<128xi32, #tpu.memory_space<vmem>>
    %dma_wait3A_76 = arith.constant 0 : i32
    %dma_wait3A_77 = arith.constant 0 : i32
    %dma_wait3A_78 = tpu.memref_slice %arg3[%dma_wait3A_76, %dma_wait3A_77] : memref<20000x128xf32, #tpu.memory_space<hbm>> -> memref<20000x128xf32, #tpu.memory_space<hbm>>
    %dma_wait3A_79 = tpu.memref_slice %arg7[%dma_wait3A_68] : memref<4x!tpu.dma_semaphore, #tpu.memory_space<semaphore_mem>> -> memref<1x!tpu.dma_semaphore, #tpu.memory_space<semaphore_mem>>
    %dma_wait3A_80 = tpu.memref_squeeze %dma_wait3A_79 : memref<1x!tpu.dma_semaphore, #tpu.memory_space<semaphore_mem>> -> memref<!tpu.dma_semaphore, #tpu.memory_space<semaphore_mem>>
    tpu.wait_indirect_dma semaphore(%dma_wait3A_80 : memref<!tpu.dma_semaphore, #tpu.memory_space<semaphore_mem>>) src(%dma_wait3A_78 : memref<20000x128xf32, #tpu.memory_space<hbm>>) dst(%dma_wait3A_72 : memref<128x128xf32, #tpu.memory_space<vmem>>)
    %add3A_81 = arith.constant 4608 : i32
    %add3A_82 = arith.addi %mul3A_2, %add3A_81 : i32
    %dma_start3A_83 = arith.constant 0 : i32
    %dma_start3A_84 = arith.constant 0 : i32
    %dma_start3A_85 = arith.constant 0 : i32
    %dma_start3A_86 = arith.constant 0 : i32
    %dma_start3A_87 = tpu.memref_slice %arg6[%dma_start3A_83, %dma_start3A_85, %dma_start3A_86] : memref<4x128x128xf32, #tpu.memory_space<vmem>> -> memref<1x128x128xf32, #tpu.memory_space<vmem>>
    %dma_start3A_88 = tpu.memref_squeeze %dma_start3A_87 : memref<1x128x128xf32, #tpu.memory_space<vmem>> -> memref<128x128xf32, #tpu.memory_space<vmem>>
    %dma_start3A_89 = arith.constant 0 : i32
    %dma_start3A_90 = tpu.memref_slice %arg4[%add3A_82, %dma_start3A_89] : memref<163840x128xf32, #tpu.memory_space<hbm>> -> memref<128x128xf32, #tpu.memory_space<hbm>>
    %dma_start3A_91 = tpu.memref_slice %arg8[%dma_start3A_84] : memref<4x!tpu.dma_semaphore, #tpu.memory_space<semaphore_mem>> -> memref<1x!tpu.dma_semaphore, #tpu.memory_space<semaphore_mem>>
    %dma_start3A_92 = tpu.memref_squeeze %dma_start3A_91 : memref<1x!tpu.dma_semaphore, #tpu.memory_space<semaphore_mem>> -> memref<!tpu.dma_semaphore, #tpu.memory_space<semaphore_mem>>
    %dma_start3A_93 = arith.constant 0 : i32
    %dma_start3A_94 = tpu.memref_slice %arg4[%add3A_82, %dma_start3A_93] : memref<163840x128xf32, #tpu.memory_space<hbm>> -> memref<128x128xf32, #tpu.memory_space<hbm>>
    %dma_start3A_95 = arith.constant 0 : i32
    %dma_start3A_96 = arith.constant 0 : i32
    %dma_start3A_97 = tpu.memref_slice %arg6[%dma_start3A_83, %dma_start3A_95, %dma_start3A_96] : memref<4x128x128xf32, #tpu.memory_space<vmem>> -> memref<1x128x128xf32, #tpu.memory_space<vmem>>
    %dma_start3A_98 = tpu.memref_squeeze %dma_start3A_97 : memref<1x128x128xf32, #tpu.memory_space<vmem>> -> memref<128x128xf32, #tpu.memory_space<vmem>>
    tpu.enqueue_dma source(%dma_start3A_98 : memref<128x128xf32, #tpu.memory_space<vmem>>) target(%dma_start3A_94 : memref<128x128xf32, #tpu.memory_space<hbm>>) target_semaphore(%dma_start3A_92 : memref<!tpu.dma_semaphore, #tpu.memory_space<semaphore_mem>>)
    %dma_wait3A_99 = arith.constant 37 : i32
    %dma_wait3A_100 = arith.constant 1 : i32
    %dma_wait3A_101 = arith.constant 1 : i32
    %dma_wait3A_102 = arith.constant 0 : i32
    %dma_wait3A_103 = arith.constant 0 : i32
    %dma_wait3A_104 = tpu.memref_slice %arg6[%dma_wait3A_100, %dma_wait3A_102, %dma_wait3A_103] : memref<4x128x128xf32, #tpu.memory_space<vmem>> -> memref<1x128x128xf32, #tpu.memory_space<vmem>>
    %dma_wait3A_105 = tpu.memref_squeeze %dma_wait3A_104 : memref<1x128x128xf32, #tpu.memory_space<vmem>> -> memref<128x128xf32, #tpu.memory_space<vmem>>
    %dma_wait3A_106 = arith.constant 0 : i32
    %dma_wait3A_107 = tpu.memref_slice %arg5[%dma_wait3A_99, %dma_wait3A_106] : memref<40x128xi32, #tpu.memory_space<vmem>> -> memref<1x128xi32, #tpu.memory_space<vmem>>
    %dma_wait3A_108 = tpu.memref_squeeze %dma_wait3A_107 : memref<1x128xi32, #tpu.memory_space<vmem>> -> memref<128xi32, #tpu.memory_space<vmem>>
    %dma_wait3A_109 = arith.constant 0 : i32
    %dma_wait3A_110 = arith.constant 0 : i32
    %dma_wait3A_111 = tpu.memref_slice %arg3[%dma_wait3A_109, %dma_wait3A_110] : memref<20000x128xf32, #tpu.memory_space<hbm>> -> memref<20000x128xf32, #tpu.memory_space<hbm>>
    %dma_wait3A_112 = tpu.memref_slice %arg7[%dma_wait3A_101] : memref<4x!tpu.dma_semaphore, #tpu.memory_space<semaphore_mem>> -> memref<1x!tpu.dma_semaphore, #tpu.memory_space<semaphore_mem>>
    %dma_wait3A_113 = tpu.memref_squeeze %dma_wait3A_112 : memref<1x!tpu.dma_semaphore, #tpu.memory_space<semaphore_mem>> -> memref<!tpu.dma_semaphore, #tpu.memory_space<semaphore_mem>>
    tpu.wait_indirect_dma semaphore(%dma_wait3A_113 : memref<!tpu.dma_semaphore, #tpu.memory_space<semaphore_mem>>) src(%dma_wait3A_111 : memref<20000x128xf32, #tpu.memory_space<hbm>>) dst(%dma_wait3A_105 : memref<128x128xf32, #tpu.memory_space<vmem>>)
    %add3A_114 = arith.constant 4736 : i32
    %add3A_115 = arith.addi %mul3A_2, %add3A_114 : i32
    %dma_start3A_116 = arith.constant 1 : i32
    %dma_start3A_117 = arith.constant 1 : i32
    %dma_start3A_118 = arith.constant 0 : i32
    %dma_start3A_119 = arith.constant 0 : i32
    %dma_start3A_120 = tpu.memref_slice %arg6[%dma_start3A_116, %dma_start3A_118, %dma_start3A_119] : memref<4x128x128xf32, #tpu.memory_space<vmem>> -> memref<1x128x128xf32, #tpu.memory_space<vmem>>
    %dma_start3A_121 = tpu.memref_squeeze %dma_start3A_120 : memref<1x128x128xf32, #tpu.memory_space<vmem>> -> memref<128x128xf32, #tpu.memory_space<vmem>>
    %dma_start3A_122 = arith.constant 0 : i32
    %dma_start3A_123 = tpu.memref_slice %arg4[%add3A_115, %dma_start3A_122] : memref<163840x128xf32, #tpu.memory_space<hbm>> -> memref<128x128xf32, #tpu.memory_space<hbm>>
    %dma_start3A_124 = tpu.memref_slice %arg8[%dma_start3A_117] : memref<4x!tpu.dma_semaphore, #tpu.memory_space<semaphore_mem>> -> memref<1x!tpu.dma_semaphore, #tpu.memory_space<semaphore_mem>>
    %dma_start3A_125 = tpu.memref_squeeze %dma_start3A_124 : memref<1x!tpu.dma_semaphore, #tpu.memory_space<semaphore_mem>> -> memref<!tpu.dma_semaphore, #tpu.memory_space<semaphore_mem>>
    %dma_start3A_126 = arith.constant 0 : i32
    %dma_start3A_127 = tpu.memref_slice %arg4[%add3A_115, %dma_start3A_126] : memref<163840x128xf32, #tpu.memory_space<hbm>> -> memref<128x128xf32, #tpu.memory_space<hbm>>
    %dma_start3A_128 = arith.constant 0 : i32
    %dma_start3A_129 = arith.constant 0 : i32
    %dma_start3A_130 = tpu.memref_slice %arg6[%dma_start3A_116, %dma_start3A_128, %dma_start3A_129] : memref<4x128x128xf32, #tpu.memory_space<vmem>> -> memref<1x128x128xf32, #tpu.memory_space<vmem>>
    %dma_start3A_131 = tpu.memref_squeeze %dma_start3A_130 : memref<1x128x128xf32, #tpu.memory_space<vmem>> -> memref<128x128xf32, #tpu.memory_space<vmem>>
    tpu.enqueue_dma source(%dma_start3A_131 : memref<128x128xf32, #tpu.memory_space<vmem>>) target(%dma_start3A_127 : memref<128x128xf32, #tpu.memory_space<hbm>>) target_semaphore(%dma_start3A_125 : memref<!tpu.dma_semaphore, #tpu.memory_space<semaphore_mem>>)
    %dma_wait3A_132 = arith.constant 38 : i32
    %dma_wait3A_133 = arith.constant 2 : i32
    %dma_wait3A_134 = arith.constant 2 : i32
    %dma_wait3A_135 = arith.constant 0 : i32
    %dma_wait3A_136 = arith.constant 0 : i32
    %dma_wait3A_137 = tpu.memref_slice %arg6[%dma_wait3A_133, %dma_wait3A_135, %dma_wait3A_136] : memref<4x128x128xf32, #tpu.memory_space<vmem>> -> memref<1x128x128xf32, #tpu.memory_space<vmem>>
    %dma_wait3A_138 = tpu.memref_squeeze %dma_wait3A_137 : memref<1x128x128xf32, #tpu.memory_space<vmem>> -> memref<128x128xf32, #tpu.memory_space<vmem>>
    %dma_wait3A_139 = arith.constant 0 : i32
    %dma_wait3A_140 = tpu.memref_slice %arg5[%dma_wait3A_132, %dma_wait3A_139] : memref<40x128xi32, #tpu.memory_space<vmem>> -> memref<1x128xi32, #tpu.memory_space<vmem>>
    %dma_wait3A_141 = tpu.memref_squeeze %dma_wait3A_140 : memref<1x128xi32, #tpu.memory_space<vmem>> -> memref<128xi32, #tpu.memory_space<vmem>>
    %dma_wait3A_142 = arith.constant 0 : i32
    %dma_wait3A_143 = arith.constant 0 : i32
    %dma_wait3A_144 = tpu.memref_slice %arg3[%dma_wait3A_142, %dma_wait3A_143] : memref<20000x128xf32, #tpu.memory_space<hbm>> -> memref<20000x128xf32, #tpu.memory_space<hbm>>
    %dma_wait3A_145 = tpu.memref_slice %arg7[%dma_wait3A_134] : memref<4x!tpu.dma_semaphore, #tpu.memory_space<semaphore_mem>> -> memref<1x!tpu.dma_semaphore, #tpu.memory_space<semaphore_mem>>
    %dma_wait3A_146 = tpu.memref_squeeze %dma_wait3A_145 : memref<1x!tpu.dma_semaphore, #tpu.memory_space<semaphore_mem>> -> memref<!tpu.dma_semaphore, #tpu.memory_space<semaphore_mem>>
    tpu.wait_indirect_dma semaphore(%dma_wait3A_146 : memref<!tpu.dma_semaphore, #tpu.memory_space<semaphore_mem>>) src(%dma_wait3A_144 : memref<20000x128xf32, #tpu.memory_space<hbm>>) dst(%dma_wait3A_138 : memref<128x128xf32, #tpu.memory_space<vmem>>)
    %add3A_147 = arith.constant 4864 : i32
    %add3A_148 = arith.addi %mul3A_2, %add3A_147 : i32
    %dma_start3A_149 = arith.constant 2 : i32
    %dma_start3A_150 = arith.constant 2 : i32
    %dma_start3A_151 = arith.constant 0 : i32
    %dma_start3A_152 = arith.constant 0 : i32
    %dma_start3A_153 = tpu.memref_slice %arg6[%dma_start3A_149, %dma_start3A_151, %dma_start3A_152] : memref<4x128x128xf32, #tpu.memory_space<vmem>> -> memref<1x128x128xf32, #tpu.memory_space<vmem>>
    %dma_start3A_154 = tpu.memref_squeeze %dma_start3A_153 : memref<1x128x128xf32, #tpu.memory_space<vmem>> -> memref<128x128xf32, #tpu.memory_space<vmem>>
    %dma_start3A_155 = arith.constant 0 : i32
    %dma_start3A_156 = tpu.memref_slice %arg4[%add3A_148, %dma_start3A_155] : memref<163840x128xf32, #tpu.memory_space<hbm>> -> memref<128x128xf32, #tpu.memory_space<hbm>>
    %dma_start3A_157 = tpu.memref_slice %arg8[%dma_start3A_150] : memref<4x!tpu.dma_semaphore, #tpu.memory_space<semaphore_mem>> -> memref<1x!tpu.dma_semaphore, #tpu.memory_space<semaphore_mem>>
    %dma_start3A_158 = tpu.memref_squeeze %dma_start3A_157 : memref<1x!tpu.dma_semaphore, #tpu.memory_space<semaphore_mem>> -> memref<!tpu.dma_semaphore, #tpu.memory_space<semaphore_mem>>
    %dma_start3A_159 = arith.constant 0 : i32
    %dma_start3A_160 = tpu.memref_slice %arg4[%add3A_148, %dma_start3A_159] : memref<163840x128xf32, #tpu.memory_space<hbm>> -> memref<128x128xf32, #tpu.memory_space<hbm>>
    %dma_start3A_161 = arith.constant 0 : i32
    %dma_start3A_162 = arith.constant 0 : i32
    %dma_start3A_163 = tpu.memref_slice %arg6[%dma_start3A_149, %dma_start3A_161, %dma_start3A_162] : memref<4x128x128xf32, #tpu.memory_space<vmem>> -> memref<1x128x128xf32, #tpu.memory_space<vmem>>
    %dma_start3A_164 = tpu.memref_squeeze %dma_start3A_163 : memref<1x128x128xf32, #tpu.memory_space<vmem>> -> memref<128x128xf32, #tpu.memory_space<vmem>>
    tpu.enqueue_dma source(%dma_start3A_164 : memref<128x128xf32, #tpu.memory_space<vmem>>) target(%dma_start3A_160 : memref<128x128xf32, #tpu.memory_space<hbm>>) target_semaphore(%dma_start3A_158 : memref<!tpu.dma_semaphore, #tpu.memory_space<semaphore_mem>>)
    %dma_wait3A_165 = arith.constant 39 : i32
    %dma_wait3A_166 = arith.constant 3 : i32
    %dma_wait3A_167 = arith.constant 3 : i32
    %dma_wait3A_168 = arith.constant 0 : i32
    %dma_wait3A_169 = arith.constant 0 : i32
    %dma_wait3A_170 = tpu.memref_slice %arg6[%dma_wait3A_166, %dma_wait3A_168, %dma_wait3A_169] : memref<4x128x128xf32, #tpu.memory_space<vmem>> -> memref<1x128x128xf32, #tpu.memory_space<vmem>>
    %dma_wait3A_171 = tpu.memref_squeeze %dma_wait3A_170 : memref<1x128x128xf32, #tpu.memory_space<vmem>> -> memref<128x128xf32, #tpu.memory_space<vmem>>
    %dma_wait3A_172 = arith.constant 0 : i32
    %dma_wait3A_173 = tpu.memref_slice %arg5[%dma_wait3A_165, %dma_wait3A_172] : memref<40x128xi32, #tpu.memory_space<vmem>> -> memref<1x128xi32, #tpu.memory_space<vmem>>
    %dma_wait3A_174 = tpu.memref_squeeze %dma_wait3A_173 : memref<1x128xi32, #tpu.memory_space<vmem>> -> memref<128xi32, #tpu.memory_space<vmem>>
    %dma_wait3A_175 = arith.constant 0 : i32
    %dma_wait3A_176 = arith.constant 0 : i32
    %dma_wait3A_177 = tpu.memref_slice %arg3[%dma_wait3A_175, %dma_wait3A_176] : memref<20000x128xf32, #tpu.memory_space<hbm>> -> memref<20000x128xf32, #tpu.memory_space<hbm>>
    %dma_wait3A_178 = tpu.memref_slice %arg7[%dma_wait3A_167] : memref<4x!tpu.dma_semaphore, #tpu.memory_space<semaphore_mem>> -> memref<1x!tpu.dma_semaphore, #tpu.memory_space<semaphore_mem>>
    %dma_wait3A_179 = tpu.memref_squeeze %dma_wait3A_178 : memref<1x!tpu.dma_semaphore, #tpu.memory_space<semaphore_mem>> -> memref<!tpu.dma_semaphore, #tpu.memory_space<semaphore_mem>>
    tpu.wait_indirect_dma semaphore(%dma_wait3A_179 : memref<!tpu.dma_semaphore, #tpu.memory_space<semaphore_mem>>) src(%dma_wait3A_177 : memref<20000x128xf32, #tpu.memory_space<hbm>>) dst(%dma_wait3A_171 : memref<128x128xf32, #tpu.memory_space<vmem>>)
    %add3A_180 = arith.constant 4992 : i32
    %add3A_181 = arith.addi %mul3A_2, %add3A_180 : i32
    %dma_start3A_182 = arith.constant 3 : i32
    %dma_start3A_183 = arith.constant 3 : i32
    %dma_start3A_184 = arith.constant 0 : i32
    %dma_start3A_185 = arith.constant 0 : i32
    %dma_start3A_186 = tpu.memref_slice %arg6[%dma_start3A_182, %dma_start3A_184, %dma_start3A_185] : memref<4x128x128xf32, #tpu.memory_space<vmem>> -> memref<1x128x128xf32, #tpu.memory_space<vmem>>
    %dma_start3A_187 = tpu.memref_squeeze %dma_start3A_186 : memref<1x128x128xf32, #tpu.memory_space<vmem>> -> memref<128x128xf32, #tpu.memory_space<vmem>>
    %dma_start3A_188 = arith.constant 0 : i32
    %dma_start3A_189 = tpu.memref_slice %arg4[%add3A_181, %dma_start3A_188] : memref<163840x128xf32, #tpu.memory_space<hbm>> -> memref<128x128xf32, #tpu.memory_space<hbm>>
    %dma_start3A_190 = tpu.memref_slice %arg8[%dma_start3A_183] : memref<4x!tpu.dma_semaphore, #tpu.memory_space<semaphore_mem>> -> memref<1x!tpu.dma_semaphore, #tpu.memory_space<semaphore_mem>>
    %dma_start3A_191 = tpu.memref_squeeze %dma_start3A_190 : memref<1x!tpu.dma_semaphore, #tpu.memory_space<semaphore_mem>> -> memref<!tpu.dma_semaphore, #tpu.memory_space<semaphore_mem>>
    %dma_start3A_192 = arith.constant 0 : i32
    %dma_start3A_193 = tpu.memref_slice %arg4[%add3A_181, %dma_start3A_192] : memref<163840x128xf32, #tpu.memory_space<hbm>> -> memref<128x128xf32, #tpu.memory_space<hbm>>
    %dma_start3A_194 = arith.constant 0 : i32
    %dma_start3A_195 = arith.constant 0 : i32
    %dma_start3A_196 = tpu.memref_slice %arg6[%dma_start3A_182, %dma_start3A_194, %dma_start3A_195] : memref<4x128x128xf32, #tpu.memory_space<vmem>> -> memref<1x128x128xf32, #tpu.memory_space<vmem>>
    %dma_start3A_197 = tpu.memref_squeeze %dma_start3A_196 : memref<1x128x128xf32, #tpu.memory_space<vmem>> -> memref<128x128xf32, #tpu.memory_space<vmem>>
    tpu.enqueue_dma source(%dma_start3A_197 : memref<128x128xf32, #tpu.memory_space<vmem>>) target(%dma_start3A_193 : memref<128x128xf32, #tpu.memory_space<hbm>>) target_semaphore(%dma_start3A_191 : memref<!tpu.dma_semaphore, #tpu.memory_space<semaphore_mem>>)
    %add3A_198 = arith.constant 4608 : i32
    %add3A_199 = arith.addi %mul3A_2, %add3A_198 : i32
    %dma_wait3A_200 = arith.constant 0 : i32
    %dma_wait3A_201 = arith.constant 0 : i32
    %dma_wait3A_202 = arith.constant 0 : i32
    %dma_wait3A_203 = arith.constant 0 : i32
    %dma_wait3A_204 = tpu.memref_slice %arg6[%dma_wait3A_200, %dma_wait3A_202, %dma_wait3A_203] : memref<4x128x128xf32, #tpu.memory_space<vmem>> -> memref<1x128x128xf32, #tpu.memory_space<vmem>>
    %dma_wait3A_205 = tpu.memref_squeeze %dma_wait3A_204 : memref<1x128x128xf32, #tpu.memory_space<vmem>> -> memref<128x128xf32, #tpu.memory_space<vmem>>
    %dma_wait3A_206 = arith.constant 0 : i32
    %dma_wait3A_207 = tpu.memref_slice %arg4[%add3A_199, %dma_wait3A_206] : memref<163840x128xf32, #tpu.memory_space<hbm>> -> memref<128x128xf32, #tpu.memory_space<hbm>>
    %dma_wait3A_208 = tpu.memref_slice %arg8[%dma_wait3A_201] : memref<4x!tpu.dma_semaphore, #tpu.memory_space<semaphore_mem>> -> memref<1x!tpu.dma_semaphore, #tpu.memory_space<semaphore_mem>>
    %dma_wait3A_209 = tpu.memref_squeeze %dma_wait3A_208 : memref<1x!tpu.dma_semaphore, #tpu.memory_space<semaphore_mem>> -> memref<!tpu.dma_semaphore, #tpu.memory_space<semaphore_mem>>
    %dma_wait3A_210 = arith.constant 0 : i32
    %dma_wait3A_211 = tpu.memref_slice %arg4[%add3A_199, %dma_wait3A_210] : memref<163840x128xf32, #tpu.memory_space<hbm>> -> memref<128x128xf32, #tpu.memory_space<hbm>>
    %dma_wait3A_212 = arith.constant 0 : i32
    %dma_wait3A_213 = arith.constant 0 : i32
    %dma_wait3A_214 = tpu.memref_slice %arg6[%dma_wait3A_200, %dma_wait3A_212, %dma_wait3A_213] : memref<4x128x128xf32, #tpu.memory_space<vmem>> -> memref<1x128x128xf32, #tpu.memory_space<vmem>>
    %dma_wait3A_215 = tpu.memref_squeeze %dma_wait3A_214 : memref<1x128x128xf32, #tpu.memory_space<vmem>> -> memref<128x128xf32, #tpu.memory_space<vmem>>
    tpu.wait_dma2 semaphore(%dma_wait3A_209 : memref<!tpu.dma_semaphore, #tpu.memory_space<semaphore_mem>>) src(%dma_wait3A_215 : memref<128x128xf32, #tpu.memory_space<vmem>>) dst(%dma_wait3A_211 : memref<128x128xf32, #tpu.memory_space<hbm>>)
    %add3A_216 = arith.constant 4736 : i32
    %add3A_217 = arith.addi %mul3A_2, %add3A_216 : i32
    %dma_wait3A_218 = arith.constant 1 : i32
    %dma_wait3A_219 = arith.constant 1 : i32
    %dma_wait3A_220 = arith.constant 0 : i32
    %dma_wait3A_221 = arith.constant 0 : i32
    %dma_wait3A_222 = tpu.memref_slice %arg6[%dma_wait3A_218, %dma_wait3A_220, %dma_wait3A_221] : memref<4x128x128xf32, #tpu.memory_space<vmem>> -> memref<1x128x128xf32, #tpu.memory_space<vmem>>
    %dma_wait3A_223 = tpu.memref_squeeze %dma_wait3A_222 : memref<1x128x128xf32, #tpu.memory_space<vmem>> -> memref<128x128xf32, #tpu.memory_space<vmem>>
    %dma_wait3A_224 = arith.constant 0 : i32
    %dma_wait3A_225 = tpu.memref_slice %arg4[%add3A_217, %dma_wait3A_224] : memref<163840x128xf32, #tpu.memory_space<hbm>> -> memref<128x128xf32, #tpu.memory_space<hbm>>
    %dma_wait3A_226 = tpu.memref_slice %arg8[%dma_wait3A_219] : memref<4x!tpu.dma_semaphore, #tpu.memory_space<semaphore_mem>> -> memref<1x!tpu.dma_semaphore, #tpu.memory_space<semaphore_mem>>
    %dma_wait3A_227 = tpu.memref_squeeze %dma_wait3A_226 : memref<1x!tpu.dma_semaphore, #tpu.memory_space<semaphore_mem>> -> memref<!tpu.dma_semaphore, #tpu.memory_space<semaphore_mem>>
    %dma_wait3A_228 = arith.constant 0 : i32
    %dma_wait3A_229 = tpu.memref_slice %arg4[%add3A_217, %dma_wait3A_228] : memref<163840x128xf32, #tpu.memory_space<hbm>> -> memref<128x128xf32, #tpu.memory_space<hbm>>
    %dma_wait3A_230 = arith.constant 0 : i32
    %dma_wait3A_231 = arith.constant 0 : i32
    %dma_wait3A_232 = tpu.memref_slice %arg6[%dma_wait3A_218, %dma_wait3A_230, %dma_wait3A_231] : memref<4x128x128xf32, #tpu.memory_space<vmem>> -> memref<1x128x128xf32, #tpu.memory_space<vmem>>
    %dma_wait3A_233 = tpu.memref_squeeze %dma_wait3A_232 : memref<1x128x128xf32, #tpu.memory_space<vmem>> -> memref<128x128xf32, #tpu.memory_space<vmem>>
    tpu.wait_dma2 semaphore(%dma_wait3A_227 : memref<!tpu.dma_semaphore, #tpu.memory_space<semaphore_mem>>) src(%dma_wait3A_233 : memref<128x128xf32, #tpu.memory_space<vmem>>) dst(%dma_wait3A_229 : memref<128x128xf32, #tpu.memory_space<hbm>>)
    %add3A_234 = arith.constant 4864 : i32
    %add3A_235 = arith.addi %mul3A_2, %add3A_234 : i32
    %dma_wait3A_236 = arith.constant 2 : i32
    %dma_wait3A_237 = arith.constant 2 : i32
    %dma_wait3A_238 = arith.constant 0 : i32
    %dma_wait3A_239 = arith.constant 0 : i32
    %dma_wait3A_240 = tpu.memref_slice %arg6[%dma_wait3A_236, %dma_wait3A_238, %dma_wait3A_239] : memref<4x128x128xf32, #tpu.memory_space<vmem>> -> memref<1x128x128xf32, #tpu.memory_space<vmem>>
    %dma_wait3A_241 = tpu.memref_squeeze %dma_wait3A_240 : memref<1x128x128xf32, #tpu.memory_space<vmem>> -> memref<128x128xf32, #tpu.memory_space<vmem>>
    %dma_wait3A_242 = arith.constant 0 : i32
    %dma_wait3A_243 = tpu.memref_slice %arg4[%add3A_235, %dma_wait3A_242] : memref<163840x128xf32, #tpu.memory_space<hbm>> -> memref<128x128xf32, #tpu.memory_space<hbm>>
    %dma_wait3A_244 = tpu.memref_slice %arg8[%dma_wait3A_237] : memref<4x!tpu.dma_semaphore, #tpu.memory_space<semaphore_mem>> -> memref<1x!tpu.dma_semaphore, #tpu.memory_space<semaphore_mem>>
    %dma_wait3A_245 = tpu.memref_squeeze %dma_wait3A_244 : memref<1x!tpu.dma_semaphore, #tpu.memory_space<semaphore_mem>> -> memref<!tpu.dma_semaphore, #tpu.memory_space<semaphore_mem>>
    %dma_wait3A_246 = arith.constant 0 : i32
    %dma_wait3A_247 = tpu.memref_slice %arg4[%add3A_235, %dma_wait3A_246] : memref<163840x128xf32, #tpu.memory_space<hbm>> -> memref<128x128xf32, #tpu.memory_space<hbm>>
    %dma_wait3A_248 = arith.constant 0 : i32
    %dma_wait3A_249 = arith.constant 0 : i32
    %dma_wait3A_250 = tpu.memref_slice %arg6[%dma_wait3A_236, %dma_wait3A_248, %dma_wait3A_249] : memref<4x128x128xf32, #tpu.memory_space<vmem>> -> memref<1x128x128xf32, #tpu.memory_space<vmem>>
    %dma_wait3A_251 = tpu.memref_squeeze %dma_wait3A_250 : memref<1x128x128xf32, #tpu.memory_space<vmem>> -> memref<128x128xf32, #tpu.memory_space<vmem>>
    tpu.wait_dma2 semaphore(%dma_wait3A_245 : memref<!tpu.dma_semaphore, #tpu.memory_space<semaphore_mem>>) src(%dma_wait3A_251 : memref<128x128xf32, #tpu.memory_space<vmem>>) dst(%dma_wait3A_247 : memref<128x128xf32, #tpu.memory_space<hbm>>)
    %add3A_252 = arith.constant 4992 : i32
    %add3A_253 = arith.addi %mul3A_2, %add3A_252 : i32
    %dma_wait3A_254 = arith.constant 3 : i32
    %dma_wait3A_255 = arith.constant 3 : i32
    %dma_wait3A_256 = arith.constant 0 : i32
    %dma_wait3A_257 = arith.constant 0 : i32
    %dma_wait3A_258 = tpu.memref_slice %arg6[%dma_wait3A_254, %dma_wait3A_256, %dma_wait3A_257] : memref<4x128x128xf32, #tpu.memory_space<vmem>> -> memref<1x128x128xf32, #tpu.memory_space<vmem>>
    %dma_wait3A_259 = tpu.memref_squeeze %dma_wait3A_258 : memref<1x128x128xf32, #tpu.memory_space<vmem>> -> memref<128x128xf32, #tpu.memory_space<vmem>>
    %dma_wait3A_260 = arith.constant 0 : i32
    %dma_wait3A_261 = tpu.memref_slice %arg4[%add3A_253, %dma_wait3A_260] : memref<163840x128xf32, #tpu.memory_space<hbm>> -> memref<128x128xf32, #tpu.memory_space<hbm>>
    %dma_wait3A_262 = tpu.memref_slice %arg8[%dma_wait3A_255] : memref<4x!tpu.dma_semaphore, #tpu.memory_space<semaphore_mem>> -> memref<1x!tpu.dma_semaphore, #tpu.memory_space<semaphore_mem>>
    %dma_wait3A_263 = tpu.memref_squeeze %dma_wait3A_262 : memref<1x!tpu.dma_semaphore, #tpu.memory_space<semaphore_mem>> -> memref<!tpu.dma_semaphore, #tpu.memory_space<semaphore_mem>>
    %dma_wait3A_264 = arith.constant 0 : i32
    %dma_wait3A_265 = tpu.memref_slice %arg4[%add3A_253, %dma_wait3A_264] : memref<163840x128xf32, #tpu.memory_space<hbm>> -> memref<128x128xf32, #tpu.memory_space<hbm>>
    %dma_wait3A_266 = arith.constant 0 : i32
    %dma_wait3A_267 = arith.constant 0 : i32
    %dma_wait3A_268 = tpu.memref_slice %arg6[%dma_wait3A_254, %dma_wait3A_266, %dma_wait3A_267] : memref<4x128x128xf32, #tpu.memory_space<vmem>> -> memref<1x128x128xf32, #tpu.memory_space<vmem>>
    %dma_wait3A_269 = tpu.memref_squeeze %dma_wait3A_268 : memref<1x128x128xf32, #tpu.memory_space<vmem>> -> memref<128x128xf32, #tpu.memory_space<vmem>>
    tpu.wait_dma2 semaphore(%dma_wait3A_263 : memref<!tpu.dma_semaphore, #tpu.memory_space<semaphore_mem>>) src(%dma_wait3A_269 : memref<128x128xf32, #tpu.memory_space<vmem>>) dst(%dma_wait3A_265 : memref<128x128xf32, #tpu.memory_space<hbm>>)
    return
  }
}

#map = affine_map<(d0, d1) -> (0, 0, 0)>
#map1 = affine_map<(d0, d1) -> (0, 0)>
module attributes {stable_mosaic.version = 14 : i64} {
  func.func @_gather_body(%arg0: i32, %arg1: i32, %arg2: memref<32x40x128xi32, #tpu.memory_space<hbm>>, %arg3: memref<20000x128xf32, #tpu.memory_space<hbm>>, %arg4: memref<163840x128xf32, #tpu.memory_space<hbm>>, %arg5: memref<40x128xi32, #tpu.memory_space<vmem>>, %arg6: memref<4x128x128xf32, #tpu.memory_space<vmem>>, %arg7: memref<4x!tpu.dma_semaphore, #tpu.memory_space<semaphore_mem>>, %arg8: memref<4x!tpu.dma_semaphore, #tpu.memory_space<semaphore_mem>>) attributes {dimension_semantics = [#tpu.dimension_semantics<core_parallel>, #tpu.dimension_semantics<subcore_parallel>], iteration_bounds = array<i64: 2, 16>, scalar_prefetch = 0 : i64, scratch_operands = 4 : i64, tpu.core_type = #tpu.core_type<sc_vector_subcore>, window_params = [{transform_indices = #map}, {transform_indices = #map1}, {transform_indices = #map1}]} {
    %mul3A = arith.constant 2 : i32
    %mul3A_0 = arith.muli %arg1, %mul3A : i32
    %add3A = arith.addi %mul3A_0, %arg0 : i32
    %mul3A_1 = arith.constant 5120 : i32
    %mul3A_2 = arith.muli %add3A, %mul3A_1 : i32
    "tpu.region"() ({
      %run_scoped3A = tpu.sem_alloc : memref<!tpu.dma_semaphore, #tpu.memory_space<semaphore_mem>>
      %dma_start3A_270 = arith.constant 0 : i32
      %dma_start3A_271 = arith.constant 0 : i32
      %dma_start3A_272 = tpu.memref_slice %arg2[%add3A, %dma_start3A_270, %dma_start3A_271] : memref<32x40x128xi32, #tpu.memory_space<hbm>> -> memref<1x40x128xi32, #tpu.memory_space<hbm>>
      %dma_start3A_273 = tpu.memref_squeeze %dma_start3A_272 : memref<1x40x128xi32, #tpu.memory_space<hbm>> -> memref<40x128xi32, #tpu.memory_space<hbm>>
      %dma_start3A_274 = arith.constant 0 : i32
      %dma_start3A_275 = arith.constant 0 : i32
      %dma_start3A_276 = tpu.memref_slice %arg2[%add3A, %dma_start3A_274, %dma_start3A_275] : memref<32x40x128xi32, #tpu.memory_space<hbm>> -> memref<1x40x128xi32, #tpu.memory_space<hbm>>
      %dma_start3A_277 = tpu.memref_squeeze %dma_start3A_276 : memref<1x40x128xi32, #tpu.memory_space<hbm>> -> memref<40x128xi32, #tpu.memory_space<hbm>>
      tpu.enqueue_dma source(%dma_start3A_277 : memref<40x128xi32, #tpu.memory_space<hbm>>) target(%arg5 : memref<40x128xi32, #tpu.memory_space<vmem>>) target_semaphore(%run_scoped3A : memref<!tpu.dma_semaphore, #tpu.memory_space<semaphore_mem>>)
      %dma_wait3A_278 = arith.constant 0 : i32
      %dma_wait3A_279 = arith.constant 0 : i32
      %dma_wait3A_280 = tpu.memref_slice %arg2[%add3A, %dma_wait3A_278, %dma_wait3A_279] : memref<32x40x128xi32, #tpu.memory_space<hbm>> -> memref<1x40x128xi32, #tpu.memory_space<hbm>>
      %dma_wait3A_281 = tpu.memref_squeeze %dma_wait3A_280 : memref<1x40x128xi32, #tpu.memory_space<hbm>> -> memref<40x128xi32, #tpu.memory_space<hbm>>
      %dma_wait3A_282 = arith.constant 0 : i32
      %dma_wait3A_283 = arith.constant 0 : i32
      %dma_wait3A_284 = tpu.memref_slice %arg2[%add3A, %dma_wait3A_282, %dma_wait3A_283] : memref<32x40x128xi32, #tpu.memory_space<hbm>> -> memref<1x40x128xi32, #tpu.memory_space<hbm>>
      %dma_wait3A_285 = tpu.memref_squeeze %dma_wait3A_284 : memref<1x40x128xi32, #tpu.memory_space<hbm>> -> memref<40x128xi32, #tpu.memory_space<hbm>>
      tpu.wait_dma2 semaphore(%run_scoped3A : memref<!tpu.dma_semaphore, #tpu.memory_space<semaphore_mem>>) src(%dma_wait3A_285 : memref<40x128xi32, #tpu.memory_space<hbm>>) dst(%arg5 : memref<40x128xi32, #tpu.memory_space<vmem>>)
      tpu.yield
    }) : () -> ()
    %dma_start3A = arith.constant 0 : i32
    %dma_start3A_3 = arith.constant 0 : i32
    %dma_start3A_4 = arith.constant 0 : i32
    %dma_start3A_5 = arith.constant 0 : i32
    %dma_start3A_6 = arith.constant 0 : i32
    %dma_start3A_7 = tpu.memref_slice %arg6[%dma_start3A_3, %dma_start3A_5, %dma_start3A_6] : memref<4x128x128xf32, #tpu.memory_space<vmem>> -> memref<1x128x128xf32, #tpu.memory_space<vmem>>
    %dma_start3A_8 = tpu.memref_squeeze %dma_start3A_7 : memref<1x128x128xf32, #tpu.memory_space<vmem>> -> memref<128x128xf32, #tpu.memory_space<vmem>>
    %dma_start3A_9 = arith.constant 0 : i32
    %dma_start3A_10 = tpu.memref_slice %arg5[%dma_start3A, %dma_start3A_9] : memref<40x128xi32, #tpu.memory_space<vmem>> -> memref<1x128xi32, #tpu.memory_space<vmem>>
    %dma_start3A_11 = tpu.memref_squeeze %dma_start3A_10 : memref<1x128xi32, #tpu.memory_space<vmem>> -> memref<128xi32, #tpu.memory_space<vmem>>
    %dma_start3A_12 = arith.constant 0 : i32
    %dma_start3A_13 = arith.constant 0 : i32
    %dma_start3A_14 = tpu.memref_slice %arg3[%dma_start3A_12, %dma_start3A_13] : memref<20000x128xf32, #tpu.memory_space<hbm>> -> memref<20000x128xf32, #tpu.memory_space<hbm>>
    %dma_start3A_15 = tpu.memref_slice %arg7[%dma_start3A_4] : memref<4x!tpu.dma_semaphore, #tpu.memory_space<semaphore_mem>> -> memref<1x!tpu.dma_semaphore, #tpu.memory_space<semaphore_mem>>
    %dma_start3A_16 = tpu.memref_squeeze %dma_start3A_15 : memref<1x!tpu.dma_semaphore, #tpu.memory_space<semaphore_mem>> -> memref<!tpu.dma_semaphore, #tpu.memory_space<semaphore_mem>>
    tpu.enqueue_indirect_dma source(%dma_start3A_14 : memref<20000x128xf32, #tpu.memory_space<hbm>>) target(%dma_start3A_8 : memref<128x128xf32, #tpu.memory_space<vmem>>) offsets(%dma_start3A_11 : memref<128xi32, #tpu.memory_space<vmem>>) semaphore(%dma_start3A_16 : memref<!tpu.dma_semaphore, #tpu.memory_space<semaphore_mem>>)
    %dma_start3A_17 = arith.constant 1 : i32
    %dma_start3A_18 = arith.constant 1 : i32
    %dma_start3A_19 = arith.constant 1 : i32
    %dma_start3A_20 = arith.constant 0 : i32
    %dma_start3A_21 = arith.constant 0 : i32
    %dma_start3A_22 = tpu.memref_slice %arg6[%dma_start3A_18, %dma_start3A_20, %dma_start3A_21] : memref<4x128x128xf32, #tpu.memory_space<vmem>> -> memref<1x128x128xf32, #tpu.memory_space<vmem>>
    %dma_start3A_23 = tpu.memref_squeeze %dma_start3A_22 : memref<1x128x128xf32, #tpu.memory_space<vmem>> -> memref<128x128xf32, #tpu.memory_space<vmem>>
    %dma_start3A_24 = arith.constant 0 : i32
    %dma_start3A_25 = tpu.memref_slice %arg5[%dma_start3A_17, %dma_start3A_24] : memref<40x128xi32, #tpu.memory_space<vmem>> -> memref<1x128xi32, #tpu.memory_space<vmem>>
    %dma_start3A_26 = tpu.memref_squeeze %dma_start3A_25 : memref<1x128xi32, #tpu.memory_space<vmem>> -> memref<128xi32, #tpu.memory_space<vmem>>
    %dma_start3A_27 = arith.constant 0 : i32
    %dma_start3A_28 = arith.constant 0 : i32
    %dma_start3A_29 = tpu.memref_slice %arg3[%dma_start3A_27, %dma_start3A_28] : memref<20000x128xf32, #tpu.memory_space<hbm>> -> memref<20000x128xf32, #tpu.memory_space<hbm>>
    %dma_start3A_30 = tpu.memref_slice %arg7[%dma_start3A_19] : memref<4x!tpu.dma_semaphore, #tpu.memory_space<semaphore_mem>> -> memref<1x!tpu.dma_semaphore, #tpu.memory_space<semaphore_mem>>
    %dma_start3A_31 = tpu.memref_squeeze %dma_start3A_30 : memref<1x!tpu.dma_semaphore, #tpu.memory_space<semaphore_mem>> -> memref<!tpu.dma_semaphore, #tpu.memory_space<semaphore_mem>>
    tpu.enqueue_indirect_dma source(%dma_start3A_29 : memref<20000x128xf32, #tpu.memory_space<hbm>>) target(%dma_start3A_23 : memref<128x128xf32, #tpu.memory_space<vmem>>) offsets(%dma_start3A_26 : memref<128xi32, #tpu.memory_space<vmem>>) semaphore(%dma_start3A_31 : memref<!tpu.dma_semaphore, #tpu.memory_space<semaphore_mem>>)
    %dma_start3A_32 = arith.constant 2 : i32
    %dma_start3A_33 = arith.constant 2 : i32
    %dma_start3A_34 = arith.constant 2 : i32
    %dma_start3A_35 = arith.constant 0 : i32
    %dma_start3A_36 = arith.constant 0 : i32
    %dma_start3A_37 = tpu.memref_slice %arg6[%dma_start3A_33, %dma_start3A_35, %dma_start3A_36] : memref<4x128x128xf32, #tpu.memory_space<vmem>> -> memref<1x128x128xf32, #tpu.memory_space<vmem>>
    %dma_start3A_38 = tpu.memref_squeeze %dma_start3A_37 : memref<1x128x128xf32, #tpu.memory_space<vmem>> -> memref<128x128xf32, #tpu.memory_space<vmem>>
    %dma_start3A_39 = arith.constant 0 : i32
    %dma_start3A_40 = tpu.memref_slice %arg5[%dma_start3A_32, %dma_start3A_39] : memref<40x128xi32, #tpu.memory_space<vmem>> -> memref<1x128xi32, #tpu.memory_space<vmem>>
    %dma_start3A_41 = tpu.memref_squeeze %dma_start3A_40 : memref<1x128xi32, #tpu.memory_space<vmem>> -> memref<128xi32, #tpu.memory_space<vmem>>
    %dma_start3A_42 = arith.constant 0 : i32
    %dma_start3A_43 = arith.constant 0 : i32
    %dma_start3A_44 = tpu.memref_slice %arg3[%dma_start3A_42, %dma_start3A_43] : memref<20000x128xf32, #tpu.memory_space<hbm>> -> memref<20000x128xf32, #tpu.memory_space<hbm>>
    %dma_start3A_45 = tpu.memref_slice %arg7[%dma_start3A_34] : memref<4x!tpu.dma_semaphore, #tpu.memory_space<semaphore_mem>> -> memref<1x!tpu.dma_semaphore, #tpu.memory_space<semaphore_mem>>
    %dma_start3A_46 = tpu.memref_squeeze %dma_start3A_45 : memref<1x!tpu.dma_semaphore, #tpu.memory_space<semaphore_mem>> -> memref<!tpu.dma_semaphore, #tpu.memory_space<semaphore_mem>>
    tpu.enqueue_indirect_dma source(%dma_start3A_44 : memref<20000x128xf32, #tpu.memory_space<hbm>>) target(%dma_start3A_38 : memref<128x128xf32, #tpu.memory_space<vmem>>) offsets(%dma_start3A_41 : memref<128xi32, #tpu.memory_space<vmem>>) semaphore(%dma_start3A_46 : memref<!tpu.dma_semaphore, #tpu.memory_space<semaphore_mem>>)
    %dma_start3A_47 = arith.constant 3 : i32
    %dma_start3A_48 = arith.constant 3 : i32
    %dma_start3A_49 = arith.constant 3 : i32
    %dma_start3A_50 = arith.constant 0 : i32
    %dma_start3A_51 = arith.constant 0 : i32
    %dma_start3A_52 = tpu.memref_slice %arg6[%dma_start3A_48, %dma_start3A_50, %dma_start3A_51] : memref<4x128x128xf32, #tpu.memory_space<vmem>> -> memref<1x128x128xf32, #tpu.memory_space<vmem>>
    %dma_start3A_53 = tpu.memref_squeeze %dma_start3A_52 : memref<1x128x128xf32, #tpu.memory_space<vmem>> -> memref<128x128xf32, #tpu.memory_space<vmem>>
    %dma_start3A_54 = arith.constant 0 : i32
    %dma_start3A_55 = tpu.memref_slice %arg5[%dma_start3A_47, %dma_start3A_54] : memref<40x128xi32, #tpu.memory_space<vmem>> -> memref<1x128xi32, #tpu.memory_space<vmem>>
    %dma_start3A_56 = tpu.memref_squeeze %dma_start3A_55 : memref<1x128xi32, #tpu.memory_space<vmem>> -> memref<128xi32, #tpu.memory_space<vmem>>
    %dma_start3A_57 = arith.constant 0 : i32
    %dma_start3A_58 = arith.constant 0 : i32
    %dma_start3A_59 = tpu.memref_slice %arg3[%dma_start3A_57, %dma_start3A_58] : memref<20000x128xf32, #tpu.memory_space<hbm>> -> memref<20000x128xf32, #tpu.memory_space<hbm>>
    %dma_start3A_60 = tpu.memref_slice %arg7[%dma_start3A_49] : memref<4x!tpu.dma_semaphore, #tpu.memory_space<semaphore_mem>> -> memref<1x!tpu.dma_semaphore, #tpu.memory_space<semaphore_mem>>
    %dma_start3A_61 = tpu.memref_squeeze %dma_start3A_60 : memref<1x!tpu.dma_semaphore, #tpu.memory_space<semaphore_mem>> -> memref<!tpu.dma_semaphore, #tpu.memory_space<semaphore_mem>>
    tpu.enqueue_indirect_dma source(%dma_start3A_59 : memref<20000x128xf32, #tpu.memory_space<hbm>>) target(%dma_start3A_53 : memref<128x128xf32, #tpu.memory_space<vmem>>) offsets(%dma_start3A_56 : memref<128xi32, #tpu.memory_space<vmem>>) semaphore(%dma_start3A_61 : memref<!tpu.dma_semaphore, #tpu.memory_space<semaphore_mem>>)
    %scan3A = arith.constant 0 : i32
    %scan3A_62 = arith.constant 0 : i32
    %scan3A_63 = arith.constant 36 : i32
    %scan3A_64 = arith.addi %scan3A_62, %scan3A_63 : i32
    %scan3A_65 = arith.constant 1 : i32
    scf.for %scan3A_270 = %scan3A_62 to %scan3A_64 step %scan3A_65  : i32 {
      %jit3A = arith.constant 4 : i32
      %eq3A = arith.constant 0 : i32
      %eq3A_271 = arith.cmpi eq, %jit3A, %eq3A : i32
      %jit3A_272 = arith.constant 1 : i32
      %select_n3A = arith.select %eq3A_271, %jit3A_272, %jit3A : i32
      %rem3A = arith.remsi %scan3A_270, %select_n3A : i32
      %ne3A = arith.constant 0 : i32
      %ne3A_273 = arith.cmpi ne, %rem3A, %ne3A : i32
      %lt3A = arith.constant 0 : i32
      %lt3A_274 = arith.cmpi slt, %rem3A, %lt3A : i32
      %lt3A_275 = arith.constant 0 : i32
      %lt3A_276 = arith.cmpi slt, %select_n3A, %lt3A_275 : i32
      %ne3A_277 = arith.xori %lt3A_274, %lt3A_276 : i1
      %and3A = arith.andi %ne3A_277, %ne3A_273 : i1
      %add3A_278 = arith.addi %rem3A, %select_n3A : i32
      %select_n3A_279 = arith.select %and3A, %add3A_278, %rem3A : i32
      %dma_wait3A_280 = arith.constant 0 : i32
      %dma_wait3A_281 = arith.constant 0 : i32
      %dma_wait3A_282 = tpu.memref_slice %arg6[%select_n3A_279, %dma_wait3A_280, %dma_wait3A_281] : memref<4x128x128xf32, #tpu.memory_space<vmem>> -> memref<1x128x128xf32, #tpu.memory_space<vmem>>
      %dma_wait3A_283 = tpu.memref_squeeze %dma_wait3A_282 : memref<1x128x128xf32, #tpu.memory_space<vmem>> -> memref<128x128xf32, #tpu.memory_space<vmem>>
      %dma_wait3A_284 = arith.constant 0 : i32
      %dma_wait3A_285 = tpu.memref_slice %arg5[%scan3A_270, %dma_wait3A_284] : memref<40x128xi32, #tpu.memory_space<vmem>> -> memref<1x128xi32, #tpu.memory_space<vmem>>
      %dma_wait3A_286 = tpu.memref_squeeze %dma_wait3A_285 : memref<1x128xi32, #tpu.memory_space<vmem>> -> memref<128xi32, #tpu.memory_space<vmem>>
      %dma_wait3A_287 = arith.constant 0 : i32
      %dma_wait3A_288 = arith.constant 0 : i32
      %dma_wait3A_289 = tpu.memref_slice %arg3[%dma_wait3A_287, %dma_wait3A_288] : memref<20000x128xf32, #tpu.memory_space<hbm>> -> memref<20000x128xf32, #tpu.memory_space<hbm>>
      %dma_wait3A_290 = tpu.memref_slice %arg7[%select_n3A_279] : memref<4x!tpu.dma_semaphore, #tpu.memory_space<semaphore_mem>> -> memref<1x!tpu.dma_semaphore, #tpu.memory_space<semaphore_mem>>
      %dma_wait3A_291 = tpu.memref_squeeze %dma_wait3A_290 : memref<1x!tpu.dma_semaphore, #tpu.memory_space<semaphore_mem>> -> memref<!tpu.dma_semaphore, #tpu.memory_space<semaphore_mem>>
      tpu.wait_indirect_dma semaphore(%dma_wait3A_291 : memref<!tpu.dma_semaphore, #tpu.memory_space<semaphore_mem>>) src(%dma_wait3A_289 : memref<20000x128xf32, #tpu.memory_space<hbm>>) dst(%dma_wait3A_283 : memref<128x128xf32, #tpu.memory_space<vmem>>)
      %mul3A_292 = arith.constant 128 : i32
      %mul3A_293 = arith.muli %scan3A_270, %mul3A_292 : i32
      %add3A_294 = arith.addi %mul3A_2, %mul3A_293 : i32
      %dma_start3A_295 = arith.constant 0 : i32
      %dma_start3A_296 = arith.constant 0 : i32
      %dma_start3A_297 = tpu.memref_slice %arg6[%select_n3A_279, %dma_start3A_295, %dma_start3A_296] : memref<4x128x128xf32, #tpu.memory_space<vmem>> -> memref<1x128x128xf32, #tpu.memory_space<vmem>>
      %dma_start3A_298 = tpu.memref_squeeze %dma_start3A_297 : memref<1x128x128xf32, #tpu.memory_space<vmem>> -> memref<128x128xf32, #tpu.memory_space<vmem>>
      %dma_start3A_299 = arith.constant 0 : i32
      %dma_start3A_300 = tpu.memref_slice %arg4[%add3A_294, %dma_start3A_299] : memref<163840x128xf32, #tpu.memory_space<hbm>> -> memref<128x128xf32, #tpu.memory_space<hbm>>
      %dma_start3A_301 = tpu.memref_slice %arg8[%select_n3A_279] : memref<4x!tpu.dma_semaphore, #tpu.memory_space<semaphore_mem>> -> memref<1x!tpu.dma_semaphore, #tpu.memory_space<semaphore_mem>>
      %dma_start3A_302 = tpu.memref_squeeze %dma_start3A_301 : memref<1x!tpu.dma_semaphore, #tpu.memory_space<semaphore_mem>> -> memref<!tpu.dma_semaphore, #tpu.memory_space<semaphore_mem>>
      %dma_start3A_303 = arith.constant 0 : i32
      %dma_start3A_304 = tpu.memref_slice %arg4[%add3A_294, %dma_start3A_303] : memref<163840x128xf32, #tpu.memory_space<hbm>> -> memref<128x128xf32, #tpu.memory_space<hbm>>
      %dma_start3A_305 = arith.constant 0 : i32
      %dma_start3A_306 = arith.constant 0 : i32
      %dma_start3A_307 = tpu.memref_slice %arg6[%select_n3A_279, %dma_start3A_305, %dma_start3A_306] : memref<4x128x128xf32, #tpu.memory_space<vmem>> -> memref<1x128x128xf32, #tpu.memory_space<vmem>>
      %dma_start3A_308 = tpu.memref_squeeze %dma_start3A_307 : memref<1x128x128xf32, #tpu.memory_space<vmem>> -> memref<128x128xf32, #tpu.memory_space<vmem>>
      tpu.enqueue_dma source(%dma_start3A_308 : memref<128x128xf32, #tpu.memory_space<vmem>>) target(%dma_start3A_304 : memref<128x128xf32, #tpu.memory_space<hbm>>) target_semaphore(%dma_start3A_302 : memref<!tpu.dma_semaphore, #tpu.memory_space<semaphore_mem>>)
      %mul3A_309 = arith.constant 128 : i32
      %mul3A_310 = arith.muli %scan3A_270, %mul3A_309 : i32
      %add3A_311 = arith.addi %mul3A_2, %mul3A_310 : i32
      %dma_wait3A_312 = arith.constant 0 : i32
      %dma_wait3A_313 = arith.constant 0 : i32
      %dma_wait3A_314 = tpu.memref_slice %arg6[%select_n3A_279, %dma_wait3A_312, %dma_wait3A_313] : memref<4x128x128xf32, #tpu.memory_space<vmem>> -> memref<1x128x128xf32, #tpu.memory_space<vmem>>
      %dma_wait3A_315 = tpu.memref_squeeze %dma_wait3A_314 : memref<1x128x128xf32, #tpu.memory_space<vmem>> -> memref<128x128xf32, #tpu.memory_space<vmem>>
      %dma_wait3A_316 = arith.constant 0 : i32
      %dma_wait3A_317 = tpu.memref_slice %arg4[%add3A_311, %dma_wait3A_316] : memref<163840x128xf32, #tpu.memory_space<hbm>> -> memref<128x128xf32, #tpu.memory_space<hbm>>
      %dma_wait3A_318 = tpu.memref_slice %arg8[%select_n3A_279] : memref<4x!tpu.dma_semaphore, #tpu.memory_space<semaphore_mem>> -> memref<1x!tpu.dma_semaphore, #tpu.memory_space<semaphore_mem>>
      %dma_wait3A_319 = tpu.memref_squeeze %dma_wait3A_318 : memref<1x!tpu.dma_semaphore, #tpu.memory_space<semaphore_mem>> -> memref<!tpu.dma_semaphore, #tpu.memory_space<semaphore_mem>>
      %dma_wait3A_320 = arith.constant 0 : i32
      %dma_wait3A_321 = tpu.memref_slice %arg4[%add3A_311, %dma_wait3A_320] : memref<163840x128xf32, #tpu.memory_space<hbm>> -> memref<128x128xf32, #tpu.memory_space<hbm>>
      %dma_wait3A_322 = arith.constant 0 : i32
      %dma_wait3A_323 = arith.constant 0 : i32
      %dma_wait3A_324 = tpu.memref_slice %arg6[%select_n3A_279, %dma_wait3A_322, %dma_wait3A_323] : memref<4x128x128xf32, #tpu.memory_space<vmem>> -> memref<1x128x128xf32, #tpu.memory_space<vmem>>
      %dma_wait3A_325 = tpu.memref_squeeze %dma_wait3A_324 : memref<1x128x128xf32, #tpu.memory_space<vmem>> -> memref<128x128xf32, #tpu.memory_space<vmem>>
      tpu.wait_dma2 semaphore(%dma_wait3A_319 : memref<!tpu.dma_semaphore, #tpu.memory_space<semaphore_mem>>) src(%dma_wait3A_325 : memref<128x128xf32, #tpu.memory_space<vmem>>) dst(%dma_wait3A_321 : memref<128x128xf32, #tpu.memory_space<hbm>>)
      %add3A_326 = arith.constant 4 : i32
      %add3A_327 = arith.addi %scan3A_270, %add3A_326 : i32
      %dma_start3A_328 = arith.constant 0 : i32
      %dma_start3A_329 = arith.constant 0 : i32
      %dma_start3A_330 = tpu.memref_slice %arg6[%select_n3A_279, %dma_start3A_328, %dma_start3A_329] : memref<4x128x128xf32, #tpu.memory_space<vmem>> -> memref<1x128x128xf32, #tpu.memory_space<vmem>>
      %dma_start3A_331 = tpu.memref_squeeze %dma_start3A_330 : memref<1x128x128xf32, #tpu.memory_space<vmem>> -> memref<128x128xf32, #tpu.memory_space<vmem>>
      %dma_start3A_332 = arith.constant 0 : i32
      %dma_start3A_333 = tpu.memref_slice %arg5[%add3A_327, %dma_start3A_332] : memref<40x128xi32, #tpu.memory_space<vmem>> -> memref<1x128xi32, #tpu.memory_space<vmem>>
      %dma_start3A_334 = tpu.memref_squeeze %dma_start3A_333 : memref<1x128xi32, #tpu.memory_space<vmem>> -> memref<128xi32, #tpu.memory_space<vmem>>
      %dma_start3A_335 = arith.constant 0 : i32
      %dma_start3A_336 = arith.constant 0 : i32
      %dma_start3A_337 = tpu.memref_slice %arg3[%dma_start3A_335, %dma_start3A_336] : memref<20000x128xf32, #tpu.memory_space<hbm>> -> memref<20000x128xf32, #tpu.memory_space<hbm>>
      %dma_start3A_338 = tpu.memref_slice %arg7[%select_n3A_279] : memref<4x!tpu.dma_semaphore, #tpu.memory_space<semaphore_mem>> -> memref<1x!tpu.dma_semaphore, #tpu.memory_space<semaphore_mem>>
      %dma_start3A_339 = tpu.memref_squeeze %dma_start3A_338 : memref<1x!tpu.dma_semaphore, #tpu.memory_space<semaphore_mem>> -> memref<!tpu.dma_semaphore, #tpu.memory_space<semaphore_mem>>
      tpu.enqueue_indirect_dma source(%dma_start3A_337 : memref<20000x128xf32, #tpu.memory_space<hbm>>) target(%dma_start3A_331 : memref<128x128xf32, #tpu.memory_space<vmem>>) offsets(%dma_start3A_334 : memref<128xi32, #tpu.memory_space<vmem>>) semaphore(%dma_start3A_339 : memref<!tpu.dma_semaphore, #tpu.memory_space<semaphore_mem>>)
    }
    %scan3A_66 = arith.constant 36 : i32
    %dma_wait3A = arith.constant 36 : i32
    %dma_wait3A_67 = arith.constant 0 : i32
    %dma_wait3A_68 = arith.constant 0 : i32
    %dma_wait3A_69 = arith.constant 0 : i32
    %dma_wait3A_70 = arith.constant 0 : i32
    %dma_wait3A_71 = tpu.memref_slice %arg6[%dma_wait3A_67, %dma_wait3A_69, %dma_wait3A_70] : memref<4x128x128xf32, #tpu.memory_space<vmem>> -> memref<1x128x128xf32, #tpu.memory_space<vmem>>
    %dma_wait3A_72 = tpu.memref_squeeze %dma_wait3A_71 : memref<1x128x128xf32, #tpu.memory_space<vmem>> -> memref<128x128xf32, #tpu.memory_space<vmem>>
    %dma_wait3A_73 = arith.constant 0 : i32
    %dma_wait3A_74 = tpu.memref_slice %arg5[%dma_wait3A, %dma_wait3A_73] : memref<40x128xi32, #tpu.memory_space<vmem>> -> memref<1x128xi32, #tpu.memory_space<vmem>>
    %dma_wait3A_75 = tpu.memref_squeeze %dma_wait3A_74 : memref<1x128xi32, #tpu.memory_space<vmem>> -> memref<128xi32, #tpu.memory_space<vmem>>
    %dma_wait3A_76 = arith.constant 0 : i32
    %dma_wait3A_77 = arith.constant 0 : i32
    %dma_wait3A_78 = tpu.memref_slice %arg3[%dma_wait3A_76, %dma_wait3A_77] : memref<20000x128xf32, #tpu.memory_space<hbm>> -> memref<20000x128xf32, #tpu.memory_space<hbm>>
    %dma_wait3A_79 = tpu.memref_slice %arg7[%dma_wait3A_68] : memref<4x!tpu.dma_semaphore, #tpu.memory_space<semaphore_mem>> -> memref<1x!tpu.dma_semaphore, #tpu.memory_space<semaphore_mem>>
    %dma_wait3A_80 = tpu.memref_squeeze %dma_wait3A_79 : memref<1x!tpu.dma_semaphore, #tpu.memory_space<semaphore_mem>> -> memref<!tpu.dma_semaphore, #tpu.memory_space<semaphore_mem>>
    tpu.wait_indirect_dma semaphore(%dma_wait3A_80 : memref<!tpu.dma_semaphore, #tpu.memory_space<semaphore_mem>>) src(%dma_wait3A_78 : memref<20000x128xf32, #tpu.memory_space<hbm>>) dst(%dma_wait3A_72 : memref<128x128xf32, #tpu.memory_space<vmem>>)
    %add3A_81 = arith.constant 4608 : i32
    %add3A_82 = arith.addi %mul3A_2, %add3A_81 : i32
    %dma_start3A_83 = arith.constant 0 : i32
    %dma_start3A_84 = arith.constant 0 : i32
    %dma_start3A_85 = arith.constant 0 : i32
    %dma_start3A_86 = arith.constant 0 : i32
    %dma_start3A_87 = tpu.memref_slice %arg6[%dma_start3A_83, %dma_start3A_85, %dma_start3A_86] : memref<4x128x128xf32, #tpu.memory_space<vmem>> -> memref<1x128x128xf32, #tpu.memory_space<vmem>>
    %dma_start3A_88 = tpu.memref_squeeze %dma_start3A_87 : memref<1x128x128xf32, #tpu.memory_space<vmem>> -> memref<128x128xf32, #tpu.memory_space<vmem>>
    %dma_start3A_89 = arith.constant 0 : i32
    %dma_start3A_90 = tpu.memref_slice %arg4[%add3A_82, %dma_start3A_89] : memref<163840x128xf32, #tpu.memory_space<hbm>> -> memref<128x128xf32, #tpu.memory_space<hbm>>
    %dma_start3A_91 = tpu.memref_slice %arg8[%dma_start3A_84] : memref<4x!tpu.dma_semaphore, #tpu.memory_space<semaphore_mem>> -> memref<1x!tpu.dma_semaphore, #tpu.memory_space<semaphore_mem>>
    %dma_start3A_92 = tpu.memref_squeeze %dma_start3A_91 : memref<1x!tpu.dma_semaphore, #tpu.memory_space<semaphore_mem>> -> memref<!tpu.dma_semaphore, #tpu.memory_space<semaphore_mem>>
    %dma_start3A_93 = arith.constant 0 : i32
    %dma_start3A_94 = tpu.memref_slice %arg4[%add3A_82, %dma_start3A_93] : memref<163840x128xf32, #tpu.memory_space<hbm>> -> memref<128x128xf32, #tpu.memory_space<hbm>>
    %dma_start3A_95 = arith.constant 0 : i32
    %dma_start3A_96 = arith.constant 0 : i32
    %dma_start3A_97 = tpu.memref_slice %arg6[%dma_start3A_83, %dma_start3A_95, %dma_start3A_96] : memref<4x128x128xf32, #tpu.memory_space<vmem>> -> memref<1x128x128xf32, #tpu.memory_space<vmem>>
    %dma_start3A_98 = tpu.memref_squeeze %dma_start3A_97 : memref<1x128x128xf32, #tpu.memory_space<vmem>> -> memref<128x128xf32, #tpu.memory_space<vmem>>
    tpu.enqueue_dma source(%dma_start3A_98 : memref<128x128xf32, #tpu.memory_space<vmem>>) target(%dma_start3A_94 : memref<128x128xf32, #tpu.memory_space<hbm>>) target_semaphore(%dma_start3A_92 : memref<!tpu.dma_semaphore, #tpu.memory_space<semaphore_mem>>)
    %dma_wait3A_99 = arith.constant 37 : i32
    %dma_wait3A_100 = arith.constant 1 : i32
    %dma_wait3A_101 = arith.constant 1 : i32
    %dma_wait3A_102 = arith.constant 0 : i32
    %dma_wait3A_103 = arith.constant 0 : i32
    %dma_wait3A_104 = tpu.memref_slice %arg6[%dma_wait3A_100, %dma_wait3A_102, %dma_wait3A_103] : memref<4x128x128xf32, #tpu.memory_space<vmem>> -> memref<1x128x128xf32, #tpu.memory_space<vmem>>
    %dma_wait3A_105 = tpu.memref_squeeze %dma_wait3A_104 : memref<1x128x128xf32, #tpu.memory_space<vmem>> -> memref<128x128xf32, #tpu.memory_space<vmem>>
    %dma_wait3A_106 = arith.constant 0 : i32
    %dma_wait3A_107 = tpu.memref_slice %arg5[%dma_wait3A_99, %dma_wait3A_106] : memref<40x128xi32, #tpu.memory_space<vmem>> -> memref<1x128xi32, #tpu.memory_space<vmem>>
    %dma_wait3A_108 = tpu.memref_squeeze %dma_wait3A_107 : memref<1x128xi32, #tpu.memory_space<vmem>> -> memref<128xi32, #tpu.memory_space<vmem>>
    %dma_wait3A_109 = arith.constant 0 : i32
    %dma_wait3A_110 = arith.constant 0 : i32
    %dma_wait3A_111 = tpu.memref_slice %arg3[%dma_wait3A_109, %dma_wait3A_110] : memref<20000x128xf32, #tpu.memory_space<hbm>> -> memref<20000x128xf32, #tpu.memory_space<hbm>>
    %dma_wait3A_112 = tpu.memref_slice %arg7[%dma_wait3A_101] : memref<4x!tpu.dma_semaphore, #tpu.memory_space<semaphore_mem>> -> memref<1x!tpu.dma_semaphore, #tpu.memory_space<semaphore_mem>>
    %dma_wait3A_113 = tpu.memref_squeeze %dma_wait3A_112 : memref<1x!tpu.dma_semaphore, #tpu.memory_space<semaphore_mem>> -> memref<!tpu.dma_semaphore, #tpu.memory_space<semaphore_mem>>
    tpu.wait_indirect_dma semaphore(%dma_wait3A_113 : memref<!tpu.dma_semaphore, #tpu.memory_space<semaphore_mem>>) src(%dma_wait3A_111 : memref<20000x128xf32, #tpu.memory_space<hbm>>) dst(%dma_wait3A_105 : memref<128x128xf32, #tpu.memory_space<vmem>>)
    %add3A_114 = arith.constant 4736 : i32
    %add3A_115 = arith.addi %mul3A_2, %add3A_114 : i32
    %dma_start3A_116 = arith.constant 1 : i32
    %dma_start3A_117 = arith.constant 1 : i32
    %dma_start3A_118 = arith.constant 0 : i32
    %dma_start3A_119 = arith.constant 0 : i32
    %dma_start3A_120 = tpu.memref_slice %arg6[%dma_start3A_116, %dma_start3A_118, %dma_start3A_119] : memref<4x128x128xf32, #tpu.memory_space<vmem>> -> memref<1x128x128xf32, #tpu.memory_space<vmem>>
    %dma_start3A_121 = tpu.memref_squeeze %dma_start3A_120 : memref<1x128x128xf32, #tpu.memory_space<vmem>> -> memref<128x128xf32, #tpu.memory_space<vmem>>
    %dma_start3A_122 = arith.constant 0 : i32
    %dma_start3A_123 = tpu.memref_slice %arg4[%add3A_115, %dma_start3A_122] : memref<163840x128xf32, #tpu.memory_space<hbm>> -> memref<128x128xf32, #tpu.memory_space<hbm>>
    %dma_start3A_124 = tpu.memref_slice %arg8[%dma_start3A_117] : memref<4x!tpu.dma_semaphore, #tpu.memory_space<semaphore_mem>> -> memref<1x!tpu.dma_semaphore, #tpu.memory_space<semaphore_mem>>
    %dma_start3A_125 = tpu.memref_squeeze %dma_start3A_124 : memref<1x!tpu.dma_semaphore, #tpu.memory_space<semaphore_mem>> -> memref<!tpu.dma_semaphore, #tpu.memory_space<semaphore_mem>>
    %dma_start3A_126 = arith.constant 0 : i32
    %dma_start3A_127 = tpu.memref_slice %arg4[%add3A_115, %dma_start3A_126] : memref<163840x128xf32, #tpu.memory_space<hbm>> -> memref<128x128xf32, #tpu.memory_space<hbm>>
    %dma_start3A_128 = arith.constant 0 : i32
    %dma_start3A_129 = arith.constant 0 : i32
    %dma_start3A_130 = tpu.memref_slice %arg6[%dma_start3A_116, %dma_start3A_128, %dma_start3A_129] : memref<4x128x128xf32, #tpu.memory_space<vmem>> -> memref<1x128x128xf32, #tpu.memory_space<vmem>>
    %dma_start3A_131 = tpu.memref_squeeze %dma_start3A_130 : memref<1x128x128xf32, #tpu.memory_space<vmem>> -> memref<128x128xf32, #tpu.memory_space<vmem>>
    tpu.enqueue_dma source(%dma_start3A_131 : memref<128x128xf32, #tpu.memory_space<vmem>>) target(%dma_start3A_127 : memref<128x128xf32, #tpu.memory_space<hbm>>) target_semaphore(%dma_start3A_125 : memref<!tpu.dma_semaphore, #tpu.memory_space<semaphore_mem>>)
    %dma_wait3A_132 = arith.constant 38 : i32
    %dma_wait3A_133 = arith.constant 2 : i32
    %dma_wait3A_134 = arith.constant 2 : i32
    %dma_wait3A_135 = arith.constant 0 : i32
    %dma_wait3A_136 = arith.constant 0 : i32
    %dma_wait3A_137 = tpu.memref_slice %arg6[%dma_wait3A_133, %dma_wait3A_135, %dma_wait3A_136] : memref<4x128x128xf32, #tpu.memory_space<vmem>> -> memref<1x128x128xf32, #tpu.memory_space<vmem>>
    %dma_wait3A_138 = tpu.memref_squeeze %dma_wait3A_137 : memref<1x128x128xf32, #tpu.memory_space<vmem>> -> memref<128x128xf32, #tpu.memory_space<vmem>>
    %dma_wait3A_139 = arith.constant 0 : i32
    %dma_wait3A_140 = tpu.memref_slice %arg5[%dma_wait3A_132, %dma_wait3A_139] : memref<40x128xi32, #tpu.memory_space<vmem>> -> memref<1x128xi32, #tpu.memory_space<vmem>>
    %dma_wait3A_141 = tpu.memref_squeeze %dma_wait3A_140 : memref<1x128xi32, #tpu.memory_space<vmem>> -> memref<128xi32, #tpu.memory_space<vmem>>
    %dma_wait3A_142 = arith.constant 0 : i32
    %dma_wait3A_143 = arith.constant 0 : i32
    %dma_wait3A_144 = tpu.memref_slice %arg3[%dma_wait3A_142, %dma_wait3A_143] : memref<20000x128xf32, #tpu.memory_space<hbm>> -> memref<20000x128xf32, #tpu.memory_space<hbm>>
    %dma_wait3A_145 = tpu.memref_slice %arg7[%dma_wait3A_134] : memref<4x!tpu.dma_semaphore, #tpu.memory_space<semaphore_mem>> -> memref<1x!tpu.dma_semaphore, #tpu.memory_space<semaphore_mem>>
    %dma_wait3A_146 = tpu.memref_squeeze %dma_wait3A_145 : memref<1x!tpu.dma_semaphore, #tpu.memory_space<semaphore_mem>> -> memref<!tpu.dma_semaphore, #tpu.memory_space<semaphore_mem>>
    tpu.wait_indirect_dma semaphore(%dma_wait3A_146 : memref<!tpu.dma_semaphore, #tpu.memory_space<semaphore_mem>>) src(%dma_wait3A_144 : memref<20000x128xf32, #tpu.memory_space<hbm>>) dst(%dma_wait3A_138 : memref<128x128xf32, #tpu.memory_space<vmem>>)
    %add3A_147 = arith.constant 4864 : i32
    %add3A_148 = arith.addi %mul3A_2, %add3A_147 : i32
    %dma_start3A_149 = arith.constant 2 : i32
    %dma_start3A_150 = arith.constant 2 : i32
    %dma_start3A_151 = arith.constant 0 : i32
    %dma_start3A_152 = arith.constant 0 : i32
    %dma_start3A_153 = tpu.memref_slice %arg6[%dma_start3A_149, %dma_start3A_151, %dma_start3A_152] : memref<4x128x128xf32, #tpu.memory_space<vmem>> -> memref<1x128x128xf32, #tpu.memory_space<vmem>>
    %dma_start3A_154 = tpu.memref_squeeze %dma_start3A_153 : memref<1x128x128xf32, #tpu.memory_space<vmem>> -> memref<128x128xf32, #tpu.memory_space<vmem>>
    %dma_start3A_155 = arith.constant 0 : i32
    %dma_start3A_156 = tpu.memref_slice %arg4[%add3A_148, %dma_start3A_155] : memref<163840x128xf32, #tpu.memory_space<hbm>> -> memref<128x128xf32, #tpu.memory_space<hbm>>
    %dma_start3A_157 = tpu.memref_slice %arg8[%dma_start3A_150] : memref<4x!tpu.dma_semaphore, #tpu.memory_space<semaphore_mem>> -> memref<1x!tpu.dma_semaphore, #tpu.memory_space<semaphore_mem>>
    %dma_start3A_158 = tpu.memref_squeeze %dma_start3A_157 : memref<1x!tpu.dma_semaphore, #tpu.memory_space<semaphore_mem>> -> memref<!tpu.dma_semaphore, #tpu.memory_space<semaphore_mem>>
    %dma_start3A_159 = arith.constant 0 : i32
    %dma_start3A_160 = tpu.memref_slice %arg4[%add3A_148, %dma_start3A_159] : memref<163840x128xf32, #tpu.memory_space<hbm>> -> memref<128x128xf32, #tpu.memory_space<hbm>>
    %dma_start3A_161 = arith.constant 0 : i32
    %dma_start3A_162 = arith.constant 0 : i32
    %dma_start3A_163 = tpu.memref_slice %arg6[%dma_start3A_149, %dma_start3A_161, %dma_start3A_162] : memref<4x128x128xf32, #tpu.memory_space<vmem>> -> memref<1x128x128xf32, #tpu.memory_space<vmem>>
    %dma_start3A_164 = tpu.memref_squeeze %dma_start3A_163 : memref<1x128x128xf32, #tpu.memory_space<vmem>> -> memref<128x128xf32, #tpu.memory_space<vmem>>
    tpu.enqueue_dma source(%dma_start3A_164 : memref<128x128xf32, #tpu.memory_space<vmem>>) target(%dma_start3A_160 : memref<128x128xf32, #tpu.memory_space<hbm>>) target_semaphore(%dma_start3A_158 : memref<!tpu.dma_semaphore, #tpu.memory_space<semaphore_mem>>)
    %dma_wait3A_165 = arith.constant 39 : i32
    %dma_wait3A_166 = arith.constant 3 : i32
    %dma_wait3A_167 = arith.constant 3 : i32
    %dma_wait3A_168 = arith.constant 0 : i32
    %dma_wait3A_169 = arith.constant 0 : i32
    %dma_wait3A_170 = tpu.memref_slice %arg6[%dma_wait3A_166, %dma_wait3A_168, %dma_wait3A_169] : memref<4x128x128xf32, #tpu.memory_space<vmem>> -> memref<1x128x128xf32, #tpu.memory_space<vmem>>
    %dma_wait3A_171 = tpu.memref_squeeze %dma_wait3A_170 : memref<1x128x128xf32, #tpu.memory_space<vmem>> -> memref<128x128xf32, #tpu.memory_space<vmem>>
    %dma_wait3A_172 = arith.constant 0 : i32
    %dma_wait3A_173 = tpu.memref_slice %arg5[%dma_wait3A_165, %dma_wait3A_172] : memref<40x128xi32, #tpu.memory_space<vmem>> -> memref<1x128xi32, #tpu.memory_space<vmem>>
    %dma_wait3A_174 = tpu.memref_squeeze %dma_wait3A_173 : memref<1x128xi32, #tpu.memory_space<vmem>> -> memref<128xi32, #tpu.memory_space<vmem>>
    %dma_wait3A_175 = arith.constant 0 : i32
    %dma_wait3A_176 = arith.constant 0 : i32
    %dma_wait3A_177 = tpu.memref_slice %arg3[%dma_wait3A_175, %dma_wait3A_176] : memref<20000x128xf32, #tpu.memory_space<hbm>> -> memref<20000x128xf32, #tpu.memory_space<hbm>>
    %dma_wait3A_178 = tpu.memref_slice %arg7[%dma_wait3A_167] : memref<4x!tpu.dma_semaphore, #tpu.memory_space<semaphore_mem>> -> memref<1x!tpu.dma_semaphore, #tpu.memory_space<semaphore_mem>>
    %dma_wait3A_179 = tpu.memref_squeeze %dma_wait3A_178 : memref<1x!tpu.dma_semaphore, #tpu.memory_space<semaphore_mem>> -> memref<!tpu.dma_semaphore, #tpu.memory_space<semaphore_mem>>
    tpu.wait_indirect_dma semaphore(%dma_wait3A_179 : memref<!tpu.dma_semaphore, #tpu.memory_space<semaphore_mem>>) src(%dma_wait3A_177 : memref<20000x128xf32, #tpu.memory_space<hbm>>) dst(%dma_wait3A_171 : memref<128x128xf32, #tpu.memory_space<vmem>>)
    %add3A_180 = arith.constant 4992 : i32
    %add3A_181 = arith.addi %mul3A_2, %add3A_180 : i32
    %dma_start3A_182 = arith.constant 3 : i32
    %dma_start3A_183 = arith.constant 3 : i32
    %dma_start3A_184 = arith.constant 0 : i32
    %dma_start3A_185 = arith.constant 0 : i32
    %dma_start3A_186 = tpu.memref_slice %arg6[%dma_start3A_182, %dma_start3A_184, %dma_start3A_185] : memref<4x128x128xf32, #tpu.memory_space<vmem>> -> memref<1x128x128xf32, #tpu.memory_space<vmem>>
    %dma_start3A_187 = tpu.memref_squeeze %dma_start3A_186 : memref<1x128x128xf32, #tpu.memory_space<vmem>> -> memref<128x128xf32, #tpu.memory_space<vmem>>
    %dma_start3A_188 = arith.constant 0 : i32
    %dma_start3A_189 = tpu.memref_slice %arg4[%add3A_181, %dma_start3A_188] : memref<163840x128xf32, #tpu.memory_space<hbm>> -> memref<128x128xf32, #tpu.memory_space<hbm>>
    %dma_start3A_190 = tpu.memref_slice %arg8[%dma_start3A_183] : memref<4x!tpu.dma_semaphore, #tpu.memory_space<semaphore_mem>> -> memref<1x!tpu.dma_semaphore, #tpu.memory_space<semaphore_mem>>
    %dma_start3A_191 = tpu.memref_squeeze %dma_start3A_190 : memref<1x!tpu.dma_semaphore, #tpu.memory_space<semaphore_mem>> -> memref<!tpu.dma_semaphore, #tpu.memory_space<semaphore_mem>>
    %dma_start3A_192 = arith.constant 0 : i32
    %dma_start3A_193 = tpu.memref_slice %arg4[%add3A_181, %dma_start3A_192] : memref<163840x128xf32, #tpu.memory_space<hbm>> -> memref<128x128xf32, #tpu.memory_space<hbm>>
    %dma_start3A_194 = arith.constant 0 : i32
    %dma_start3A_195 = arith.constant 0 : i32
    %dma_start3A_196 = tpu.memref_slice %arg6[%dma_start3A_182, %dma_start3A_194, %dma_start3A_195] : memref<4x128x128xf32, #tpu.memory_space<vmem>> -> memref<1x128x128xf32, #tpu.memory_space<vmem>>
    %dma_start3A_197 = tpu.memref_squeeze %dma_start3A_196 : memref<1x128x128xf32, #tpu.memory_space<vmem>> -> memref<128x128xf32, #tpu.memory_space<vmem>>
    tpu.enqueue_dma source(%dma_start3A_197 : memref<128x128xf32, #tpu.memory_space<vmem>>) target(%dma_start3A_193 : memref<128x128xf32, #tpu.memory_space<hbm>>) target_semaphore(%dma_start3A_191 : memref<!tpu.dma_semaphore, #tpu.memory_space<semaphore_mem>>)
    %add3A_198 = arith.constant 4608 : i32
    %add3A_199 = arith.addi %mul3A_2, %add3A_198 : i32
    %dma_wait3A_200 = arith.constant 0 : i32
    %dma_wait3A_201 = arith.constant 0 : i32
    %dma_wait3A_202 = arith.constant 0 : i32
    %dma_wait3A_203 = arith.constant 0 : i32
    %dma_wait3A_204 = tpu.memref_slice %arg6[%dma_wait3A_200, %dma_wait3A_202, %dma_wait3A_203] : memref<4x128x128xf32, #tpu.memory_space<vmem>> -> memref<1x128x128xf32, #tpu.memory_space<vmem>>
    %dma_wait3A_205 = tpu.memref_squeeze %dma_wait3A_204 : memref<1x128x128xf32, #tpu.memory_space<vmem>> -> memref<128x128xf32, #tpu.memory_space<vmem>>
    %dma_wait3A_206 = arith.constant 0 : i32
    %dma_wait3A_207 = tpu.memref_slice %arg4[%add3A_199, %dma_wait3A_206] : memref<163840x128xf32, #tpu.memory_space<hbm>> -> memref<128x128xf32, #tpu.memory_space<hbm>>
    %dma_wait3A_208 = tpu.memref_slice %arg8[%dma_wait3A_201] : memref<4x!tpu.dma_semaphore, #tpu.memory_space<semaphore_mem>> -> memref<1x!tpu.dma_semaphore, #tpu.memory_space<semaphore_mem>>
    %dma_wait3A_209 = tpu.memref_squeeze %dma_wait3A_208 : memref<1x!tpu.dma_semaphore, #tpu.memory_space<semaphore_mem>> -> memref<!tpu.dma_semaphore, #tpu.memory_space<semaphore_mem>>
    %dma_wait3A_210 = arith.constant 0 : i32
    %dma_wait3A_211 = tpu.memref_slice %arg4[%add3A_199, %dma_wait3A_210] : memref<163840x128xf32, #tpu.memory_space<hbm>> -> memref<128x128xf32, #tpu.memory_space<hbm>>
    %dma_wait3A_212 = arith.constant 0 : i32
    %dma_wait3A_213 = arith.constant 0 : i32
    %dma_wait3A_214 = tpu.memref_slice %arg6[%dma_wait3A_200, %dma_wait3A_212, %dma_wait3A_213] : memref<4x128x128xf32, #tpu.memory_space<vmem>> -> memref<1x128x128xf32, #tpu.memory_space<vmem>>
    %dma_wait3A_215 = tpu.memref_squeeze %dma_wait3A_214 : memref<1x128x128xf32, #tpu.memory_space<vmem>> -> memref<128x128xf32, #tpu.memory_space<vmem>>
    tpu.wait_dma2 semaphore(%dma_wait3A_209 : memref<!tpu.dma_semaphore, #tpu.memory_space<semaphore_mem>>) src(%dma_wait3A_215 : memref<128x128xf32, #tpu.memory_space<vmem>>) dst(%dma_wait3A_211 : memref<128x128xf32, #tpu.memory_space<hbm>>)
    %add3A_216 = arith.constant 4736 : i32
    %add3A_217 = arith.addi %mul3A_2, %add3A_216 : i32
    %dma_wait3A_218 = arith.constant 1 : i32
    %dma_wait3A_219 = arith.constant 1 : i32
    %dma_wait3A_220 = arith.constant 0 : i32
    %dma_wait3A_221 = arith.constant 0 : i32
    %dma_wait3A_222 = tpu.memref_slice %arg6[%dma_wait3A_218, %dma_wait3A_220, %dma_wait3A_221] : memref<4x128x128xf32, #tpu.memory_space<vmem>> -> memref<1x128x128xf32, #tpu.memory_space<vmem>>
    %dma_wait3A_223 = tpu.memref_squeeze %dma_wait3A_222 : memref<1x128x128xf32, #tpu.memory_space<vmem>> -> memref<128x128xf32, #tpu.memory_space<vmem>>
    %dma_wait3A_224 = arith.constant 0 : i32
    %dma_wait3A_225 = tpu.memref_slice %arg4[%add3A_217, %dma_wait3A_224] : memref<163840x128xf32, #tpu.memory_space<hbm>> -> memref<128x128xf32, #tpu.memory_space<hbm>>
    %dma_wait3A_226 = tpu.memref_slice %arg8[%dma_wait3A_219] : memref<4x!tpu.dma_semaphore, #tpu.memory_space<semaphore_mem>> -> memref<1x!tpu.dma_semaphore, #tpu.memory_space<semaphore_mem>>
    %dma_wait3A_227 = tpu.memref_squeeze %dma_wait3A_226 : memref<1x!tpu.dma_semaphore, #tpu.memory_space<semaphore_mem>> -> memref<!tpu.dma_semaphore, #tpu.memory_space<semaphore_mem>>
    %dma_wait3A_228 = arith.constant 0 : i32
    %dma_wait3A_229 = tpu.memref_slice %arg4[%add3A_217, %dma_wait3A_228] : memref<163840x128xf32, #tpu.memory_space<hbm>> -> memref<128x128xf32, #tpu.memory_space<hbm>>
    %dma_wait3A_230 = arith.constant 0 : i32
    %dma_wait3A_231 = arith.constant 0 : i32
    %dma_wait3A_232 = tpu.memref_slice %arg6[%dma_wait3A_218, %dma_wait3A_230, %dma_wait3A_231] : memref<4x128x128xf32, #tpu.memory_space<vmem>> -> memref<1x128x128xf32, #tpu.memory_space<vmem>>
    %dma_wait3A_233 = tpu.memref_squeeze %dma_wait3A_232 : memref<1x128x128xf32, #tpu.memory_space<vmem>> -> memref<128x128xf32, #tpu.memory_space<vmem>>
    tpu.wait_dma2 semaphore(%dma_wait3A_227 : memref<!tpu.dma_semaphore, #tpu.memory_space<semaphore_mem>>) src(%dma_wait3A_233 : memref<128x128xf32, #tpu.memory_space<vmem>>) dst(%dma_wait3A_229 : memref<128x128xf32, #tpu.memory_space<hbm>>)
    %add3A_234 = arith.constant 4864 : i32
    %add3A_235 = arith.addi %mul3A_2, %add3A_234 : i32
    %dma_wait3A_236 = arith.constant 2 : i32
    %dma_wait3A_237 = arith.constant 2 : i32
    %dma_wait3A_238 = arith.constant 0 : i32
    %dma_wait3A_239 = arith.constant 0 : i32
    %dma_wait3A_240 = tpu.memref_slice %arg6[%dma_wait3A_236, %dma_wait3A_238, %dma_wait3A_239] : memref<4x128x128xf32, #tpu.memory_space<vmem>> -> memref<1x128x128xf32, #tpu.memory_space<vmem>>
    %dma_wait3A_241 = tpu.memref_squeeze %dma_wait3A_240 : memref<1x128x128xf32, #tpu.memory_space<vmem>> -> memref<128x128xf32, #tpu.memory_space<vmem>>
    %dma_wait3A_242 = arith.constant 0 : i32
    %dma_wait3A_243 = tpu.memref_slice %arg4[%add3A_235, %dma_wait3A_242] : memref<163840x128xf32, #tpu.memory_space<hbm>> -> memref<128x128xf32, #tpu.memory_space<hbm>>
    %dma_wait3A_244 = tpu.memref_slice %arg8[%dma_wait3A_237] : memref<4x!tpu.dma_semaphore, #tpu.memory_space<semaphore_mem>> -> memref<1x!tpu.dma_semaphore, #tpu.memory_space<semaphore_mem>>
    %dma_wait3A_245 = tpu.memref_squeeze %dma_wait3A_244 : memref<1x!tpu.dma_semaphore, #tpu.memory_space<semaphore_mem>> -> memref<!tpu.dma_semaphore, #tpu.memory_space<semaphore_mem>>
    %dma_wait3A_246 = arith.constant 0 : i32
    %dma_wait3A_247 = tpu.memref_slice %arg4[%add3A_235, %dma_wait3A_246] : memref<163840x128xf32, #tpu.memory_space<hbm>> -> memref<128x128xf32, #tpu.memory_space<hbm>>
    %dma_wait3A_248 = arith.constant 0 : i32
    %dma_wait3A_249 = arith.constant 0 : i32
    %dma_wait3A_250 = tpu.memref_slice %arg6[%dma_wait3A_236, %dma_wait3A_248, %dma_wait3A_249] : memref<4x128x128xf32, #tpu.memory_space<vmem>> -> memref<1x128x128xf32, #tpu.memory_space<vmem>>
    %dma_wait3A_251 = tpu.memref_squeeze %dma_wait3A_250 : memref<1x128x128xf32, #tpu.memory_space<vmem>> -> memref<128x128xf32, #tpu.memory_space<vmem>>
    tpu.wait_dma2 semaphore(%dma_wait3A_245 : memref<!tpu.dma_semaphore, #tpu.memory_space<semaphore_mem>>) src(%dma_wait3A_251 : memref<128x128xf32, #tpu.memory_space<vmem>>) dst(%dma_wait3A_247 : memref<128x128xf32, #tpu.memory_space<hbm>>)
    %add3A_252 = arith.constant 4992 : i32
    %add3A_253 = arith.addi %mul3A_2, %add3A_252 : i32
    %dma_wait3A_254 = arith.constant 3 : i32
    %dma_wait3A_255 = arith.constant 3 : i32
    %dma_wait3A_256 = arith.constant 0 : i32
    %dma_wait3A_257 = arith.constant 0 : i32
    %dma_wait3A_258 = tpu.memref_slice %arg6[%dma_wait3A_254, %dma_wait3A_256, %dma_wait3A_257] : memref<4x128x128xf32, #tpu.memory_space<vmem>> -> memref<1x128x128xf32, #tpu.memory_space<vmem>>
    %dma_wait3A_259 = tpu.memref_squeeze %dma_wait3A_258 : memref<1x128x128xf32, #tpu.memory_space<vmem>> -> memref<128x128xf32, #tpu.memory_space<vmem>>
    %dma_wait3A_260 = arith.constant 0 : i32
    %dma_wait3A_261 = tpu.memref_slice %arg4[%add3A_253, %dma_wait3A_260] : memref<163840x128xf32, #tpu.memory_space<hbm>> -> memref<128x128xf32, #tpu.memory_space<hbm>>
    %dma_wait3A_262 = tpu.memref_slice %arg8[%dma_wait3A_255] : memref<4x!tpu.dma_semaphore, #tpu.memory_space<semaphore_mem>> -> memref<1x!tpu.dma_semaphore, #tpu.memory_space<semaphore_mem>>
    %dma_wait3A_263 = tpu.memref_squeeze %dma_wait3A_262 : memref<1x!tpu.dma_semaphore, #tpu.memory_space<semaphore_mem>> -> memref<!tpu.dma_semaphore, #tpu.memory_space<semaphore_mem>>
    %dma_wait3A_264 = arith.constant 0 : i32
    %dma_wait3A_265 = tpu.memref_slice %arg4[%add3A_253, %dma_wait3A_264] : memref<163840x128xf32, #tpu.memory_space<hbm>> -> memref<128x128xf32, #tpu.memory_space<hbm>>
    %dma_wait3A_266 = arith.constant 0 : i32
    %dma_wait3A_267 = arith.constant 0 : i32
    %dma_wait3A_268 = tpu.memref_slice %arg6[%dma_wait3A_254, %dma_wait3A_266, %dma_wait3A_267] : memref<4x128x128xf32, #tpu.memory_space<vmem>> -> memref<1x128x128xf32, #tpu.memory_space<vmem>>
    %dma_wait3A_269 = tpu.memref_squeeze %dma_wait3A_268 : memref<1x128x128xf32, #tpu.memory_space<vmem>> -> memref<128x128xf32, #tpu.memory_space<vmem>>
    tpu.wait_dma2 semaphore(%dma_wait3A_263 : memref<!tpu.dma_semaphore, #tpu.memory_space<semaphore_mem>>) src(%dma_wait3A_269 : memref<128x128xf32, #tpu.memory_space<vmem>>) dst(%dma_wait3A_265 : memref<128x128xf32, #tpu.memory_space<hbm>>)
    return
  }
}

module attributes {stable_mosaic.version = 14 : i64} {
  func.func @_pre_body(%arg0: i32, %arg1: memref<2000x128xf32, #tpu.memory_space<vmem>>, %arg2: memref<1x128x128xf32, #tpu.memory_space<vmem>>, %arg3: memref<2000x128xf32, #tpu.memory_space<vmem>>) attributes {dimension_semantics = [#tpu.dimension_semantics<arbitrary>], iteration_bounds = array<i64: 10>, scalar_prefetch = 0 : i64, scratch_operands = 0 : i64, tpu.core_type = #tpu.core_type<tc>, window_params = [{transform_indices = @transform_0, window_bounds = array<i64: 2000, 128>}, {transform_indices = @transform_1, window_bounds = array<i64: 1, 128, 128>}, {transform_indices = @transform_2, window_bounds = array<i64: 2000, 128>}]} {
    %get3A = arith.constant 0 : index
    %get3A_0 = arith.constant 0 : index
    %get3A_1 = vector.load %arg1[%get3A, %get3A_0] : memref<2000x128xf32, #tpu.memory_space<vmem>>, vector<2000x128xf32>
    %get3A_2 = arith.constant 0 : index
    %get3A_3 = arith.constant 0 : index
    %get3A_4 = arith.constant 0 : index
    %get3A_5 = vector.load %arg2[%get3A_2, %get3A_3, %get3A_4] : memref<1x128x128xf32, #tpu.memory_space<vmem>>, vector<1x128x128xf32>
    %get3A_6 = vector.shape_cast %get3A_5 : vector<1x128x128xf32> to vector<128x128xf32>
    %dot_general3A = arith.constant dense<0.000000e+00> : vector<2000x128xf32>
    %dot_general3A_7 = tpu.matmul %get3A_1, %get3A_6, %dot_general3A {dimension_numbers = #tpu.dot_dimension_numbers<[1], [0], [0], [1], [0, 0, 1, 1], [], []>, transpose_lhs_hint = false} : vector<2000x128xf32>, vector<128x128xf32>, vector<2000x128xf32> -> vector<2000x128xf32>
    %swap3A = arith.constant 0 : index
    %swap3A_8 = arith.constant 0 : index
    %swap3A_9 = vector.load %arg3[%swap3A, %swap3A_8] : memref<2000x128xf32, #tpu.memory_space<vmem>>, vector<2000x128xf32>
    tpu.vector_store %arg3[%swap3A, %swap3A_8], %dot_general3A_7 {strides = array<i32>} : memref<2000x128xf32, #tpu.memory_space<vmem>>, vector<2000x128xf32>,
    return
  }
  func.func @transform_0(%arg0: i32) -> (i32, i32) {
    %jit3A = arith.constant 5 : i32
    %eq3A = arith.constant 0 : i32
    %eq3A_0 = arith.cmpi eq, %jit3A, %eq3A : i32
    %jit3A_1 = arith.constant 1 : i32
    %select_n3A = arith.select %eq3A_0, %jit3A_1, %jit3A : i32
    %rem3A = arith.remsi %arg0, %select_n3A : i32
    %ne3A = arith.constant 0 : i32
    %ne3A_2 = arith.cmpi ne, %rem3A, %ne3A : i32
    %lt3A = arith.constant 0 : i32
    %lt3A_3 = arith.cmpi slt, %rem3A, %lt3A : i32
    %lt3A_4 = arith.constant 0 : i32
    %lt3A_5 = arith.cmpi slt, %select_n3A, %lt3A_4 : i32
    %ne3A_6 = arith.xori %lt3A_3, %lt3A_5 : i1
    %and3A = arith.andi %ne3A_6, %ne3A_2 : i1
    %add3A = arith.addi %rem3A, %select_n3A : i32
    %select_n3A_7 = arith.select %and3A, %add3A, %rem3A : i32
    %c0_i32 = arith.constant 0 : i32
    %c0_i32_8 = arith.constant 0 : i32
    return %select_n3A_7, %c0_i32 : i32, i32
  }
  func.func @transform_1(%arg0: i32) -> (i32, i32, i32) {
    %jit3A = arith.constant 5 : i32
    %div3A = arith.divsi %arg0, %jit3A : i32
    %sign3A = arith.constant 0 : i32
    %sign3A_0 = arith.cmpi sgt, %arg0, %sign3A : i32
    %sign3A_1 = arith.extui %sign3A_0 : i1 to i32
    %sign3A_2 = arith.constant 0 : i32
    %sign3A_3 = arith.cmpi slt, %arg0, %sign3A_2 : i32
    %sign3A_4 = arith.extui %sign3A_3 : i1 to i32
    %sign3A_5 = arith.subi %sign3A_1, %sign3A_4 : i32
    %sign3A_6 = arith.constant 0 : i32
    %sign3A_7 = arith.cmpi sgt, %jit3A, %sign3A_6 : i32
    %sign3A_8 = arith.extui %sign3A_7 : i1 to i32
    %sign3A_9 = arith.constant 0 : i32
    %sign3A_10 = arith.cmpi slt, %jit3A, %sign3A_9 : i32
    %sign3A_11 = arith.extui %sign3A_10 : i1 to i32
    %sign3A_12 = arith.subi %sign3A_8, %sign3A_11 : i32
    %ne3A = arith.cmpi ne, %sign3A_5, %sign3A_12 : i32
    %rem3A = arith.remsi %arg0, %jit3A : i32
    %ne3A_13 = arith.constant 0 : i32
    %ne3A_14 = arith.cmpi ne, %rem3A, %ne3A_13 : i32
    %and3A = arith.andi %ne3A, %ne3A_14 : i1
    %sub3A = arith.constant 1 : i32
    %sub3A_15 = arith.subi %div3A, %sub3A : i32
    %select_n3A = arith.select %and3A, %sub3A_15, %div3A : i32
    %c0_i32 = arith.constant 0 : i32
    %c0_i32_16 = arith.constant 0 : i32
    %c0_i32_17 = arith.constant 0 : i32
    return %select_n3A, %c0_i32, %c0_i32_16 : i32, i32, i32
  }
  func.func @transform_2(%arg0: i32) -> (i32, i32) {
    %c0_i32 = arith.constant 0 : i32
    %c0_i32_0 = arith.constant 0 : i32
    return %arg0, %c0_i32 : i32, i32
  }
}

module attributes {stable_mosaic.version = 14 : i64} {
  func.func @_mlp_body(%arg0: i32, %arg1: memref<640x128xf32, #tpu.memory_space<vmem>>, %arg2: memref<640x128xf32, #tpu.memory_space<vmem>>, %arg3: memref<640x128xf32, #tpu.memory_space<vmem>>, %arg4: memref<640x128xf32, #tpu.memory_space<vmem>>, %arg5: memref<128x128xbf16, #tpu.memory_space<vmem>>, %arg6: memref<128x128xbf16, #tpu.memory_space<vmem>>, %arg7: memref<1x128xf32, #tpu.memory_space<vmem>>, %arg8: memref<128x64xbf16, #tpu.memory_space<vmem>>, %arg9: memref<1x64xf32, #tpu.memory_space<vmem>>, %arg10: memref<64x1xbf16, #tpu.memory_space<vmem>>, %arg11: memref<1x1xf32, #tpu.memory_space<vmem>>, %arg12: memref<640x1xf32, #tpu.memory_space<vmem>>) attributes {dimension_semantics = [#tpu.dimension_semantics<parallel>], iteration_bounds = array<i64: 125>, scalar_prefetch = 0 : i64, scratch_operands = 0 : i64, tpu.core_type = #tpu.core_type<tc>, window_params = [{transform_indices = @transform_0, window_bounds = array<i64: 640, 128>}, {transform_indices = @transform_1, window_bounds = array<i64: 640, 128>}, {transform_indices = @transform_2, window_bounds = array<i64: 640, 128>}, {transform_indices = @transform_3, window_bounds = array<i64: 640, 128>}, {pipeline_mode = #tpu.pipeline_mode<synchronous>, transform_indices = @transform_4, window_bounds = array<i64: 128, 128>}, {pipeline_mode = #tpu.pipeline_mode<synchronous>, transform_indices = @transform_5, window_bounds = array<i64: 128, 128>}, {pipeline_mode = #tpu.pipeline_mode<synchronous>, transform_indices = @transform_6, window_bounds = array<i64: 1, 128>}, {pipeline_mode = #tpu.pipeline_mode<synchronous>, transform_indices = @transform_7, window_bounds = array<i64: 128, 64>}, {pipeline_mode = #tpu.pipeline_mode<synchronous>, transform_indices = @transform_8, window_bounds = array<i64: 1, 64>}, {pipeline_mode = #tpu.pipeline_mode<synchronous>, transform_indices = @transform_9, window_bounds = array<i64: 64, 1>}, {pipeline_mode = #tpu.pipeline_mode<synchronous>, transform_indices = @transform_10, window_bounds = array<i64: 1, 1>}, {transform_indices = @transform_11, window_bounds = array<i64: 640, 1>}]} {
    %get3A = arith.constant 0 : index
    %get3A_0 = arith.constant 0 : index
    %get3A_1 = vector.load %arg1[%get3A, %get3A_0] : memref<640x128xf32, #tpu.memory_space<vmem>>, vector<640x128xf32>
    %get3A_2 = arith.constant 0 : index
    %get3A_3 = arith.constant 0 : index
    %get3A_4 = vector.load %arg2[%get3A_2, %get3A_3] : memref<640x128xf32, #tpu.memory_space<vmem>>, vector<640x128xf32>
    %add3A = arith.addf %get3A_1, %get3A_4 : vector<640x128xf32>
    %get3A_5 = arith.constant 0 : index
    %get3A_6 = arith.constant 0 : index
    %get3A_7 = vector.load %arg7[%get3A_5, %get3A_6] : memref<1x128xf32, #tpu.memory_space<vmem>>, vector<1x128xf32>
    %add3A_8 = vector.broadcast %get3A_7 : vector<1x128xf32> to vector<640x128xf32>
    %add3A_9 = arith.addf %add3A, %add3A_8 : vector<640x128xf32>
    %get3A_10 = arith.constant 0 : index
    %get3A_11 = arith.constant 0 : index
    %get3A_12 = vector.load %arg3[%get3A_10, %get3A_11] : memref<640x128xf32, #tpu.memory_space<vmem>>, vector<640x128xf32>
    %convert_element_type3A = arith.truncf %get3A_12 : vector<640x128xf32> to vector<640x128xbf16>
    %get3A_13 = arith.constant 0 : index
    %get3A_14 = arith.constant 0 : index
    %get3A_15 = vector.load %arg5[%get3A_13, %get3A_14] : memref<128x128xbf16, #tpu.memory_space<vmem>>, vector<128x128xbf16>
    %dot_general3A = arith.constant dense<0.000000e+00> : vector<640x128xf32>
    %dot_general3A_16 = tpu.matmul %convert_element_type3A, %get3A_15, %dot_general3A {dimension_numbers = #tpu.dot_dimension_numbers<[1], [0], [0], [1], [0, 0, 1, 1], [], []>, transpose_lhs_hint = false} : vector<640x128xbf16>, vector<128x128xbf16>, vector<640x128xf32> -> vector<640x128xf32>
    %add3A_17 = arith.addf %add3A_9, %dot_general3A_16 : vector<640x128xf32>
    %get3A_18 = arith.constant 0 : index
    %get3A_19 = arith.constant 0 : index
    %get3A_20 = vector.load %arg4[%get3A_18, %get3A_19] : memref<640x128xf32, #tpu.memory_space<vmem>>, vector<640x128xf32>
    %convert_element_type3A_21 = arith.truncf %get3A_20 : vector<640x128xf32> to vector<640x128xbf16>
    %get3A_22 = arith.constant 0 : index
    %get3A_23 = arith.constant 0 : index
    %get3A_24 = vector.load %arg6[%get3A_22, %get3A_23] : memref<128x128xbf16, #tpu.memory_space<vmem>>, vector<128x128xbf16>
    %dot_general3A_25 = arith.constant dense<0.000000e+00> : vector<640x128xf32>
    %dot_general3A_26 = tpu.matmul %convert_element_type3A_21, %get3A_24, %dot_general3A_25 {dimension_numbers = #tpu.dot_dimension_numbers<[1], [0], [0], [1], [0, 0, 1, 1], [], []>, transpose_lhs_hint = false} : vector<640x128xbf16>, vector<128x128xbf16>, vector<640x128xf32> -> vector<640x128xf32>
    %add3A_27 = arith.addf %add3A_17, %dot_general3A_26 : vector<640x128xf32>
    %max3A = arith.constant 0.000000e+00 : f32
    %max3A_28 = vector.broadcast %max3A : f32 to vector<640x128xf32>
    %max3A_29 = arith.maximumf %add3A_27, %max3A_28 : vector<640x128xf32>
    %convert_element_type3A_30 = arith.truncf %max3A_29 : vector<640x128xf32> to vector<640x128xbf16>
    %get3A_31 = arith.constant 0 : index
    %get3A_32 = arith.constant 0 : index
    %get3A_33 = vector.load %arg8[%get3A_31, %get3A_32] : memref<128x64xbf16, #tpu.memory_space<vmem>>, vector<128x64xbf16>
    %dot_general3A_34 = arith.constant dense<0.000000e+00> : vector<640x64xf32>
    %dot_general3A_35 = tpu.matmul %convert_element_type3A_30, %get3A_33, %dot_general3A_34 {dimension_numbers = #tpu.dot_dimension_numbers<[1], [0], [0], [1], [0, 0, 1, 1], [], []>, transpose_lhs_hint = false} : vector<640x128xbf16>, vector<128x64xbf16>, vector<640x64xf32> -> vector<640x64xf32>
    %get3A_36 = arith.constant 0 : index
    %get3A_37 = arith.constant 0 : index
    %get3A_38 = vector.load %arg9[%get3A_36, %get3A_37] : memref<1x64xf32, #tpu.memory_space<vmem>>, vector<1x64xf32>
    %add3A_39 = vector.broadcast %get3A_38 : vector<1x64xf32> to vector<640x64xf32>
    %add3A_40 = arith.addf %dot_general3A_35, %add3A_39 : vector<640x64xf32>
    %max3A_41 = arith.constant 0.000000e+00 : f32
    %max3A_42 = vector.broadcast %max3A_41 : f32 to vector<640x64xf32>
    %max3A_43 = arith.maximumf %add3A_40, %max3A_42 : vector<640x64xf32>
    %convert_element_type3A_44 = arith.truncf %max3A_43 : vector<640x64xf32> to vector<640x64xbf16>
    %get3A_45 = arith.constant 0 : index
    %get3A_46 = arith.constant 0 : index
    %get3A_47 = vector.load %arg10[%get3A_45, %get3A_46] : memref<64x1xbf16, #tpu.memory_space<vmem>>, vector<64x1xbf16>
    %dot_general3A_48 = arith.constant dense<0.000000e+00> : vector<640x1xf32>
    %dot_general3A_49 = tpu.matmul %convert_element_type3A_44, %get3A_47, %dot_general3A_48 {dimension_numbers = #tpu.dot_dimension_numbers<[1], [0], [0], [1], [0, 0, 1, 1], [], []>, transpose_lhs_hint = false} : vector<640x64xbf16>, vector<64x1xbf16>, vector<640x1xf32> -> vector<640x1xf32>
    %get3A_50 = arith.constant 0 : index
    %get3A_51 = arith.constant 0 : index
    %get3A_52 = vector.load %arg11[%get3A_50, %get3A_51] : memref<1x1xf32, #tpu.memory_space<vmem>>, vector<1x1xf32>
    %add3A_53 = vector.broadcast %get3A_52 : vector<1x1xf32> to vector<640x1xf32>
    %add3A_54 = arith.addf %dot_general3A_49, %add3A_53 : vector<640x1xf32>
    %logistic3A = arith.negf %add3A_54 : vector<640x1xf32>
    %logistic3A_55 = math.exp %logistic3A : vector<640x1xf32>
    %logistic3A_56 = arith.constant 1.000000e+00 : f32
    %logistic3A_57 = vector.broadcast %logistic3A_56 : f32 to vector<640x1xf32>
    %logistic3A_58 = arith.addf %logistic3A_57, %logistic3A_55 : vector<640x1xf32>
    %logistic3A_59 = arith.divf %logistic3A_57, %logistic3A_58 : vector<640x1xf32>
    %swap3A = arith.constant 0 : index
    %swap3A_60 = arith.constant 0 : index
    %swap3A_61 = vector.load %arg12[%swap3A, %swap3A_60] : memref<640x1xf32, #tpu.memory_space<vmem>>, vector<640x1xf32>
    tpu.vector_store %arg12[%swap3A, %swap3A_60], %logistic3A_59 {strides = array<i32>} : memref<640x1xf32, #tpu.memory_space<vmem>>, vector<640x1xf32>,
    return
  }
  func.func @transform_0(%arg0: i32) -> (i32, i32) {
    %c0_i32 = arith.constant 0 : i32
    %c0_i32_0 = arith.constant 0 : i32
    return %arg0, %c0_i32 : i32, i32
  }
  func.func @transform_1(%arg0: i32) -> (i32, i32) {
    %add3A = arith.constant 125 : i32
    %add3A_0 = arith.addi %arg0, %add3A : i32
    %c0_i32 = arith.constant 0 : i32
    %c0_i32_1 = arith.constant 0 : i32
    return %add3A_0, %c0_i32 : i32, i32
  }
  func.func @transform_2(%arg0: i32) -> (i32, i32) {
    %c0_i32 = arith.constant 0 : i32
    %c0_i32_0 = arith.constant 0 : i32
    return %arg0, %c0_i32 : i32, i32
  }
  func.func @transform_3(%arg0: i32) -> (i32, i32) {
    %c0_i32 = arith.constant 0 : i32
    %c0_i32_0 = arith.constant 0 : i32
    return %arg0, %c0_i32 : i32, i32
  }
  func.func @transform_4(%arg0: i32) -> (i32, i32) {
    %c0_i32 = arith.constant 0 : i32
    %c0_i32_0 = arith.constant 0 : i32
    %c0_i32_1 = arith.constant 0 : i32
    return %c0_i32, %c0_i32_0 : i32, i32
  }
  func.func @transform_5(%arg0: i32) -> (i32, i32) {
    %c0_i32 = arith.constant 0 : i32
    %c0_i32_0 = arith.constant 0 : i32
    %c0_i32_1 = arith.constant 0 : i32
    return %c0_i32, %c0_i32_0 : i32, i32
  }
  func.func @transform_6(%arg0: i32) -> (i32, i32) {
    %c0_i32 = arith.constant 0 : i32
    %c0_i32_0 = arith.constant 0 : i32
    %c0_i32_1 = arith.constant 0 : i32
    return %c0_i32, %c0_i32_0 : i32, i32
  }
  func.func @transform_7(%arg0: i32) -> (i32, i32) {
    %c0_i32 = arith.constant 0 : i32
    %c0_i32_0 = arith.constant 0 : i32
    %c0_i32_1 = arith.constant 0 : i32
    return %c0_i32, %c0_i32_0 : i32, i32
  }
  func.func @transform_8(%arg0: i32) -> (i32, i32) {
    %c0_i32 = arith.constant 0 : i32
    %c0_i32_0 = arith.constant 0 : i32
    %c0_i32_1 = arith.constant 0 : i32
    return %c0_i32, %c0_i32_0 : i32, i32
  }
  func.func @transform_9(%arg0: i32) -> (i32, i32) {
    %c0_i32 = arith.constant 0 : i32
    %c0_i32_0 = arith.constant 0 : i32
    %c0_i32_1 = arith.constant 0 : i32
    return %c0_i32, %c0_i32_0 : i32, i32
  }
  func.func @transform_10(%arg0: i32) -> (i32, i32) {
    %c0_i32 = arith.constant 0 : i32
    %c0_i32_0 = arith.constant 0 : i32
    %c0_i32_1 = arith.constant 0 : i32
    return %c0_i32, %c0_i32_0 : i32, i32
  }
  func.func @transform_11(%arg0: i32) -> (i32, i32) {
    %c0_i32 = arith.constant 0 : i32
    %c0_i32_0 = arith.constant 0 : i32
    return %arg0, %c0_i32 : i32, i32
  }
}

</mosaic_0001>

<sc_bundles>
// kernel: kernel.11.cloned.1.call-start
scs
__scs_entry_jumppad:
0x0: {  	(pc) =	sbr.rel $0x88, $3  }
0x1: {  	(tag) =	ssettag $0x0;
	lr =	simm.s32 $0x1  }
0x2: {  	[smem:$0x3F8E] =	sst lr;
	_ =	strace $0xD0000000  }
0x3: {  	_ = 	snop  }
0x4: {  	_ = 	snop  }
0x5: {  	_ = 	snop  }
0x6: {  	_ = 	snop  }
0x7: {  	_ = 	snop  }
__scs_overlays_trampoline_lowered:
0x8: {  	[smem:$0x3F9D] =	sst s0  }
0x9: {  	[smem:$0x3F9E] =	sst s1  }
0xa: {  	[smem:$0x3F9F] =	sst s2  }
0xb: {  	[smem:$0x3FA0] =	sst s3  }
0xc: {  	[smem:$0x3FA1] =	sst s4  }
0xd: {  	[smem:$0x3FA2] =	sst s5  }
0xe: {  	[smem:$0x3FA3] =	sst s6  }
0xf: {  	[smem:$0x3FA4] =	sst s7  }
0x10: {  	[smem:$0x3FA5] =	sst s8  }
0x11: {  	[smem:$0x3FA6] =	sst s9;
	s0 =	simm.s32 @!p0 $0x0  }
0x12: {  	s1 =	sld [smem:$0x3F8C];
	s0 =	simm.s32 @p0 $0x1  }
0x13: {  	[smem:$0x3FA7] =	sst s0;
	s0 =	simm.s32 @!p1 $0x0  }
0x14: {  	s2 =	sld [smem:$0x3F8B];
	s0 =	simm.s32 @p1 $0x1  }
0x15: {  	[smem:$0x3FA8] =	sst s0;
	s0 =	simm.s32 @!p2 $0x0  }
0x16: {  	s3 =	sld [smem:$0x3FDB];
	s0 =	simm.s32 @p2 $0x1  }
0x17: {  	s4 =	simm.s32 $0x1BF5;
	[smem:$0x3FAA] =	sst s0  }
0x18: {  	s0 =	sld [smem:$0x3F8D];
	_ =	swait.ge [sflag:s4], $0x0  }
0x19: {  	s7 =	sld [smem:$0x3F8E]  }
0x1a: {  	s8 =	sadd.s32 $0xFFFFE003, lr  }
0x1b: {  	s9 =	sadd.s32 $0xFFFFFEF7, lr;
	s5 =	simm.s32 $0xFFFFFFFF;
	p2 =	slt.u32 s8, $0xFFFFF086  }
0x1c: {  	p1 =	slt.u32 s9, $0xF7A;
	s5 =	simm.s32 @!p2 $0x0  }
0x1d: {  	s5 =	simm.s32 @p1 $0x1;
	p0 =	seq.s32 s7, s2  }
0x1e: {  	s7 =	smul.u32 @!p0 $0xF7A, s2;
	p2 =	seq.s32 @!p0 s5, $0x0  }
0x1f: {  	s9 =	smul.u32 $0xF7A, s1;
	s8 =	simm.s32 @!p0 $0x1BF5;
	p2 =	por !p2, p0  }
0x20: {  	[sflag:s8] =	ssyncset.s32 @!p0 $0xFFFFF086;
	s6 =	sadd.s32 @!p0 s3, s7;
	s7 =	simm.s32 @!p0 $0x108  }
0x21: {  	s3 =	sadd.s32 s3, s9;
	s6 =	sadd.s32 @!p0 $0x88, s6;
	s7 =	simm.s32 @p2 $0x1082  }
0x22: {  	[simem:s7], [sflag:s8] =	dma.local @!p0 [hbm:s6], $0xF7A  }
0x23: {  	s9 =	sor.u32 $0xD0000000, s2;
	s6 =	simm.s32 $0x108;
	_ =	swait.ge @!p0 [sflag:s8], $0x0  }
0x24: {  	s3 =	sadd.s32 $0x88, s3;
	s6 =	simm.s32 @!p1 $0x1082;
	[sflag:s4] =	ssyncset.s32 $0xFFFFF086  }
0x25: {  	[simem:s6], [sflag:s4] =	dma.local [hbm:s3], $0xF7A  }
0x26: {  	[smem:$0x3F8E] =	sst s1;
	(tag) =	ssettag s2;
	_ =	strace s9  }
0x27: {  	s1 =	sld [smem:$0x3F9E]  }
0x28: {  	s2 =	sld [smem:$0x3F9F]  }
0x29: {  	s4 =	sld [smem:$0x3FA1]  }
0x2a: {  	p0 =	seq.s32 s5, $0x0;
	s5 =	sld [smem:$0x3FA2]  }
0x2b: {  	s6 =	sld [smem:$0x3FA3]  }
0x2c: {  	s7 =	sld [smem:$0x3FA4]  }
0x2d: {  	s3 =	simm.s32 $0x108;
	s8 =	sld [smem:$0x3FA5]  }
0x2e: {  	s3 =	simm.s32 @!p0 $0x1082;
	s9 =	sld [smem:$0x3FA6]  }
0x2f: {  	lr =	sadd.s32 s0, s3;
	s0 =	sld [smem:$0x3F9D]  }
0x30: {  	s3 =	sld [smem:$0x3FA0]  }
0x31: {  	[smem:$0x3FA9] =	sst s10  }
0x32: {  	s10 =	sld [smem:$0x3FA7];
	_ =	sdelay $0x3  }
0x33: {  	p0 =	seq.s32 s10, $0x1;
	s10 =	sld [smem:$0x3FA9];
	_ =	sdelay $0x3  }
0x34: {  	[smem:$0x3FA9] =	sst s10  }
0x35: {  	s10 =	sld [smem:$0x3FA8];
	_ =	sdelay $0x3  }
0x36: {  	p1 =	seq.s32 s10, $0x1;
	s10 =	sld [smem:$0x3FA9];
	_ =	sdelay $0x3  }
0x37: {  	[smem:$0x3FA9] =	sst s10  }
0x38: {  	s10 =	sld [smem:$0x3FAA]  }
0x39: {  	_ = 	snop;
	(pc) =	sbr.ind lr, $3  }
0x3a: {  	_ = 	snop  }
0x3b: {  	_ = 	snop  }
0x3c: {  	p2 =	seq.s32 s10, $0x1;
	s10 =	sld [smem:$0x3FA9]  }
0x3d: {  	_ =	shalt  }
0x3e: {  	_ =	shalt  }
0x3f: {  	_ =	shalt  }
0x40: {  	_ =	shalt  }
0x41: {  	_ =	shalt  }
0x42: {  	_ =	shalt  }
0x43: {  	_ =	shalt  }
0x44: {  	_ =	shalt  }
0x45: {  	_ =	shalt  }
0x46: {  	_ =	shalt  }
0x47: {  	_ =	shalt  }
0x48: {  	_ =	shalt  }
0x49: {  	_ =	shalt  }
0x4a: {  	_ =	shalt  }
0x4b: {  	_ =	shalt  }
0x4c: {  	_ =	shalt  }
0x4d: {  	_ =	shalt  }
0x4e: {  	_ =	shalt  }
0x4f: {  	_ =	shalt  }
0x50: {  	_ =	shalt  }
0x51: {  	_ =	shalt  }
0x52: {  	_ =	shalt  }
0x53: {  	_ =	shalt  }
0x54: {  	_ =	shalt  }
0x55: {  	_ =	shalt  }
0x56: {  	_ =	shalt  }
0x57: {  	_ =	shalt  }
0x58: {  	_ =	shalt  }
0x59: {  	_ =	shalt  }
0x5a: {  	_ =	shalt  }
0x5b: {  	_ =	shalt  }
0x5c: {  	_ =	shalt  }
0x5d: {  	_ =	shalt  }
0x5e: {  	_ =	shalt  }
0x5f: {  	_ =	shalt  }
0x60: {  	_ =	shalt  }
0x61: {  	_ =	shalt  }
0x62: {  	_ =	shalt  }
0x63: {  	_ =	shalt  }
0x64: {  	_ =	shalt  }
0x65: {  	_ =	shalt  }
0x66: {  	_ =	shalt  }
0x67: {  	_ =	shalt  }
0x68: {  	_ =	shalt  }
0x69: {  	_ =	shalt  }
0x6a: {  	_ =	shalt  }
0x6b: {  	_ =	shalt  }
0x6c: {  	_ =	shalt  }
0x6d: {  	_ =	shalt  }
0x6e: {  	_ =	shalt  }
0x6f: {  	_ =	shalt  }
0x70: {  	_ =	shalt  }
0x71: {  	_ =	shalt  }
0x72: {  	_ =	shalt  }
0x73: {  	_ =	shalt  }
0x74: {  	_ =	shalt  }
0x75: {  	_ =	shalt  }
0x76: {  	_ =	shalt  }
0x77: {  	_ =	shalt  }
0x78: {  	_ =	shalt  }
0x79: {  	_ =	shalt  }
0x7a: {  	_ =	shalt  }
0x7b: {  	_ =	shalt  }
0x7c: {  	_ =	shalt  }
0x7d: {  	_ =	shalt  }
0x7e: {  	_ =	shalt  }
0x7f: {  	_ =	shalt  }
0x80: {  	_ =	shalt  }
0x81: {  	_ =	shalt  }
0x82: {  	_ =	shalt  }
0x83: {  	_ =	shalt  }
0x84: {  	_ =	shalt  }
0x85: {  	_ =	shalt  }
0x86: {  	_ =	shalt  }
0x87: {  	_ =	shalt  }
.Lfunc_end0:
.L_simem_size_0:
called_computation_lowered:
.L_overlay_start_0:
0x88: {  	s2 =	sld [smem:$0x3FD9]  }
0x89: {  	s3 =	sld [smem:$0x3FFE];
	_ =	sdelay $0x1  }
0x8a: {  	s1 =	srdreg.scid  }
0x8b: {  	s0 =	sand.u32 $0x1, s1  }
0x8c: {  	s17 =	sshll.u32 s0, $0xA;
	s2 =	sadd.s32 s3, s2  }
0x8d: {  	s2 =	sadd.s32 s2, s17  }
0x8e: {  	[smem:$0x3FB5] =	sst s2  }
0x8f: {  	_ = 	snop  }
0x90: {  	s2 =	sld [smem:$0x3FD0];
	(tm) =	ssettm $0x1  }
0x91: {  	s18 =	sld [smem:$0x3FFB];
	_ =	sdelay $0x3  }
0x92: {  	_ =	strace s18  }
0x93: {  	s3 =	sld [smem:$0x3FFC];
	_ =	sdelay $0x3  }
0x94: {  	_ =	strace s3  }
0x95: {  	s3 =	sld [smem:$0x3FFD];
	_ =	sdelay $0x3  }
0x96: {  	_ =	strace s3  }
0x97: {  	_ =	strace $0x8FFFFFFF  }
0x98: {  	s19 =	sld [smem:$0x3FDB];
	_ =	sdelay $0x1  }
0x99: {  	s4 =	simm.s32 $_scs_section_size  }
0x9a: {  	s5 =	simm.s32 $_size__tile_overlayer_lowered;
	s6 =	simm.s32 $_tile_overlayer_lowered  }
0x9b: {  	s22 =	simm.s32 $0x1BFF;
	s21 =	sshll.u32 s6, $0x1;
	s3 =	sadd.s32 s4, s19  }
0x9c: {  	s7 =	simm.s32 $0x0;
	s20 =	sshll.u32 s5, $0x1;
	s5 =	sadd.s32 s21, s3  }
0x9d: {  	[timem:s7], [sflag:s22] =	dma.local [hbm:s5], s20  }
0x9e: {  	_ =	swait.ge [sflag:s22], s20  }
0x9f: {  	s4 =	ssub.s32 $0x0, s20;
	[sflag:s22] =	ssyncset.done $0x0  }
0xa0: {  	[sflag:s22] =	ssyncadd.s32 s4;
	_ =	sdelay $0x1  }
0xa1: {  	s23 =	simm.s32 $0x1B8B  }
0xa2: {  	_ =	swait.ge [sflag:s23], $0x1  }
0xa3: {  	[sflag:s23] =	ssyncset.done $0x0  }
0xa4: {  	s25 =	simm.s32 $0x1B8E;
	s24 =	sld [smem:$0x3FFE];
	[sflag:s23] =	ssyncadd.s32 $0xFFFFFFFF  }
0xa5: {  	s26 =	simm.s32 $execute0_lowered;
	[smem:$0x3FD2] =	sst s25  }
0xa6: {  	s5 =	sshll.u32 s26, $0x1;
	_ =	strace $0x80000046;
	[dreg:$0x1] =	wrdreg $0xFFFFFFFF  }
0xa7: {  	s28 =	simm.s32 $_size_execute0_lowered;
	s3 =	sadd.s32 s3, s5;
	[dreg:$0x0] =	wrdreg $0x0  }
0xa8: {  	s5 =	sshll.u32 s28, $0x1;
	[dreg:$0x2] =	wrdreg s3  }
0xa9: {  	[dreg:$0x3] =	wrdreg s5  }
0xaa: {  	[dreg:$0x4] =	wrdreg $0xC0  }
0xab: {  	_ =	task [dreg:s7], $0x5FFFF  }
0xac: {  	[dreg:$0x1] =	wrdreg $0xFFFFFFFF  }
0xad: {  	[dreg:$0x0] =	wrdreg $0x60  }
0xae: {  	[dreg:$0x2] =	wrdreg s2  }
0xaf: {  	[dreg:$0x3] =	wrdreg s24  }
0xb0: {  	[dreg:$0x4] =	wrdreg $0x9  }
0xb1: {  	_ =	task.clear_ibuf [dreg:s7], $0x5FFFF;
	_ =	strace $0x90000046  }
0xb2: {  	s29 =	simm.s32 $0x9;
	_ =	strace $0x80000048  }
0xb3: {  	_ =	swait.ge [sflag:s29], $0x1  }
0xb4: {  	[sflag:s29] =	ssyncadd.s32 $0xFFFFFFFF  }
0xb5: {  	_ =	strace $0x90000048  }
0xb6: {  	_ =	sfence  }
0xb7: {  	s30 =	sld [smem:$0x0];
	_ =	sdelay $0x2  }
0xb8: {  	s31 =	sshll.u32 s1, $0xD;
	s1 =	sshrl.u32 s1, $0x2  }
0xb9: {  	s3 =	sand.u32 $0x4000, s31;
	s1 =	sadd.s32 s1, s30  }
0xba: {  	s0 =	sor.u32 s3, s0;
	s1 =	sshll.u32 s1, $0x11  }
0xbb: {  	s0 =	sor.u32 s1, s0  }
0xbc: {  	s0 =	sadd.s32 $0x8F2B, s0  }
0xbd: {  	[sflag:s0] =	ssyncadd.remote.s32 $0x1  }
0xbe: {  	_ =	sfence.sel $0xFFFF  }
0xbf: {  	[dreg:$0x0] =	wrdreg $0xFFFFFFFF;
	(pc) =	sbr.abs _section_cstart, $3  }
0xc0: {  	[dreg:$0x1] =	wrdreg $0xFFFFFFFF  }
0xc1: {  	_ =	task.clear_ibuf [dreg:s7], $0x2FFFF;
	_ =	strace $0x9FFFFFFF  }
0xc2: {  	(tm) =	ssettm $0x7FFFFFFF  }
0xc3: {  	_ =	shalt  }
tec
execute0_lowered:
.L_overlay_start_1:
0x0: {  	(tag) =	ssettag $0x1  }
0x1: {  	s0 =	rddreg [dreg:$0x0]  }
0x2: {  	s1 =	rddreg [dreg:$0x1]  }
0x3: {  	s3 =	srdreg.scid;
	s8 =	stileid.u32  }
0x4: {  	s2 =	simm.s32 $0x0;
	s11 =	simm.s32 $0x9;
	s12 =	simm.s32 $0x80  }
0x5: {  	s13 =	simm.s32 $0x1400;
	s14 =	simm.s32 $0x5400;
	s16 =	simm.s32 $0x9400  }
0x6: {  	s18 =	simm.s32 $0xD400;
	s19 =	simm.s32 $0x1;
	s20 =	simm.s32 $0x2  }
0x7: {  	s21 =	simm.s32 $0x3;
	s22 =	simm.s32 $0x4;
	s23 =	simm.s32 $0x5  }
0x8: {  	s24 =	simm.s32 $0x6;
	s28 =	simm.s32 $0x0;
	s4 =	sand.u32 $0x1, s3  }
0x9: {  	s25 =	sshll.u32 s8, $0x1;
	[smem:$0x7FF] =	sst s2;
	s8 =	smul.u32 $0x140000, s8  }
0xa: {  	s5 =	sor.u32 s4, s25;
	s7 =	ssub.s32 $0x2, s4;
	s4 =	smul.u32 $0xA0000, s4  }
0xb: {  	s3 =	sadd.s32 $0x6800, s1;
	s1 =	sadd.s32 $0x63A00, s1;
	s6 =	smul.u32 $0xA0000, s5  }
0xc: {  	_ =	strace $0x80000047;
	s5 =	smul.u32 $0x280, s5;
	s9 =	sshrl.u32 s7, $0x1  }
0xd: {  	s25 =	simm.s32 $0x7;
	s9 =	ssub.s32 s7, s9;
	s6 =	sshrl.u32 s6, $0x3  }
0xe: {  	s31 =	sadd.s32 s4, s8;
	s0 =	sadd.s32 s0, s5;
	s10 =	sadd.s32 s1, s6  }
0xf: {  	s9 =	smax.u32 s9, $0x1;
	[dreg:$0x3] =	wrdreg s0;
	s26 =	sadd.s32 $0x12000, s10  }
0x10: {  	s0 =	sshrl.u32 s31, $0x3;
	s29 =	sadd.s32 $0x12800, s10;
	[dreg:$0x4] =	wrdreg s26  }
0x11: {  	s30 =	sadd.s32 $0x13000, s10;
	s8 =	sadd.s32 $0x13800, s10;
	[dreg:$0x5] =	wrdreg s29  }
0x12: {  	s10 =	sadd.s32 s0, s1;
	[dreg:$0x6] =	wrdreg s30;
	s26 =	simm.s32 $0x8  }
.LBB2_1:
0x13: {  	s0 =	rddreg [dreg:$0x3]  }
0x14: {  	[tilespmem:s2], [sflag:$0x9] =	stream.linear.gather [hbm4b:s0+s2], $0x1400, $0x38;
	[tilespmem:$0x11400] =	vst v63  }
0x15: {  	_ =	swait.ge [sflag:s11], $0x1400  }
0x16: {  	[sflag:s11] =	ssyncset.done $0x0  }
0x17: {  	[sflag:s11] =	ssyncadd.s32 $0xFFFFEC00  }
0x18: {  	[tilespmem:s13], [sflag:$0x1] =	stream.indirect.gather [hbm4b:s3+s12], $0x80, s2, s12, $0xb8;
	[tilespmem:$0x11400] =	vst v63  }
0x19: {  	_ = 	snop  }
0x1a: {  	[tilespmem:s14], [sflag:$0x2] =	stream.indirect.gather [hbm4b:s3+s12], $0x80, s12, s12, $0xb8;
	[tilespmem:$0x11400] =	vst v63  }
0x1b: {  	s7 =	simm.s32 $0x100;
	s17 =	sand.u32 $0x3, s2  }
0x1c: {  	[tilespmem:s16], [sflag:$0x3] =	stream.indirect.gather [hbm4b:s3+s12], $0x80, s7, s12, $0xb8;
	[tilespmem:$0x11400] =	vst v63  }
0x1d: {  	s15 =	simm.s32 $0x180;
	s30 =	sadd.s32 $0x1, s17  }
0x1e: {  	[tilespmem:s18], [sflag:$0x4] =	stream.indirect.gather [hbm4b:s3+s12], $0x80, s15, s12, $0xb8;
	[tilespmem:$0x11400] =	vst v63  }
0x1f: {  	s1 =	simm.s32 $0x200;
	_ =	swait.ge [sflag:s30], $0x4000  }
0x20: {  	s31 =	simm.s32 $0x1;
	s4 =	sshll.u32 s17, $0xE;
	[sflag:s30] =	ssyncset.done $0x0  }
0x21: {  	s17 =	sadd.s32 $0x5, s17;
	s15 =	sor.u32 $0x1400, s4;
	[sflag:s30] =	ssyncadd.s32 $0xFFFFC000  }
0x22: {  	[hbm4b:s10+s2] =	stream.linear.scatter [tilespmem:s15], [sflag:s17], $0x4000, $0x38;
	[tilespmem:$0x11400] =	vst v63  }
0x23: {  	s29 =	simm.s32 $0x280;
	s0 =	sand.u32 $0x3, s31;
	_ =	swait.ge [sflag:s17], $0x4000  }
0x24: {  	s31 =	sadd.s32 $0x800, s10;
	s4 =	simm.s32 $0x2;
	[sflag:s17] =	ssyncset.done $0x0  }
.LBB2_2:
0x25: {  	s5 =	sadd.s32 $0x1, s0;
	[sflag:s17] =	ssyncadd.s32 $0xFFFFC000  }
0x26: {  	s6 =	smov.u32 s4;
	s7 =	sadd.s32 $0x1, s4;
	p0 =	sne.s32 s4, $0x23  }
0x27: {  	[tilespmem:s15], [sflag:s30] =	stream.indirect.gather [hbm4b:s3+s12], $0x80, s1, s12, $0xb8;
	[tilespmem:$0x11400] =	vst v63  }
0x28: {  	s17 =	sadd.s32 $0x5, s0;
	s30 =	smov.u32 s5;
	_ =	swait.ge [sflag:s5], $0x4000  }
.Ltmp0:
0x29: {  	s1 =	sshll.u32 s0, $0xE;
	[sflag:s30] =	ssyncset.done $0x0;
	(pc) =	sbr.rel @p0 .LBB2_2-.Ltmp0, $4  }
0x2a: {  	s0 =	sand.u32 $0x3, s6;
	s15 =	sor.u32 $0x1400, s1;
	[sflag:s30] =	ssyncadd.s32 $0xFFFFC000  }
0x2b: {  	[hbm4b:s31+s2] =	stream.linear.scatter [tilespmem:s15], [sflag:s17], $0x4000, $0x38;
	[tilespmem:$0x11400] =	vst v63  }
0x2c: {  	s1 =	smov.u32 s29;
	s29 =	sadd.s32 $0x80, s29;
	_ =	swait.ge [sflag:s17], $0x4000  }
0x2d: {  	s4 =	smov.u32 s7;
	s31 =	sadd.s32 $0x800, s31;
	[sflag:s17] =	ssyncset.done $0x0  }
0x2e: {  	[sflag:s17] =	ssyncadd.s32 $0xFFFFC000  }
0x2f: {  	[tilespmem:s15], [sflag:s30] =	stream.indirect.gather [hbm4b:s3+s12], $0x80, s1, s12, $0xb8;
	[tilespmem:$0x11400] =	vst v63  }
0x30: {  	s15 =	sadd.s32 $0x1, s0  }
0x31: {  	_ =	swait.ge [sflag:s15], $0x4000  }
0x32: {  	s4 =	sshll.u32 s0, $0xE;
	[sflag:s15] =	ssyncset.done $0x0  }
0x33: {  	s17 =	sadd.s32 $0x5, s0;
	s4 =	sor.u32 $0x1400, s4;
	[sflag:s15] =	ssyncadd.s32 $0xFFFFC000  }
0x34: {  	[hbm4b:s31+s2] =	stream.linear.scatter [tilespmem:s4], [sflag:s17], $0x4000, $0x38;
	[tilespmem:$0x11400] =	vst v63  }
0x35: {  	_ =	swait.ge [sflag:s17], $0x4000  }
0x36: {  	[sflag:s17] =	ssyncset.done $0x0  }
0x37: {  	[sflag:s17] =	ssyncadd.s32 $0xFFFFC000  }
0x38: {  	[tilespmem:s4], [sflag:s15] =	stream.indirect.gather [hbm4b:s3+s12], $0x80, s29, s12, $0xb8;
	[tilespmem:$0x11400] =	vst v63  }
0x39: {  	_ =	swait.ge [sflag:s19], $0x4000  }
0x3a: {  	[sflag:s19] =	ssyncset.done $0x0  }
0x3b: {  	s29 =	rddreg [dreg:$0x4];
	[sflag:s19] =	ssyncadd.s32 $0xFFFFC000  }
0x3c: {  	[hbm4b:s29+s2] =	stream.linear.scatter [tilespmem:s13], [sflag:$0x5], $0x4000, $0x38;
	[tilespmem:$0x11400] =	vst v63  }
0x3d: {  	_ =	swait.ge [sflag:s20], $0x4000  }
0x3e: {  	[sflag:s20] =	ssyncset.done $0x0  }
0x3f: {  	s30 =	rddreg [dreg:$0x5];
	[sflag:s20] =	ssyncadd.s32 $0xFFFFC000  }
0x40: {  	[hbm4b:s30+s2] =	stream.linear.scatter [tilespmem:s14], [sflag:$0x6], $0x4000, $0x38;
	[tilespmem:$0x11400] =	vst v63  }
0x41: {  	_ =	swait.ge [sflag:s21], $0x4000  }
0x42: {  	[sflag:s21] =	ssyncset.done $0x0  }
0x43: {  	s31 =	rddreg [dreg:$0x6];
	[sflag:s21] =	ssyncadd.s32 $0xFFFFC000  }
0x44: {  	[hbm4b:s31+s2] =	stream.linear.scatter [tilespmem:s16], [sflag:$0x7], $0x4000, $0x38;
	[tilespmem:$0x11400] =	vst v63  }
0x45: {  	_ =	swait.ge [sflag:s22], $0x4000  }
0x46: {  	[sflag:s22] =	ssyncset.done $0x0  }
0x47: {  	[sflag:s22] =	ssyncadd.s32 $0xFFFFC000  }
0x48: {  	[hbm4b:s8+s2] =	stream.linear.scatter [tilespmem:s18], [sflag:$0x8], $0x4000, $0x38;
	[tilespmem:$0x11400] =	vst v63  }
0x49: {  	_ =	swait.ge [sflag:s23], $0x4000  }
0x4a: {  	[sflag:s23] =	ssyncset.done $0x0  }
0x4b: {  	[sflag:s23] =	ssyncadd.s32 $0xFFFFC000  }
0x4c: {  	_ =	swait.ge [sflag:s24], $0x4000  }
0x4d: {  	[sflag:s24] =	ssyncset.done $0x0  }
0x4e: {  	s28 =	sadd.s32 $0x1, s28;
	[sflag:s24] =	ssyncadd.s32 $0xFFFFC000  }
0x4f: {  	p0 =	sne.s32 s28, s9;
	_ =	swait.ge [sflag:s25], $0x4000  }
.Ltmp1:
0x50: {  	[sflag:s25] =	ssyncset.done $0x0;
	(pc) =	sbr.rel @p0 .LBB2_1-.Ltmp1, $4  }
0x51: {  	[sflag:s25] =	ssyncadd.s32 $0xFFFFC000  }
0x52: {  	_ =	swait.ge [sflag:s26], $0x4000  }
0x53: {  	[sflag:s26] =	ssyncset.done $0x0  }
0x54: {  	[sflag:s26] =	ssyncadd.s32 $0xFFFFC000  }
0x55: {  	_ =	sfence.sel $0x180000  }
0x56: {  	[bflag:$0x0] =	sbarrier.arrive $0xFFFF  }
0x57: {  	_ =	strace $0x90000047  }
0x58: {  	s0 =	stileid.u32;
	[bflag:$0x2] =	sbarrier.arrive $0xFFFF  }
0x59: {  	p0 =	sne.s32 s0, $0x0;
	s0 =	rddreg [dreg:$0x2]  }
0x5a: {  	s0 =	sadd.s32 @!p0 $0x100000, s0  }
0x5b: {  	[sflag:s0] =	ssyncadd.tile.s32 @!p0 $0x1;
	_ =	shalt  }
.Lfunc_end2:
_tile_overlayer_lowered:
.L_overlay_start_2:
0x5c: {  	(tag) =	ssettag $0x2  }
0x5d: {  	s0 =	rddreg [dreg:$0x0];
	s2 =	stileid.u32  }
0x5e: {  	s1 =	rddreg [dreg:$0x1];
	p0 =	sne.s32 s2, $0x0  }
0x5f: {  	s3 =	rddreg [dreg:$0x2];
	[bflag:$0x3] =	sbarrier.arrive $0xFFFF;
	s2 =	simm.s32 @!p0 $0x1C09  }
0x60: {  	[timem:s3], [sflag:s2] =	dma.local @!p0 [hbm:s0], s1  }
0x61: {  	s0 =	simm.s32 @!p0 $0x9  }
0x62: {  	_ =	swait.ge @!p0 [sflag:s0], s1  }
0x63: {  	s1 =	ssub.s32 @!p0 $0x0, s1;
	[sflag:s0] =	ssyncset.done @!p0 $0x0  }
0x64: {  	[sflag:s0] =	ssyncadd.s32 @!p0 s1  }
0x65: {  	[bflag:$0x3] =	sbarrier.arrive $0xFFFF  }
0x66: {  	_ =	shalt  }

// kernel: kernel.14.cloned.1.call-start
scs
__scs_entry_jumppad:
0x0: {  	(pc) =	sbr.rel $0x88, $3  }
0x1: {  	(tag) =	ssettag $0x0;
	lr =	simm.s32 $0x1  }
0x2: {  	[smem:$0x3F8E] =	sst lr;
	_ =	strace $0xD0000000  }
0x3: {  	_ = 	snop  }
0x4: {  	_ = 	snop  }
0x5: {  	_ = 	snop  }
0x6: {  	_ = 	snop  }
0x7: {  	_ = 	snop  }
__scs_overlays_trampoline_lowered:
0x8: {  	[smem:$0x3F9D] =	sst s0  }
0x9: {  	[smem:$0x3F9E] =	sst s1  }
0xa: {  	[smem:$0x3F9F] =	sst s2  }
0xb: {  	[smem:$0x3FA0] =	sst s3  }
0xc: {  	[smem:$0x3FA1] =	sst s4  }
0xd: {  	[smem:$0x3FA2] =	sst s5  }
0xe: {  	[smem:$0x3FA3] =	sst s6  }
0xf: {  	[smem:$0x3FA4] =	sst s7  }
0x10: {  	[smem:$0x3FA5] =	sst s8  }
0x11: {  	[smem:$0x3FA6] =	sst s9;
	s0 =	simm.s32 @!p0 $0x0  }
0x12: {  	s1 =	sld [smem:$0x3F8C];
	s0 =	simm.s32 @p0 $0x1  }
0x13: {  	[smem:$0x3FA7] =	sst s0;
	s0 =	simm.s32 @!p1 $0x0  }
0x14: {  	s2 =	sld [smem:$0x3F8B];
	s0 =	simm.s32 @p1 $0x1  }
0x15: {  	[smem:$0x3FA8] =	sst s0;
	s0 =	simm.s32 @!p2 $0x0  }
0x16: {  	s3 =	sld [smem:$0x3FDB];
	s0 =	simm.s32 @p2 $0x1  }
0x17: {  	s4 =	simm.s32 $0x1BF5;
	[smem:$0x3FAA] =	sst s0  }
0x18: {  	s0 =	sld [smem:$0x3F8D];
	_ =	swait.ge [sflag:s4], $0x0  }
0x19: {  	s7 =	sld [smem:$0x3F8E]  }
0x1a: {  	s8 =	sadd.s32 $0xFFFFE003, lr  }
0x1b: {  	s9 =	sadd.s32 $0xFFFFFEF7, lr;
	s5 =	simm.s32 $0xFFFFFFFF;
	p2 =	slt.u32 s8, $0xFFFFF086  }
0x1c: {  	p1 =	slt.u32 s9, $0xF7A;
	s5 =	simm.s32 @!p2 $0x0  }
0x1d: {  	s5 =	simm.s32 @p1 $0x1;
	p0 =	seq.s32 s7, s2  }
0x1e: {  	s7 =	smul.u32 @!p0 $0xF7A, s2;
	p2 =	seq.s32 @!p0 s5, $0x0  }
0x1f: {  	s9 =	smul.u32 $0xF7A, s1;
	s8 =	simm.s32 @!p0 $0x1BF5;
	p2 =	por !p2, p0  }
0x20: {  	[sflag:s8] =	ssyncset.s32 @!p0 $0xFFFFF086;
	s6 =	sadd.s32 @!p0 s3, s7;
	s7 =	simm.s32 @!p0 $0x108  }
0x21: {  	s3 =	sadd.s32 s3, s9;
	s6 =	sadd.s32 @!p0 $0x88, s6;
	s7 =	simm.s32 @p2 $0x1082  }
0x22: {  	[simem:s7], [sflag:s8] =	dma.local @!p0 [hbm:s6], $0xF7A  }
0x23: {  	s9 =	sor.u32 $0xD0000000, s2;
	s6 =	simm.s32 $0x108;
	_ =	swait.ge @!p0 [sflag:s8], $0x0  }
0x24: {  	s3 =	sadd.s32 $0x88, s3;
	s6 =	simm.s32 @!p1 $0x1082;
	[sflag:s4] =	ssyncset.s32 $0xFFFFF086  }
0x25: {  	[simem:s6], [sflag:s4] =	dma.local [hbm:s3], $0xF7A  }
0x26: {  	[smem:$0x3F8E] =	sst s1;
	(tag) =	ssettag s2;
	_ =	strace s9  }
0x27: {  	s1 =	sld [smem:$0x3F9E]  }
0x28: {  	s2 =	sld [smem:$0x3F9F]  }
0x29: {  	s4 =	sld [smem:$0x3FA1]  }
0x2a: {  	p0 =	seq.s32 s5, $0x0;
	s5 =	sld [smem:$0x3FA2]  }
0x2b: {  	s6 =	sld [smem:$0x3FA3]  }
0x2c: {  	s7 =	sld [smem:$0x3FA4]  }
0x2d: {  	s3 =	simm.s32 $0x108;
	s8 =	sld [smem:$0x3FA5]  }
0x2e: {  	s3 =	simm.s32 @!p0 $0x1082;
	s9 =	sld [smem:$0x3FA6]  }
0x2f: {  	lr =	sadd.s32 s0, s3;
	s0 =	sld [smem:$0x3F9D]  }
0x30: {  	s3 =	sld [smem:$0x3FA0]  }
0x31: {  	[smem:$0x3FA9] =	sst s10  }
0x32: {  	s10 =	sld [smem:$0x3FA7];
	_ =	sdelay $0x3  }
0x33: {  	p0 =	seq.s32 s10, $0x1;
	s10 =	sld [smem:$0x3FA9];
	_ =	sdelay $0x3  }
0x34: {  	[smem:$0x3FA9] =	sst s10  }
0x35: {  	s10 =	sld [smem:$0x3FA8];
	_ =	sdelay $0x3  }
0x36: {  	p1 =	seq.s32 s10, $0x1;
	s10 =	sld [smem:$0x3FA9];
	_ =	sdelay $0x3  }
0x37: {  	[smem:$0x3FA9] =	sst s10  }
0x38: {  	s10 =	sld [smem:$0x3FAA]  }
0x39: {  	_ = 	snop;
	(pc) =	sbr.ind lr, $3  }
0x3a: {  	_ = 	snop  }
0x3b: {  	_ = 	snop  }
0x3c: {  	p2 =	seq.s32 s10, $0x1;
	s10 =	sld [smem:$0x3FA9]  }
0x3d: {  	_ =	shalt  }
0x3e: {  	_ =	shalt  }
0x3f: {  	_ =	shalt  }
0x40: {  	_ =	shalt  }
0x41: {  	_ =	shalt  }
0x42: {  	_ =	shalt  }
0x43: {  	_ =	shalt  }
0x44: {  	_ =	shalt  }
0x45: {  	_ =	shalt  }
0x46: {  	_ =	shalt  }
0x47: {  	_ =	shalt  }
0x48: {  	_ =	shalt  }
0x49: {  	_ =	shalt  }
0x4a: {  	_ =	shalt  }
0x4b: {  	_ =	shalt  }
0x4c: {  	_ =	shalt  }
0x4d: {  	_ =	shalt  }
0x4e: {  	_ =	shalt  }
0x4f: {  	_ =	shalt  }
0x50: {  	_ =	shalt  }
0x51: {  	_ =	shalt  }
0x52: {  	_ =	shalt  }
0x53: {  	_ =	shalt  }
0x54: {  	_ =	shalt  }
0x55: {  	_ =	shalt  }
0x56: {  	_ =	shalt  }
0x57: {  	_ =	shalt  }
0x58: {  	_ =	shalt  }
0x59: {  	_ =	shalt  }
0x5a: {  	_ =	shalt  }
0x5b: {  	_ =	shalt  }
0x5c: {  	_ =	shalt  }
0x5d: {  	_ =	shalt  }
0x5e: {  	_ =	shalt  }
0x5f: {  	_ =	shalt  }
0x60: {  	_ =	shalt  }
0x61: {  	_ =	shalt  }
0x62: {  	_ =	shalt  }
0x63: {  	_ =	shalt  }
0x64: {  	_ =	shalt  }
0x65: {  	_ =	shalt  }
0x66: {  	_ =	shalt  }
0x67: {  	_ =	shalt  }
0x68: {  	_ =	shalt  }
0x69: {  	_ =	shalt  }
0x6a: {  	_ =	shalt  }
0x6b: {  	_ =	shalt  }
0x6c: {  	_ =	shalt  }
0x6d: {  	_ =	shalt  }
0x6e: {  	_ =	shalt  }
0x6f: {  	_ =	shalt  }
0x70: {  	_ =	shalt  }
0x71: {  	_ =	shalt  }
0x72: {  	_ =	shalt  }
0x73: {  	_ =	shalt  }
0x74: {  	_ =	shalt  }
0x75: {  	_ =	shalt  }
0x76: {  	_ =	shalt  }
0x77: {  	_ =	shalt  }
0x78: {  	_ =	shalt  }
0x79: {  	_ =	shalt  }
0x7a: {  	_ =	shalt  }
0x7b: {  	_ =	shalt  }
0x7c: {  	_ =	shalt  }
0x7d: {  	_ =	shalt  }
0x7e: {  	_ =	shalt  }
0x7f: {  	_ =	shalt  }
0x80: {  	_ =	shalt  }
0x81: {  	_ =	shalt  }
0x82: {  	_ =	shalt  }
0x83: {  	_ =	shalt  }
0x84: {  	_ =	shalt  }
0x85: {  	_ =	shalt  }
0x86: {  	_ =	shalt  }
0x87: {  	_ =	shalt  }
.Lfunc_end0:
.L_simem_size_0:
called_computation.1_lowered:
.L_overlay_start_0:
0x88: {  	s2 =	sld [smem:$0x3FD9]  }
0x89: {  	s3 =	sld [smem:$0x3FFE];
	_ =	sdelay $0x1  }
0x8a: {  	s1 =	srdreg.scid  }
0x8b: {  	s0 =	sand.u32 $0x1, s1  }
0x8c: {  	s17 =	sshll.u32 s0, $0xA;
	s2 =	sadd.s32 s3, s2  }
0x8d: {  	s2 =	sadd.s32 s2, s17  }
0x8e: {  	[smem:$0x3FB5] =	sst s2  }
0x8f: {  	_ = 	snop  }
0x90: {  	(tm) =	ssettm $0x1  }
0x91: {  	s18 =	sld [smem:$0x3FFB];
	_ =	sdelay $0x3  }
0x92: {  	_ =	strace s18  }
0x93: {  	s2 =	sld [smem:$0x3FFC];
	_ =	sdelay $0x3  }
0x94: {  	_ =	strace s2  }
0x95: {  	s2 =	sld [smem:$0x3FFD];
	_ =	sdelay $0x3  }
0x96: {  	_ =	strace s2  }
0x97: {  	_ =	strace $0x8FFFFFFF  }
0x98: {  	s19 =	sld [smem:$0x3FDB];
	_ =	sdelay $0x1  }
0x99: {  	s20 =	simm.s32 $_scs_section_size  }
0x9a: {  	s4 =	simm.s32 $_size__tile_overlayer_lowered;
	s5 =	simm.s32 $_tile_overlayer_lowered  }
0x9b: {  	s6 =	simm.s32 $0x1BFF;
	s21 =	sshll.u32 s5, $0x1;
	s3 =	sadd.s32 s20, s19  }
0x9c: {  	s22 =	simm.s32 $0x0;
	s4 =	sshll.u32 s4, $0x1;
	s5 =	sadd.s32 s21, s3  }
0x9d: {  	[timem:s22], [sflag:s6] =	dma.local [hbm:s5], s4  }
0x9e: {  	_ =	swait.ge [sflag:s6], s4  }
0x9f: {  	s4 =	ssub.s32 $0x0, s4;
	[sflag:s6] =	ssyncset.done $0x0  }
0xa0: {  	[sflag:s6] =	ssyncadd.s32 s4;
	_ =	sdelay $0x1  }
0xa1: {  	s23 =	simm.s32 $0x1B8B  }
0xa2: {  	_ =	swait.ge [sflag:s23], $0x1  }
0xa3: {  	[sflag:s23] =	ssyncset.done $0x0  }
0xa4: {  	[sflag:s23] =	ssyncadd.s32 $0xFFFFFFFF  }
0xa5: {  	s4 =	sld [smem:$0x0]  }
0xa6: {  	s5 =	sand.u32 $0xFFFFFFFE, s1  }
0xa7: {  	p0 =	sne.s32 s1, s5  }
0xa8: {  	s5 =	sshll.u32 @p0 s5, $0xE  }
0xa9: {  	s5 =	sadd.s32 @p0 $0x11B8D, s5;
	s6 =	sshll.u32 @p0 s4, $0x11  }
0xaa: {  	s5 =	sor.u32 @p0 s6, s5  }
0xab: {  	[sflag:s5] =	ssyncadd.remote.s32 @p0 $0x1;
	_ =	sdelay $0x1  }
0xac: {  	s5 =	simm.s32 @p0 $0x1B8D  }
0xad: {  	_ =	swait.eq @p0 [sflag:s5], $0x1  }
0xae: {  	[sflag:s5] =	ssyncadd.s32 @p0 $0xFFFFFFFF  }
0xaf: {  	s6 =	sshll.u32 @!p0 s1, $0xE  }
0xb0: {  	s6 =	sor.u32 @!p0 $0x4000, s6;
	s5 =	simm.s32 @!p0 $0x1B8D  }
0xb1: {  	s4 =	sshll.u32 @!p0 s4, $0x11;
	s6 =	sadd.s32 @!p0 $0x11B8D, s6;
	_ =	swait.eq @!p0 [sflag:s5], $0x1  }
0xb2: {  	s4 =	sor.u32 @!p0 s4, s6;
	[sflag:s5] =	ssyncadd.s32 @!p0 $0xFFFFFFFF  }
0xb3: {  	s25 =	simm.s32 $0x1B8E;
	s24 =	sld [smem:$0x3FFE];
	[sflag:s4] =	ssyncadd.remote.s32 @!p0 $0x1  }
0xb4: {  	s26 =	simm.s32 $execute0_lowered;
	[smem:$0x3FD2] =	sst s25  }
0xb5: {  	s5 =	sshll.u32 s26, $0x1;
	_ =	strace $0x80000049;
	[dreg:$0x1] =	wrdreg $0xFFFFFFFF  }
0xb6: {  	s28 =	simm.s32 $_size_execute0_lowered;
	s3 =	sadd.s32 s3, s5;
	[dreg:$0x0] =	wrdreg $0x0  }
0xb7: {  	s5 =	sshll.u32 s28, $0x1;
	[dreg:$0x2] =	wrdreg s3  }
0xb8: {  	[dreg:$0x3] =	wrdreg s5  }
0xb9: {  	[dreg:$0x4] =	wrdreg $0xC0  }
0xba: {  	_ =	task [dreg:s22], $0x5FFFF  }
0xbb: {  	[dreg:$0x1] =	wrdreg $0xFFFFFFFF  }
0xbc: {  	[dreg:$0x0] =	wrdreg $0x60  }
0xbd: {  	[dreg:$0x2] =	wrdreg s24  }
0xbe: {  	[dreg:$0x3] =	wrdreg $0xA  }
0xbf: {  	_ =	task.clear_ibuf [dreg:s22], $0x4FFFF;
	_ =	strace $0x90000049  }
0xc0: {  	s29 =	simm.s32 $0xA;
	_ =	strace $0x8000004B  }
0xc1: {  	_ =	swait.ge [sflag:s29], $0x1  }
0xc2: {  	[sflag:s29] =	ssyncadd.s32 $0xFFFFFFFF  }
0xc3: {  	_ =	strace $0x9000004B  }
0xc4: {  	_ =	sfence  }
0xc5: {  	s30 =	sld [smem:$0x0];
	_ =	sdelay $0x2  }
0xc6: {  	s31 =	sshll.u32 s1, $0xD;
	s1 =	sshrl.u32 s1, $0x2  }
0xc7: {  	s4 =	sand.u32 $0x4000, s31;
	s1 =	sadd.s32 s1, s30  }
0xc8: {  	s0 =	sor.u32 s4, s0;
	s1 =	sshll.u32 s1, $0x11  }
0xc9: {  	s0 =	sor.u32 s1, s0  }
0xca: {  	s0 =	sadd.s32 $0x8F2B, s0  }
0xcb: {  	[sflag:s0] =	ssyncadd.remote.s32 $0x1  }
0xcc: {  	_ =	sfence.sel $0xFFFF  }
0xcd: {  	[dreg:$0x0] =	wrdreg $0xFFFFFFFF;
	(pc) =	sbr.abs _section_cstart, $3  }
0xce: {  	[dreg:$0x1] =	wrdreg $0xFFFFFFFF  }
0xcf: {  	_ =	task.clear_ibuf [dreg:s22], $0x2FFFF;
	_ =	strace $0x9FFFFFFF  }
0xd0: {  	(tm) =	ssettm $0x7FFFFFFF  }
0xd1: {  	_ =	shalt  }
tec
execute0_lowered:
.L_overlay_start_1:
0x0: {  	(tag) =	ssettag $0x1  }
0x1: {  	s0 =	srdreg.scid  }
0x2: {  	s7 =	stileid.u32;
	s1 =	rddreg [dreg:$0x0];
	s2 =	simm.s32 $0x0  }
0x3: {  	s11 =	simm.s32 $0x9;
	s12 =	simm.s32 $0x80;
	s13 =	simm.s32 $0x1400  }
0x4: {  	s14 =	simm.s32 $0x5400;
	s16 =	simm.s32 $0x9400;
	s18 =	simm.s32 $0xD400  }
0x5: {  	s19 =	simm.s32 $0x1;
	s20 =	simm.s32 $0x2;
	s21 =	simm.s32 $0x3  }
0x6: {  	s22 =	simm.s32 $0x4;
	s23 =	simm.s32 $0x5;
	s24 =	simm.s32 $0x6  }
0x7: {  	s25 =	simm.s32 $0x7;
	s0 =	sand.u32 $0x1, s0;
	s3 =	sshll.u32 s7, $0x1  }
0x8: {  	s28 =	simm.s32 $0x0;
	s8 =	smul.u32 $0x140000, s7;
	s3 =	sor.u32 s0, s3  }
0x9: {  	[smem:$0x7FF] =	sst s2;
	s6 =	ssub.s32 $0x2, s0;
	s4 =	smul.u32 $0x280, s3  }
0xa: {  	_ =	strace $0x8000004A;
	s5 =	smul.u32 $0xA0000, s3;
	s26 =	sshrl.u32 s6, $0x1  }
0xb: {  	s0 =	smul.u32 $0xA0000, s0;
	s3 =	sadd.s32 $0x6800, s1;
	s10 =	ssub.s32 s6, s26  }
0xc: {  	s4 =	sadd.s32 s4, s1;
	s1 =	sadd.s32 $0x2E3A00, s1;
	s5 =	sshrl.u32 s5, $0x3  }
0xd: {  	s0 =	sadd.s32 s0, s8;
	s9 =	sadd.s32 s1, s5;
	s4 =	sadd.s32 $0x54A00, s4  }
0xe: {  	s26 =	simm.s32 $0x8;
	[dreg:$0x2] =	wrdreg s4;
	s29 =	sadd.s32 $0x12000, s9  }
0xf: {  	s0 =	sshrl.u32 s0, $0x3;
	s30 =	sadd.s32 $0x12800, s9;
	[dreg:$0x3] =	wrdreg s29  }
0x10: {  	s31 =	sadd.s32 $0x13000, s9;
	s8 =	sadd.s32 $0x13800, s9;
	[dreg:$0x4] =	wrdreg s30  }
0x11: {  	s9 =	smax.u32 s10, $0x1;
	s10 =	sadd.s32 s0, s1;
	[dreg:$0x5] =	wrdreg s31  }
.LBB2_1:
0x12: {  	s0 =	rddreg [dreg:$0x2]  }
0x13: {  	[tilespmem:s2], [sflag:$0x9] =	stream.linear.gather [hbm4b:s0+s2], $0x1400, $0x38;
	[tilespmem:$0x11400] =	vst v63  }
0x14: {  	_ =	swait.ge [sflag:s11], $0x1400  }
0x15: {  	[sflag:s11] =	ssyncset.done $0x0  }
0x16: {  	[sflag:s11] =	ssyncadd.s32 $0xFFFFEC00  }
0x17: {  	[tilespmem:s13], [sflag:$0x1] =	stream.indirect.gather [hbm4b:s3+s12], $0x80, s2, s12, $0xb8;
	[tilespmem:$0x11400] =	vst v63  }
0x18: {  	_ = 	snop  }
0x19: {  	[tilespmem:s14], [sflag:$0x2] =	stream.indirect.gather [hbm4b:s3+s12], $0x80, s12, s12, $0xb8;
	[tilespmem:$0x11400] =	vst v63  }
0x1a: {  	s15 =	simm.s32 $0x100;
	s1 =	sand.u32 $0x3, s2  }
0x1b: {  	[tilespmem:s16], [sflag:$0x3] =	stream.indirect.gather [hbm4b:s3+s12], $0x80, s15, s12, $0xb8;
	[tilespmem:$0x11400] =	vst v63  }
0x1c: {  	s17 =	simm.s32 $0x180;
	s30 =	sadd.s32 $0x1, s1  }
0x1d: {  	[tilespmem:s18], [sflag:$0x4] =	stream.indirect.gather [hbm4b:s3+s12], $0x80, s17, s12, $0xb8;
	[tilespmem:$0x11400] =	vst v63  }
0x1e: {  	s31 =	simm.s32 $0x1;
	_ =	swait.ge [sflag:s30], $0x4000  }
0x1f: {  	s29 =	simm.s32 $0x280;
	s4 =	sshll.u32 s1, $0xE;
	[sflag:s30] =	ssyncset.done $0x0  }
0x20: {  	s15 =	sor.u32 $0x1400, s4;
	s17 =	sadd.s32 $0x5, s1;
	[sflag:s30] =	ssyncadd.s32 $0xFFFFC000  }
0x21: {  	[hbm4b:s10+s2] =	stream.linear.scatter [tilespmem:s15], [sflag:s17], $0x4000, $0x38;
	[tilespmem:$0x11400] =	vst v63  }
0x22: {  	s0 =	simm.s32 $0x200;
	s4 =	simm.s32 $0x2;
	_ =	swait.ge [sflag:s17], $0x4000  }
0x23: {  	s1 =	sand.u32 $0x3, s31;
	s31 =	sadd.s32 $0x800, s10;
	[sflag:s17] =	ssyncset.done $0x0  }
.LBB2_2:
0x24: {  	s5 =	sadd.s32 $0x1, s1;
	[sflag:s17] =	ssyncadd.s32 $0xFFFFC000  }
0x25: {  	s6 =	smov.u32 s4;
	s7 =	sadd.s32 $0x1, s4;
	p0 =	sne.s32 s4, $0x23  }
0x26: {  	[tilespmem:s15], [sflag:s30] =	stream.indirect.gather [hbm4b:s3+s12], $0x80, s0, s12, $0xb8;
	[tilespmem:$0x11400] =	vst v63  }
0x27: {  	s17 =	sadd.s32 $0x5, s1;
	s30 =	smov.u32 s5;
	_ =	swait.ge [sflag:s5], $0x4000  }
.Ltmp0:
0x28: {  	s0 =	sshll.u32 s1, $0xE;
	[sflag:s30] =	ssyncset.done $0x0;
	(pc) =	sbr.rel @p0 .LBB2_2-.Ltmp0, $4  }
0x29: {  	s1 =	sand.u32 $0x3, s6;
	s15 =	sor.u32 $0x1400, s0;
	[sflag:s30] =	ssyncadd.s32 $0xFFFFC000  }
0x2a: {  	[hbm4b:s31+s2] =	stream.linear.scatter [tilespmem:s15], [sflag:s17], $0x4000, $0x38;
	[tilespmem:$0x11400] =	vst v63  }
0x2b: {  	s0 =	smov.u32 s29;
	s29 =	sadd.s32 $0x80, s29;
	_ =	swait.ge [sflag:s17], $0x4000  }
0x2c: {  	s4 =	smov.u32 s7;
	s31 =	sadd.s32 $0x800, s31;
	[sflag:s17] =	ssyncset.done $0x0  }
0x2d: {  	[sflag:s17] =	ssyncadd.s32 $0xFFFFC000  }
0x2e: {  	[tilespmem:s15], [sflag:s30] =	stream.indirect.gather [hbm4b:s3+s12], $0x80, s0, s12, $0xb8;
	[tilespmem:$0x11400] =	vst v63  }
0x2f: {  	s15 =	sadd.s32 $0x1, s1  }
0x30: {  	_ =	swait.ge [sflag:s15], $0x4000  }
0x31: {  	s4 =	sshll.u32 s1, $0xE;
	[sflag:s15] =	ssyncset.done $0x0  }
0x32: {  	s17 =	sadd.s32 $0x5, s1;
	s4 =	sor.u32 $0x1400, s4;
	[sflag:s15] =	ssyncadd.s32 $0xFFFFC000  }
0x33: {  	[hbm4b:s31+s2] =	stream.linear.scatter [tilespmem:s4], [sflag:s17], $0x4000, $0x38;
	[tilespmem:$0x11400] =	vst v63  }
0x34: {  	_ =	swait.ge [sflag:s17], $0x4000  }
0x35: {  	[sflag:s17] =	ssyncset.done $0x0  }
0x36: {  	[sflag:s17] =	ssyncadd.s32 $0xFFFFC000  }
0x37: {  	[tilespmem:s4], [sflag:s15] =	stream.indirect.gather [hbm4b:s3+s12], $0x80, s29, s12, $0xb8;
	[tilespmem:$0x11400] =	vst v63  }
0x38: {  	_ =	swait.ge [sflag:s19], $0x4000  }
0x39: {  	[sflag:s19] =	ssyncset.done $0x0  }
0x3a: {  	s29 =	rddreg [dreg:$0x3];
	[sflag:s19] =	ssyncadd.s32 $0xFFFFC000  }
0x3b: {  	[hbm4b:s29+s2] =	stream.linear.scatter [tilespmem:s13], [sflag:$0x5], $0x4000, $0x38;
	[tilespmem:$0x11400] =	vst v63  }
0x3c: {  	_ =	swait.ge [sflag:s20], $0x4000  }
0x3d: {  	[sflag:s20] =	ssyncset.done $0x0  }
0x3e: {  	s30 =	rddreg [dreg:$0x4];
	[sflag:s20] =	ssyncadd.s32 $0xFFFFC000  }
0x3f: {  	[hbm4b:s30+s2] =	stream.linear.scatter [tilespmem:s14], [sflag:$0x6], $0x4000, $0x38;
	[tilespmem:$0x11400] =	vst v63  }
0x40: {  	_ =	swait.ge [sflag:s21], $0x4000  }
0x41: {  	[sflag:s21] =	ssyncset.done $0x0  }
0x42: {  	s31 =	rddreg [dreg:$0x5];
	[sflag:s21] =	ssyncadd.s32 $0xFFFFC000  }
0x43: {  	[hbm4b:s31+s2] =	stream.linear.scatter [tilespmem:s16], [sflag:$0x7], $0x4000, $0x38;
	[tilespmem:$0x11400] =	vst v63  }
0x44: {  	_ =	swait.ge [sflag:s22], $0x4000  }
0x45: {  	[sflag:s22] =	ssyncset.done $0x0  }
0x46: {  	[sflag:s22] =	ssyncadd.s32 $0xFFFFC000  }
0x47: {  	[hbm4b:s8+s2] =	stream.linear.scatter [tilespmem:s18], [sflag:$0x8], $0x4000, $0x38;
	[tilespmem:$0x11400] =	vst v63  }
0x48: {  	_ =	swait.ge [sflag:s23], $0x4000  }
0x49: {  	[sflag:s23] =	ssyncset.done $0x0  }
0x4a: {  	[sflag:s23] =	ssyncadd.s32 $0xFFFFC000  }
0x4b: {  	_ =	swait.ge [sflag:s24], $0x4000  }
0x4c: {  	[sflag:s24] =	ssyncset.done $0x0  }
0x4d: {  	s28 =	sadd.s32 $0x1, s28;
	[sflag:s24] =	ssyncadd.s32 $0xFFFFC000  }
0x4e: {  	p0 =	sne.s32 s28, s9;
	_ =	swait.ge [sflag:s25], $0x4000  }
.Ltmp1:
0x4f: {  	[sflag:s25] =	ssyncset.done $0x0;
	(pc) =	sbr.rel @p0 .LBB2_1-.Ltmp1, $4  }
0x50: {  	[sflag:s25] =	ssyncadd.s32 $0xFFFFC000  }
0x51: {  	_ =	swait.ge [sflag:s26], $0x4000  }
0x52: {  	[sflag:s26] =	ssyncset.done $0x0  }
0x53: {  	[sflag:s26] =	ssyncadd.s32 $0xFFFFC000  }
0x54: {  	_ =	sfence.sel $0x180000  }
0x55: {  	[bflag:$0x0] =	sbarrier.arrive $0xFFFF  }
0x56: {  	_ =	strace $0x9000004A  }
0x57: {  	s0 =	stileid.u32;
	[bflag:$0x2] =	sbarrier.arrive $0xFFFF  }
0x58: {  	p0 =	sne.s32 s0, $0x0;
	s0 =	rddreg [dreg:$0x1]  }
0x59: {  	s0 =	sadd.s32 @!p0 $0x100000, s0  }
0x5a: {  	[sflag:s0] =	ssyncadd.tile.s32 @!p0 $0x1;
	_ =	shalt  }
.Lfunc_end2:
_tile_overlayer_lowered:
.L_overlay_start_2:
0x5b: {  	(tag) =	ssettag $0x2  }
0x5c: {  	s0 =	rddreg [dreg:$0x0];
	s2 =	stileid.u32  }
0x5d: {  	s1 =	rddreg [dreg:$0x1];
	p0 =	sne.s32 s2, $0x0  }
0x5e: {  	s3 =	rddreg [dreg:$0x2];
	[bflag:$0x3] =	sbarrier.arrive $0xFFFF;
	s2 =	simm.s32 @!p0 $0x1C09  }
0x5f: {  	[timem:s3], [sflag:s2] =	dma.local @!p0 [hbm:s0], s1  }
0x60: {  	s0 =	simm.s32 @!p0 $0x9  }
0x61: {  	_ =	swait.ge @!p0 [sflag:s0], s1  }
0x62: {  	s1 =	ssub.s32 @!p0 $0x0, s1;
	[sflag:s0] =	ssyncset.done @!p0 $0x0  }
0x63: {  	[sflag:s0] =	ssyncadd.s32 @!p0 s1  }
0x64: {  	[bflag:$0x3] =	sbarrier.arrive $0xFFFF  }
0x65: {  	_ =	shalt  }

// kernel: kernel.17.cloned.1.call-start
scs
__scs_entry_jumppad:
0x0: {  	(pc) =	sbr.rel $0x88, $3  }
0x1: {  	(tag) =	ssettag $0x0;
	lr =	simm.s32 $0x1  }
0x2: {  	[smem:$0x3F8E] =	sst lr;
	_ =	strace $0xD0000000  }
0x3: {  	_ = 	snop  }
0x4: {  	_ = 	snop  }
0x5: {  	_ = 	snop  }
0x6: {  	_ = 	snop  }
0x7: {  	_ = 	snop  }
__scs_overlays_trampoline_lowered:
0x8: {  	[smem:$0x3F9D] =	sst s0  }
0x9: {  	[smem:$0x3F9E] =	sst s1  }
0xa: {  	[smem:$0x3F9F] =	sst s2  }
0xb: {  	[smem:$0x3FA0] =	sst s3  }
0xc: {  	[smem:$0x3FA1] =	sst s4  }
0xd: {  	[smem:$0x3FA2] =	sst s5  }
0xe: {  	[smem:$0x3FA3] =	sst s6  }
0xf: {  	[smem:$0x3FA4] =	sst s7  }
0x10: {  	[smem:$0x3FA5] =	sst s8  }
0x11: {  	[smem:$0x3FA6] =	sst s9;
	s0 =	simm.s32 @!p0 $0x0  }
0x12: {  	s1 =	sld [smem:$0x3F8C];
	s0 =	simm.s32 @p0 $0x1  }
0x13: {  	[smem:$0x3FA7] =	sst s0;
	s0 =	simm.s32 @!p1 $0x0  }
0x14: {  	s2 =	sld [smem:$0x3F8B];
	s0 =	simm.s32 @p1 $0x1  }
0x15: {  	[smem:$0x3FA8] =	sst s0;
	s0 =	simm.s32 @!p2 $0x0  }
0x16: {  	s3 =	sld [smem:$0x3FDB];
	s0 =	simm.s32 @p2 $0x1  }
0x17: {  	s4 =	simm.s32 $0x1BF5;
	[smem:$0x3FAA] =	sst s0  }
0x18: {  	s0 =	sld [smem:$0x3F8D];
	_ =	swait.ge [sflag:s4], $0x0  }
0x19: {  	s7 =	sld [smem:$0x3F8E]  }
0x1a: {  	s8 =	sadd.s32 $0xFFFFE003, lr  }
0x1b: {  	s9 =	sadd.s32 $0xFFFFFEF7, lr;
	s5 =	simm.s32 $0xFFFFFFFF;
	p2 =	slt.u32 s8, $0xFFFFF086  }
0x1c: {  	p1 =	slt.u32 s9, $0xF7A;
	s5 =	simm.s32 @!p2 $0x0  }
0x1d: {  	s5 =	simm.s32 @p1 $0x1;
	p0 =	seq.s32 s7, s2  }
0x1e: {  	s7 =	smul.u32 @!p0 $0xF7A, s2;
	p2 =	seq.s32 @!p0 s5, $0x0  }
0x1f: {  	s9 =	smul.u32 $0xF7A, s1;
	s8 =	simm.s32 @!p0 $0x1BF5;
	p2 =	por !p2, p0  }
0x20: {  	[sflag:s8] =	ssyncset.s32 @!p0 $0xFFFFF086;
	s6 =	sadd.s32 @!p0 s3, s7;
	s7 =	simm.s32 @!p0 $0x108  }
0x21: {  	s3 =	sadd.s32 s3, s9;
	s6 =	sadd.s32 @!p0 $0x88, s6;
	s7 =	simm.s32 @p2 $0x1082  }
0x22: {  	[simem:s7], [sflag:s8] =	dma.local @!p0 [hbm:s6], $0xF7A  }
0x23: {  	s9 =	sor.u32 $0xD0000000, s2;
	s6 =	simm.s32 $0x108;
	_ =	swait.ge @!p0 [sflag:s8], $0x0  }
0x24: {  	s3 =	sadd.s32 $0x88, s3;
	s6 =	simm.s32 @!p1 $0x1082;
	[sflag:s4] =	ssyncset.s32 $0xFFFFF086  }
0x25: {  	[simem:s6], [sflag:s4] =	dma.local [hbm:s3], $0xF7A  }
0x26: {  	[smem:$0x3F8E] =	sst s1;
	(tag) =	ssettag s2;
	_ =	strace s9  }
0x27: {  	s1 =	sld [smem:$0x3F9E]  }
0x28: {  	s2 =	sld [smem:$0x3F9F]  }
0x29: {  	s4 =	sld [smem:$0x3FA1]  }
0x2a: {  	p0 =	seq.s32 s5, $0x0;
	s5 =	sld [smem:$0x3FA2]  }
0x2b: {  	s6 =	sld [smem:$0x3FA3]  }
0x2c: {  	s7 =	sld [smem:$0x3FA4]  }
0x2d: {  	s3 =	simm.s32 $0x108;
	s8 =	sld [smem:$0x3FA5]  }
0x2e: {  	s3 =	simm.s32 @!p0 $0x1082;
	s9 =	sld [smem:$0x3FA6]  }
0x2f: {  	lr =	sadd.s32 s0, s3;
	s0 =	sld [smem:$0x3F9D]  }
0x30: {  	s3 =	sld [smem:$0x3FA0]  }
0x31: {  	[smem:$0x3FA9] =	sst s10  }
0x32: {  	s10 =	sld [smem:$0x3FA7];
	_ =	sdelay $0x3  }
0x33: {  	p0 =	seq.s32 s10, $0x1;
	s10 =	sld [smem:$0x3FA9];
	_ =	sdelay $0x3  }
0x34: {  	[smem:$0x3FA9] =	sst s10  }
0x35: {  	s10 =	sld [smem:$0x3FA8];
	_ =	sdelay $0x3  }
0x36: {  	p1 =	seq.s32 s10, $0x1;
	s10 =	sld [smem:$0x3FA9];
	_ =	sdelay $0x3  }
0x37: {  	[smem:$0x3FA9] =	sst s10  }
0x38: {  	s10 =	sld [smem:$0x3FAA]  }
0x39: {  	_ = 	snop;
	(pc) =	sbr.ind lr, $3  }
0x3a: {  	_ = 	snop  }
0x3b: {  	_ = 	snop  }
0x3c: {  	p2 =	seq.s32 s10, $0x1;
	s10 =	sld [smem:$0x3FA9]  }
0x3d: {  	_ =	shalt  }
0x3e: {  	_ =	shalt  }
0x3f: {  	_ =	shalt  }
0x40: {  	_ =	shalt  }
0x41: {  	_ =	shalt  }
0x42: {  	_ =	shalt  }
0x43: {  	_ =	shalt  }
0x44: {  	_ =	shalt  }
0x45: {  	_ =	shalt  }
0x46: {  	_ =	shalt  }
0x47: {  	_ =	shalt  }
0x48: {  	_ =	shalt  }
0x49: {  	_ =	shalt  }
0x4a: {  	_ =	shalt  }
0x4b: {  	_ =	shalt  }
0x4c: {  	_ =	shalt  }
0x4d: {  	_ =	shalt  }
0x4e: {  	_ =	shalt  }
0x4f: {  	_ =	shalt  }
0x50: {  	_ =	shalt  }
0x51: {  	_ =	shalt  }
0x52: {  	_ =	shalt  }
0x53: {  	_ =	shalt  }
0x54: {  	_ =	shalt  }
0x55: {  	_ =	shalt  }
0x56: {  	_ =	shalt  }
0x57: {  	_ =	shalt  }
0x58: {  	_ =	shalt  }
0x59: {  	_ =	shalt  }
0x5a: {  	_ =	shalt  }
0x5b: {  	_ =	shalt  }
0x5c: {  	_ =	shalt  }
0x5d: {  	_ =	shalt  }
0x5e: {  	_ =	shalt  }
0x5f: {  	_ =	shalt  }
0x60: {  	_ =	shalt  }
0x61: {  	_ =	shalt  }
0x62: {  	_ =	shalt  }
0x63: {  	_ =	shalt  }
0x64: {  	_ =	shalt  }
0x65: {  	_ =	shalt  }
0x66: {  	_ =	shalt  }
0x67: {  	_ =	shalt  }
0x68: {  	_ =	shalt  }
0x69: {  	_ =	shalt  }
0x6a: {  	_ =	shalt  }
0x6b: {  	_ =	shalt  }
0x6c: {  	_ =	shalt  }
0x6d: {  	_ =	shalt  }
0x6e: {  	_ =	shalt  }
0x6f: {  	_ =	shalt  }
0x70: {  	_ =	shalt  }
0x71: {  	_ =	shalt  }
0x72: {  	_ =	shalt  }
0x73: {  	_ =	shalt  }
0x74: {  	_ =	shalt  }
0x75: {  	_ =	shalt  }
0x76: {  	_ =	shalt  }
0x77: {  	_ =	shalt  }
0x78: {  	_ =	shalt  }
0x79: {  	_ =	shalt  }
0x7a: {  	_ =	shalt  }
0x7b: {  	_ =	shalt  }
0x7c: {  	_ =	shalt  }
0x7d: {  	_ =	shalt  }
0x7e: {  	_ =	shalt  }
0x7f: {  	_ =	shalt  }
0x80: {  	_ =	shalt  }
0x81: {  	_ =	shalt  }
0x82: {  	_ =	shalt  }
0x83: {  	_ =	shalt  }
0x84: {  	_ =	shalt  }
0x85: {  	_ =	shalt  }
0x86: {  	_ =	shalt  }
0x87: {  	_ =	shalt  }
.Lfunc_end0:
.L_simem_size_0:
called_computation.2_lowered:
.L_overlay_start_0:
0x88: {  	s2 =	sld [smem:$0x3FD9]  }
0x89: {  	s3 =	sld [smem:$0x3FFE];
	_ =	sdelay $0x1  }
0x8a: {  	s1 =	srdreg.scid  }
0x8b: {  	s0 =	sand.u32 $0x1, s1  }
0x8c: {  	s17 =	sshll.u32 s0, $0xA;
	s2 =	sadd.s32 s3, s2  }
0x8d: {  	s2 =	sadd.s32 s2, s17  }
0x8e: {  	[smem:$0x3FB5] =	sst s2  }
0x8f: {  	_ = 	snop  }
0x90: {  	(tm) =	ssettm $0x1  }
0x91: {  	s18 =	sld [smem:$0x3FFB];
	_ =	sdelay $0x3  }
0x92: {  	_ =	strace s18  }
0x93: {  	s2 =	sld [smem:$0x3FFC];
	_ =	sdelay $0x3  }
0x94: {  	_ =	strace s2  }
0x95: {  	s2 =	sld [smem:$0x3FFD];
	_ =	sdelay $0x3  }
0x96: {  	_ =	strace s2  }
0x97: {  	_ =	strace $0x8FFFFFFF  }
0x98: {  	s19 =	sld [smem:$0x3FDB];
	_ =	sdelay $0x1  }
0x99: {  	s20 =	simm.s32 $_scs_section_size  }
0x9a: {  	s4 =	simm.s32 $_size__tile_overlayer_lowered;
	s5 =	simm.s32 $_tile_overlayer_lowered  }
0x9b: {  	s6 =	simm.s32 $0x1BFF;
	s21 =	sshll.u32 s5, $0x1;
	s3 =	sadd.s32 s20, s19  }
0x9c: {  	s22 =	simm.s32 $0x0;
	s4 =	sshll.u32 s4, $0x1;
	s5 =	sadd.s32 s21, s3  }
0x9d: {  	[timem:s22], [sflag:s6] =	dma.local [hbm:s5], s4  }
0x9e: {  	_ =	swait.ge [sflag:s6], s4  }
0x9f: {  	s4 =	ssub.s32 $0x0, s4;
	[sflag:s6] =	ssyncset.done $0x0  }
0xa0: {  	[sflag:s6] =	ssyncadd.s32 s4;
	_ =	sdelay $0x1  }
0xa1: {  	s23 =	simm.s32 $0x1B8B  }
0xa2: {  	_ =	swait.ge [sflag:s23], $0x1  }
0xa3: {  	[sflag:s23] =	ssyncset.done $0x0  }
0xa4: {  	[sflag:s23] =	ssyncadd.s32 $0xFFFFFFFF  }
0xa5: {  	s4 =	sld [smem:$0x0]  }
0xa6: {  	s5 =	sand.u32 $0xFFFFFFFE, s1  }
0xa7: {  	p0 =	sne.s32 s1, s5  }
0xa8: {  	s5 =	sshll.u32 @p0 s5, $0xE  }
0xa9: {  	s5 =	sadd.s32 @p0 $0x11B8D, s5;
	s6 =	sshll.u32 @p0 s4, $0x11  }
0xaa: {  	s5 =	sor.u32 @p0 s6, s5  }
0xab: {  	[sflag:s5] =	ssyncadd.remote.s32 @p0 $0x1;
	_ =	sdelay $0x1  }
0xac: {  	s5 =	simm.s32 @p0 $0x1B8D  }
0xad: {  	_ =	swait.eq @p0 [sflag:s5], $0x1  }
0xae: {  	[sflag:s5] =	ssyncadd.s32 @p0 $0xFFFFFFFF  }
0xaf: {  	s6 =	sshll.u32 @!p0 s1, $0xE  }
0xb0: {  	s6 =	sor.u32 @!p0 $0x4000, s6;
	s5 =	simm.s32 @!p0 $0x1B8D  }
0xb1: {  	s4 =	sshll.u32 @!p0 s4, $0x11;
	s6 =	sadd.s32 @!p0 $0x11B8D, s6;
	_ =	swait.eq @!p0 [sflag:s5], $0x1  }
0xb2: {  	s4 =	sor.u32 @!p0 s4, s6;
	[sflag:s5] =	ssyncadd.s32 @!p0 $0xFFFFFFFF  }
0xb3: {  	s25 =	simm.s32 $0x1B8E;
	s24 =	sld [smem:$0x3FFE];
	[sflag:s4] =	ssyncadd.remote.s32 @!p0 $0x1  }
0xb4: {  	s26 =	simm.s32 $execute0_lowered;
	[smem:$0x3FD2] =	sst s25  }
0xb5: {  	s5 =	sshll.u32 s26, $0x1;
	_ =	strace $0x8000004C;
	[dreg:$0x1] =	wrdreg $0xFFFFFFFF  }
0xb6: {  	s28 =	simm.s32 $_size_execute0_lowered;
	s3 =	sadd.s32 s3, s5;
	[dreg:$0x0] =	wrdreg $0x0  }
0xb7: {  	s5 =	sshll.u32 s28, $0x1;
	[dreg:$0x2] =	wrdreg s3  }
0xb8: {  	[dreg:$0x3] =	wrdreg s5  }
0xb9: {  	[dreg:$0x4] =	wrdreg $0xC0  }
0xba: {  	_ =	task [dreg:s22], $0x5FFFF  }
0xbb: {  	[dreg:$0x1] =	wrdreg $0xFFFFFFFF  }
0xbc: {  	[dreg:$0x0] =	wrdreg $0x60  }
0xbd: {  	[dreg:$0x2] =	wrdreg s24  }
0xbe: {  	[dreg:$0x3] =	wrdreg $0xB  }
0xbf: {  	_ =	task.clear_ibuf [dreg:s22], $0x4FFFF;
	_ =	strace $0x9000004C  }
0xc0: {  	s29 =	simm.s32 $0xB;
	_ =	strace $0x8000004E  }
0xc1: {  	_ =	swait.ge [sflag:s29], $0x1  }
0xc2: {  	[sflag:s29] =	ssyncadd.s32 $0xFFFFFFFF  }
0xc3: {  	_ =	strace $0x9000004E  }
0xc4: {  	_ =	sfence  }
0xc5: {  	s30 =	sld [smem:$0x0];
	_ =	sdelay $0x2  }
0xc6: {  	s31 =	sshll.u32 s1, $0xD;
	s1 =	sshrl.u32 s1, $0x2  }
0xc7: {  	s4 =	sand.u32 $0x4000, s31;
	s1 =	sadd.s32 s1, s30  }
0xc8: {  	s0 =	sor.u32 s4, s0;
	s1 =	sshll.u32 s1, $0x11  }
0xc9: {  	s0 =	sor.u32 s1, s0  }
0xca: {  	s0 =	sadd.s32 $0x8F2B, s0  }
0xcb: {  	[sflag:s0] =	ssyncadd.remote.s32 $0x1  }
0xcc: {  	_ =	sfence.sel $0xFFFF  }
0xcd: {  	[dreg:$0x0] =	wrdreg $0xFFFFFFFF;
	(pc) =	sbr.abs _section_cstart, $3  }
0xce: {  	[dreg:$0x1] =	wrdreg $0xFFFFFFFF  }
0xcf: {  	_ =	task.clear_ibuf [dreg:s22], $0x2FFFF;
	_ =	strace $0x9FFFFFFF  }
0xd0: {  	(tm) =	ssettm $0x7FFFFFFF  }
0xd1: {  	_ =	shalt  }
tec
execute0_lowered:
.L_overlay_start_1:
0x0: {  	(tag) =	ssettag $0x1  }
0x1: {  	s0 =	srdreg.scid  }
0x2: {  	s7 =	stileid.u32;
	s1 =	rddreg [dreg:$0x0];
	s2 =	simm.s32 $0x0  }
0x3: {  	s11 =	simm.s32 $0x9;
	s12 =	simm.s32 $0x80;
	s13 =	simm.s32 $0x1400  }
0x4: {  	s14 =	simm.s32 $0x5400;
	s16 =	simm.s32 $0x9400;
	s18 =	simm.s32 $0xD400  }
0x5: {  	s19 =	simm.s32 $0x1;
	s20 =	simm.s32 $0x2;
	s21 =	simm.s32 $0x3  }
0x6: {  	s22 =	simm.s32 $0x4;
	s23 =	simm.s32 $0x5;
	s24 =	simm.s32 $0x6  }
0x7: {  	s25 =	simm.s32 $0x7;
	s0 =	sand.u32 $0x1, s0;
	s3 =	sshll.u32 s7, $0x1  }
0x8: {  	s28 =	simm.s32 $0x0;
	s8 =	smul.u32 $0x140000, s7;
	s3 =	sor.u32 s0, s3  }
0x9: {  	[smem:$0x7FF] =	sst s2;
	s6 =	ssub.s32 $0x2, s0;
	s4 =	smul.u32 $0x280, s3  }
0xa: {  	_ =	strace $0x8000004D;
	s5 =	smul.u32 $0xA0000, s3;
	s26 =	sshrl.u32 s6, $0x1  }
0xb: {  	s0 =	smul.u32 $0xA0000, s0;
	s3 =	sadd.s32 $0x6800, s1;
	s10 =	ssub.s32 s6, s26  }
0xc: {  	s4 =	sadd.s32 s4, s1;
	s1 =	sadd.s32 $0x563A00, s1;
	s5 =	sshrl.u32 s5, $0x3  }
0xd: {  	s0 =	sadd.s32 s0, s8;
	s9 =	sadd.s32 s1, s5;
	s4 =	sadd.s32 $0x59A00, s4  }
0xe: {  	s26 =	simm.s32 $0x8;
	[dreg:$0x2] =	wrdreg s4;
	s29 =	sadd.s32 $0x12000, s9  }
0xf: {  	s0 =	sshrl.u32 s0, $0x3;
	s30 =	sadd.s32 $0x12800, s9;
	[dreg:$0x3] =	wrdreg s29  }
0x10: {  	s31 =	sadd.s32 $0x13000, s9;
	s8 =	sadd.s32 $0x13800, s9;
	[dreg:$0x4] =	wrdreg s30  }
0x11: {  	s9 =	smax.u32 s10, $0x1;
	s10 =	sadd.s32 s0, s1;
	[dreg:$0x5] =	wrdreg s31  }
.LBB2_1:
0x12: {  	s0 =	rddreg [dreg:$0x2]  }
0x13: {  	[tilespmem:s2], [sflag:$0x9] =	stream.linear.gather [hbm4b:s0+s2], $0x1400, $0x38;
	[tilespmem:$0x11400] =	vst v63  }
0x14: {  	_ =	swait.ge [sflag:s11], $0x1400  }
0x15: {  	[sflag:s11] =	ssyncset.done $0x0  }
0x16: {  	[sflag:s11] =	ssyncadd.s32 $0xFFFFEC00  }
0x17: {  	[tilespmem:s13], [sflag:$0x1] =	stream.indirect.gather [hbm4b:s3+s12], $0x80, s2, s12, $0xb8;
	[tilespmem:$0x11400] =	vst v63  }
0x18: {  	_ = 	snop  }
0x19: {  	[tilespmem:s14], [sflag:$0x2] =	stream.indirect.gather [hbm4b:s3+s12], $0x80, s12, s12, $0xb8;
	[tilespmem:$0x11400] =	vst v63  }
0x1a: {  	s15 =	simm.s32 $0x100;
	s1 =	sand.u32 $0x3, s2  }
0x1b: {  	[tilespmem:s16], [sflag:$0x3] =	stream.indirect.gather [hbm4b:s3+s12], $0x80, s15, s12, $0xb8;
	[tilespmem:$0x11400] =	vst v63  }
0x1c: {  	s17 =	simm.s32 $0x180;
	s30 =	sadd.s32 $0x1, s1  }
0x1d: {  	[tilespmem:s18], [sflag:$0x4] =	stream.indirect.gather [hbm4b:s3+s12], $0x80, s17, s12, $0xb8;
	[tilespmem:$0x11400] =	vst v63  }
0x1e: {  	s31 =	simm.s32 $0x1;
	_ =	swait.ge [sflag:s30], $0x4000  }
0x1f: {  	s29 =	simm.s32 $0x280;
	s4 =	sshll.u32 s1, $0xE;
	[sflag:s30] =	ssyncset.done $0x0  }
0x20: {  	s15 =	sor.u32 $0x1400, s4;
	s17 =	sadd.s32 $0x5, s1;
	[sflag:s30] =	ssyncadd.s32 $0xFFFFC000  }
0x21: {  	[hbm4b:s10+s2] =	stream.linear.scatter [tilespmem:s15], [sflag:s17], $0x4000, $0x38;
	[tilespmem:$0x11400] =	vst v63  }
0x22: {  	s0 =	simm.s32 $0x200;
	s4 =	simm.s32 $0x2;
	_ =	swait.ge [sflag:s17], $0x4000  }
0x23: {  	s1 =	sand.u32 $0x3, s31;
	s31 =	sadd.s32 $0x800, s10;
	[sflag:s17] =	ssyncset.done $0x0  }
.LBB2_2:
0x24: {  	s5 =	sadd.s32 $0x1, s1;
	[sflag:s17] =	ssyncadd.s32 $0xFFFFC000  }
0x25: {  	s6 =	smov.u32 s4;
	s7 =	sadd.s32 $0x1, s4;
	p0 =	sne.s32 s4, $0x23  }
0x26: {  	[tilespmem:s15], [sflag:s30] =	stream.indirect.gather [hbm4b:s3+s12], $0x80, s0, s12, $0xb8;
	[tilespmem:$0x11400] =	vst v63  }
0x27: {  	s17 =	sadd.s32 $0x5, s1;
	s30 =	smov.u32 s5;
	_ =	swait.ge [sflag:s5], $0x4000  }
.Ltmp0:
0x28: {  	s0 =	sshll.u32 s1, $0xE;
	[sflag:s30] =	ssyncset.done $0x0;
	(pc) =	sbr.rel @p0 .LBB2_2-.Ltmp0, $4  }
0x29: {  	s1 =	sand.u32 $0x3, s6;
	s15 =	sor.u32 $0x1400, s0;
	[sflag:s30] =	ssyncadd.s32 $0xFFFFC000  }
0x2a: {  	[hbm4b:s31+s2] =	stream.linear.scatter [tilespmem:s15], [sflag:s17], $0x4000, $0x38;
	[tilespmem:$0x11400] =	vst v63  }
0x2b: {  	s0 =	smov.u32 s29;
	s29 =	sadd.s32 $0x80, s29;
	_ =	swait.ge [sflag:s17], $0x4000  }
0x2c: {  	s4 =	smov.u32 s7;
	s31 =	sadd.s32 $0x800, s31;
	[sflag:s17] =	ssyncset.done $0x0  }
0x2d: {  	[sflag:s17] =	ssyncadd.s32 $0xFFFFC000  }
0x2e: {  	[tilespmem:s15], [sflag:s30] =	stream.indirect.gather [hbm4b:s3+s12], $0x80, s0, s12, $0xb8;
	[tilespmem:$0x11400] =	vst v63  }
0x2f: {  	s15 =	sadd.s32 $0x1, s1  }
0x30: {  	_ =	swait.ge [sflag:s15], $0x4000  }
0x31: {  	s4 =	sshll.u32 s1, $0xE;
	[sflag:s15] =	ssyncset.done $0x0  }
0x32: {  	s17 =	sadd.s32 $0x5, s1;
	s4 =	sor.u32 $0x1400, s4;
	[sflag:s15] =	ssyncadd.s32 $0xFFFFC000  }
0x33: {  	[hbm4b:s31+s2] =	stream.linear.scatter [tilespmem:s4], [sflag:s17], $0x4000, $0x38;
	[tilespmem:$0x11400] =	vst v63  }
0x34: {  	_ =	swait.ge [sflag:s17], $0x4000  }
0x35: {  	[sflag:s17] =	ssyncset.done $0x0  }
0x36: {  	[sflag:s17] =	ssyncadd.s32 $0xFFFFC000  }
0x37: {  	[tilespmem:s4], [sflag:s15] =	stream.indirect.gather [hbm4b:s3+s12], $0x80, s29, s12, $0xb8;
	[tilespmem:$0x11400] =	vst v63  }
0x38: {  	_ =	swait.ge [sflag:s19], $0x4000  }
0x39: {  	[sflag:s19] =	ssyncset.done $0x0  }
0x3a: {  	s29 =	rddreg [dreg:$0x3];
	[sflag:s19] =	ssyncadd.s32 $0xFFFFC000  }
0x3b: {  	[hbm4b:s29+s2] =	stream.linear.scatter [tilespmem:s13], [sflag:$0x5], $0x4000, $0x38;
	[tilespmem:$0x11400] =	vst v63  }
0x3c: {  	_ =	swait.ge [sflag:s20], $0x4000  }
0x3d: {  	[sflag:s20] =	ssyncset.done $0x0  }
0x3e: {  	s30 =	rddreg [dreg:$0x4];
	[sflag:s20] =	ssyncadd.s32 $0xFFFFC000  }
0x3f: {  	[hbm4b:s30+s2] =	stream.linear.scatter [tilespmem:s14], [sflag:$0x6], $0x4000, $0x38;
	[tilespmem:$0x11400] =	vst v63  }
0x40: {  	_ =	swait.ge [sflag:s21], $0x4000  }
0x41: {  	[sflag:s21] =	ssyncset.done $0x0  }
0x42: {  	s31 =	rddreg [dreg:$0x5];
	[sflag:s21] =	ssyncadd.s32 $0xFFFFC000  }
0x43: {  	[hbm4b:s31+s2] =	stream.linear.scatter [tilespmem:s16], [sflag:$0x7], $0x4000, $0x38;
	[tilespmem:$0x11400] =	vst v63  }
0x44: {  	_ =	swait.ge [sflag:s22], $0x4000  }
0x45: {  	[sflag:s22] =	ssyncset.done $0x0  }
0x46: {  	[sflag:s22] =	ssyncadd.s32 $0xFFFFC000  }
0x47: {  	[hbm4b:s8+s2] =	stream.linear.scatter [tilespmem:s18], [sflag:$0x8], $0x4000, $0x38;
	[tilespmem:$0x11400] =	vst v63  }
0x48: {  	_ =	swait.ge [sflag:s23], $0x4000  }
0x49: {  	[sflag:s23] =	ssyncset.done $0x0  }
0x4a: {  	[sflag:s23] =	ssyncadd.s32 $0xFFFFC000  }
0x4b: {  	_ =	swait.ge [sflag:s24], $0x4000  }
0x4c: {  	[sflag:s24] =	ssyncset.done $0x0  }
0x4d: {  	s28 =	sadd.s32 $0x1, s28;
	[sflag:s24] =	ssyncadd.s32 $0xFFFFC000  }
0x4e: {  	p0 =	sne.s32 s28, s9;
	_ =	swait.ge [sflag:s25], $0x4000  }
.Ltmp1:
0x4f: {  	[sflag:s25] =	ssyncset.done $0x0;
	(pc) =	sbr.rel @p0 .LBB2_1-.Ltmp1, $4  }
0x50: {  	[sflag:s25] =	ssyncadd.s32 $0xFFFFC000  }
0x51: {  	_ =	swait.ge [sflag:s26], $0x4000  }
0x52: {  	[sflag:s26] =	ssyncset.done $0x0  }
0x53: {  	[sflag:s26] =	ssyncadd.s32 $0xFFFFC000  }
0x54: {  	_ =	sfence.sel $0x180000  }
0x55: {  	[bflag:$0x0] =	sbarrier.arrive $0xFFFF  }
0x56: {  	_ =	strace $0x9000004D  }
0x57: {  	s0 =	stileid.u32;
	[bflag:$0x2] =	sbarrier.arrive $0xFFFF  }
0x58: {  	p0 =	sne.s32 s0, $0x0;
	s0 =	rddreg [dreg:$0x1]  }
0x59: {  	s0 =	sadd.s32 @!p0 $0x100000, s0  }
0x5a: {  	[sflag:s0] =	ssyncadd.tile.s32 @!p0 $0x1;
	_ =	shalt  }
.Lfunc_end2:
_tile_overlayer_lowered:
.L_overlay_start_2:
0x5b: {  	(tag) =	ssettag $0x2  }
0x5c: {  	s0 =	rddreg [dreg:$0x0];
	s2 =	stileid.u32  }
0x5d: {  	s1 =	rddreg [dreg:$0x1];
	p0 =	sne.s32 s2, $0x0  }
0x5e: {  	s3 =	rddreg [dreg:$0x2];
	[bflag:$0x3] =	sbarrier.arrive $0xFFFF;
	s2 =	simm.s32 @!p0 $0x1C09  }
0x5f: {  	[timem:s3], [sflag:s2] =	dma.local @!p0 [hbm:s0], s1  }
0x60: {  	s0 =	simm.s32 @!p0 $0x9  }
0x61: {  	_ =	swait.ge @!p0 [sflag:s0], s1  }
0x62: {  	s1 =	ssub.s32 @!p0 $0x0, s1;
	[sflag:s0] =	ssyncset.done @!p0 $0x0  }
0x63: {  	[sflag:s0] =	ssyncadd.s32 @!p0 s1  }
0x64: {  	[bflag:$0x3] =	sbarrier.arrive $0xFFFF  }
0x65: {  	_ =	shalt  }

// kernel: kernel.20.cloned.1.call-start
scs
__scs_entry_jumppad:
0x0: {  	(pc) =	sbr.rel $0x88, $3  }
0x1: {  	(tag) =	ssettag $0x0;
	lr =	simm.s32 $0x1  }
0x2: {  	[smem:$0x3F8E] =	sst lr;
	_ =	strace $0xD0000000  }
0x3: {  	_ = 	snop  }
0x4: {  	_ = 	snop  }
0x5: {  	_ = 	snop  }
0x6: {  	_ = 	snop  }
0x7: {  	_ = 	snop  }
__scs_overlays_trampoline_lowered:
0x8: {  	[smem:$0x3F9D] =	sst s0  }
0x9: {  	[smem:$0x3F9E] =	sst s1  }
0xa: {  	[smem:$0x3F9F] =	sst s2  }
0xb: {  	[smem:$0x3FA0] =	sst s3  }
0xc: {  	[smem:$0x3FA1] =	sst s4  }
0xd: {  	[smem:$0x3FA2] =	sst s5  }
0xe: {  	[smem:$0x3FA3] =	sst s6  }
0xf: {  	[smem:$0x3FA4] =	sst s7  }
0x10: {  	[smem:$0x3FA5] =	sst s8  }
0x11: {  	[smem:$0x3FA6] =	sst s9;
	s0 =	simm.s32 @!p0 $0x0  }
0x12: {  	s1 =	sld [smem:$0x3F8C];
	s0 =	simm.s32 @p0 $0x1  }
0x13: {  	[smem:$0x3FA7] =	sst s0;
	s0 =	simm.s32 @!p1 $0x0  }
0x14: {  	s2 =	sld [smem:$0x3F8B];
	s0 =	simm.s32 @p1 $0x1  }
0x15: {  	[smem:$0x3FA8] =	sst s0;
	s0 =	simm.s32 @!p2 $0x0  }
0x16: {  	s3 =	sld [smem:$0x3FDB];
	s0 =	simm.s32 @p2 $0x1  }
0x17: {  	s4 =	simm.s32 $0x1BF5;
	[smem:$0x3FAA] =	sst s0  }
0x18: {  	s0 =	sld [smem:$0x3F8D];
	_ =	swait.ge [sflag:s4], $0x0  }
0x19: {  	s7 =	sld [smem:$0x3F8E]  }
0x1a: {  	s8 =	sadd.s32 $0xFFFFE003, lr  }
0x1b: {  	s9 =	sadd.s32 $0xFFFFFEF7, lr;
	s5 =	simm.s32 $0xFFFFFFFF;
	p2 =	slt.u32 s8, $0xFFFFF086  }
0x1c: {  	p1 =	slt.u32 s9, $0xF7A;
	s5 =	simm.s32 @!p2 $0x0  }
0x1d: {  	s5 =	simm.s32 @p1 $0x1;
	p0 =	seq.s32 s7, s2  }
0x1e: {  	s7 =	smul.u32 @!p0 $0xF7A, s2;
	p2 =	seq.s32 @!p0 s5, $0x0  }
0x1f: {  	s9 =	smul.u32 $0xF7A, s1;
	s8 =	simm.s32 @!p0 $0x1BF5;
	p2 =	por !p2, p0  }
0x20: {  	[sflag:s8] =	ssyncset.s32 @!p0 $0xFFFFF086;
	s6 =	sadd.s32 @!p0 s3, s7;
	s7 =	simm.s32 @!p0 $0x108  }
0x21: {  	s3 =	sadd.s32 s3, s9;
	s6 =	sadd.s32 @!p0 $0x88, s6;
	s7 =	simm.s32 @p2 $0x1082  }
0x22: {  	[simem:s7], [sflag:s8] =	dma.local @!p0 [hbm:s6], $0xF7A  }
0x23: {  	s9 =	sor.u32 $0xD0000000, s2;
	s6 =	simm.s32 $0x108;
	_ =	swait.ge @!p0 [sflag:s8], $0x0  }
0x24: {  	s3 =	sadd.s32 $0x88, s3;
	s6 =	simm.s32 @!p1 $0x1082;
	[sflag:s4] =	ssyncset.s32 $0xFFFFF086  }
0x25: {  	[simem:s6], [sflag:s4] =	dma.local [hbm:s3], $0xF7A  }
0x26: {  	[smem:$0x3F8E] =	sst s1;
	(tag) =	ssettag s2;
	_ =	strace s9  }
0x27: {  	s1 =	sld [smem:$0x3F9E]  }
0x28: {  	s2 =	sld [smem:$0x3F9F]  }
0x29: {  	s4 =	sld [smem:$0x3FA1]  }
0x2a: {  	p0 =	seq.s32 s5, $0x0;
	s5 =	sld [smem:$0x3FA2]  }
0x2b: {  	s6 =	sld [smem:$0x3FA3]  }
0x2c: {  	s7 =	sld [smem:$0x3FA4]  }
0x2d: {  	s3 =	simm.s32 $0x108;
	s8 =	sld [smem:$0x3FA5]  }
0x2e: {  	s3 =	simm.s32 @!p0 $0x1082;
	s9 =	sld [smem:$0x3FA6]  }
0x2f: {  	lr =	sadd.s32 s0, s3;
	s0 =	sld [smem:$0x3F9D]  }
0x30: {  	s3 =	sld [smem:$0x3FA0]  }
0x31: {  	[smem:$0x3FA9] =	sst s10  }
0x32: {  	s10 =	sld [smem:$0x3FA7];
	_ =	sdelay $0x3  }
0x33: {  	p0 =	seq.s32 s10, $0x1;
	s10 =	sld [smem:$0x3FA9];
	_ =	sdelay $0x3  }
0x34: {  	[smem:$0x3FA9] =	sst s10  }
0x35: {  	s10 =	sld [smem:$0x3FA8];
	_ =	sdelay $0x3  }
0x36: {  	p1 =	seq.s32 s10, $0x1;
	s10 =	sld [smem:$0x3FA9];
	_ =	sdelay $0x3  }
0x37: {  	[smem:$0x3FA9] =	sst s10  }
0x38: {  	s10 =	sld [smem:$0x3FAA]  }
0x39: {  	_ = 	snop;
	(pc) =	sbr.ind lr, $3  }
0x3a: {  	_ = 	snop  }
0x3b: {  	_ = 	snop  }
0x3c: {  	p2 =	seq.s32 s10, $0x1;
	s10 =	sld [smem:$0x3FA9]  }
0x3d: {  	_ =	shalt  }
0x3e: {  	_ =	shalt  }
0x3f: {  	_ =	shalt  }
0x40: {  	_ =	shalt  }
0x41: {  	_ =	shalt  }
0x42: {  	_ =	shalt  }
0x43: {  	_ =	shalt  }
0x44: {  	_ =	shalt  }
0x45: {  	_ =	shalt  }
0x46: {  	_ =	shalt  }
0x47: {  	_ =	shalt  }
0x48: {  	_ =	shalt  }
0x49: {  	_ =	shalt  }
0x4a: {  	_ =	shalt  }
0x4b: {  	_ =	shalt  }
0x4c: {  	_ =	shalt  }
0x4d: {  	_ =	shalt  }
0x4e: {  	_ =	shalt  }
0x4f: {  	_ =	shalt  }
0x50: {  	_ =	shalt  }
0x51: {  	_ =	shalt  }
0x52: {  	_ =	shalt  }
0x53: {  	_ =	shalt  }
0x54: {  	_ =	shalt  }
0x55: {  	_ =	shalt  }
0x56: {  	_ =	shalt  }
0x57: {  	_ =	shalt  }
0x58: {  	_ =	shalt  }
0x59: {  	_ =	shalt  }
0x5a: {  	_ =	shalt  }
0x5b: {  	_ =	shalt  }
0x5c: {  	_ =	shalt  }
0x5d: {  	_ =	shalt  }
0x5e: {  	_ =	shalt  }
0x5f: {  	_ =	shalt  }
0x60: {  	_ =	shalt  }
0x61: {  	_ =	shalt  }
0x62: {  	_ =	shalt  }
0x63: {  	_ =	shalt  }
0x64: {  	_ =	shalt  }
0x65: {  	_ =	shalt  }
0x66: {  	_ =	shalt  }
0x67: {  	_ =	shalt  }
0x68: {  	_ =	shalt  }
0x69: {  	_ =	shalt  }
0x6a: {  	_ =	shalt  }
0x6b: {  	_ =	shalt  }
0x6c: {  	_ =	shalt  }
0x6d: {  	_ =	shalt  }
0x6e: {  	_ =	shalt  }
0x6f: {  	_ =	shalt  }
0x70: {  	_ =	shalt  }
0x71: {  	_ =	shalt  }
0x72: {  	_ =	shalt  }
0x73: {  	_ =	shalt  }
0x74: {  	_ =	shalt  }
0x75: {  	_ =	shalt  }
0x76: {  	_ =	shalt  }
0x77: {  	_ =	shalt  }
0x78: {  	_ =	shalt  }
0x79: {  	_ =	shalt  }
0x7a: {  	_ =	shalt  }
0x7b: {  	_ =	shalt  }
0x7c: {  	_ =	shalt  }
0x7d: {  	_ =	shalt  }
0x7e: {  	_ =	shalt  }
0x7f: {  	_ =	shalt  }
0x80: {  	_ =	shalt  }
0x81: {  	_ =	shalt  }
0x82: {  	_ =	shalt  }
0x83: {  	_ =	shalt  }
0x84: {  	_ =	shalt  }
0x85: {  	_ =	shalt  }
0x86: {  	_ =	shalt  }
0x87: {  	_ =	shalt  }
.Lfunc_end0:
.L_simem_size_0:
called_computation.3_lowered:
.L_overlay_start_0:
0x88: {  	s2 =	sld [smem:$0x3FD9]  }
0x89: {  	s3 =	sld [smem:$0x3FFE];
	_ =	sdelay $0x1  }
0x8a: {  	s1 =	srdreg.scid  }
0x8b: {  	s0 =	sand.u32 $0x1, s1  }
0x8c: {  	s17 =	sshll.u32 s0, $0xA;
	s2 =	sadd.s32 s3, s2  }
0x8d: {  	s2 =	sadd.s32 s2, s17  }
0x8e: {  	[smem:$0x3FB5] =	sst s2  }
0x8f: {  	_ = 	snop  }
0x90: {  	(tm) =	ssettm $0x1  }
0x91: {  	s18 =	sld [smem:$0x3FFB];
	_ =	sdelay $0x3  }
0x92: {  	_ =	strace s18  }
0x93: {  	s2 =	sld [smem:$0x3FFC];
	_ =	sdelay $0x3  }
0x94: {  	_ =	strace s2  }
0x95: {  	s2 =	sld [smem:$0x3FFD];
	_ =	sdelay $0x3  }
0x96: {  	_ =	strace s2  }
0x97: {  	_ =	strace $0x8FFFFFFF  }
0x98: {  	s19 =	sld [smem:$0x3FDB];
	_ =	sdelay $0x1  }
0x99: {  	s20 =	simm.s32 $_scs_section_size  }
0x9a: {  	s4 =	simm.s32 $_size__tile_overlayer_lowered;
	s5 =	simm.s32 $_tile_overlayer_lowered  }
0x9b: {  	s6 =	simm.s32 $0x1BFF;
	s21 =	sshll.u32 s5, $0x1;
	s3 =	sadd.s32 s20, s19  }
0x9c: {  	s22 =	simm.s32 $0x0;
	s4 =	sshll.u32 s4, $0x1;
	s5 =	sadd.s32 s21, s3  }
0x9d: {  	[timem:s22], [sflag:s6] =	dma.local [hbm:s5], s4  }
0x9e: {  	_ =	swait.ge [sflag:s6], s4  }
0x9f: {  	s4 =	ssub.s32 $0x0, s4;
	[sflag:s6] =	ssyncset.done $0x0  }
0xa0: {  	[sflag:s6] =	ssyncadd.s32 s4;
	_ =	sdelay $0x1  }
0xa1: {  	s23 =	simm.s32 $0x1B8B  }
0xa2: {  	_ =	swait.ge [sflag:s23], $0x1  }
0xa3: {  	[sflag:s23] =	ssyncset.done $0x0  }
0xa4: {  	[sflag:s23] =	ssyncadd.s32 $0xFFFFFFFF  }
0xa5: {  	s4 =	sld [smem:$0x0]  }
0xa6: {  	s5 =	sand.u32 $0xFFFFFFFE, s1  }
0xa7: {  	p0 =	sne.s32 s1, s5  }
0xa8: {  	s5 =	sshll.u32 @p0 s5, $0xE  }
0xa9: {  	s5 =	sadd.s32 @p0 $0x11B8D, s5;
	s6 =	sshll.u32 @p0 s4, $0x11  }
0xaa: {  	s5 =	sor.u32 @p0 s6, s5  }
0xab: {  	[sflag:s5] =	ssyncadd.remote.s32 @p0 $0x1;
	_ =	sdelay $0x1  }
0xac: {  	s5 =	simm.s32 @p0 $0x1B8D  }
0xad: {  	_ =	swait.eq @p0 [sflag:s5], $0x1  }
0xae: {  	[sflag:s5] =	ssyncadd.s32 @p0 $0xFFFFFFFF  }
0xaf: {  	s6 =	sshll.u32 @!p0 s1, $0xE  }
0xb0: {  	s6 =	sor.u32 @!p0 $0x4000, s6;
	s5 =	simm.s32 @!p0 $0x1B8D  }
0xb1: {  	s4 =	sshll.u32 @!p0 s4, $0x11;
	s6 =	sadd.s32 @!p0 $0x11B8D, s6;
	_ =	swait.eq @!p0 [sflag:s5], $0x1  }
0xb2: {  	s4 =	sor.u32 @!p0 s4, s6;
	[sflag:s5] =	ssyncadd.s32 @!p0 $0xFFFFFFFF  }
0xb3: {  	s25 =	simm.s32 $0x1B8E;
	s24 =	sld [smem:$0x3FFE];
	[sflag:s4] =	ssyncadd.remote.s32 @!p0 $0x1  }
0xb4: {  	s26 =	simm.s32 $execute0_lowered;
	[smem:$0x3FD2] =	sst s25  }
0xb5: {  	s5 =	sshll.u32 s26, $0x1;
	_ =	strace $0x8000004F;
	[dreg:$0x1] =	wrdreg $0xFFFFFFFF  }
0xb6: {  	s28 =	simm.s32 $_size_execute0_lowered;
	s3 =	sadd.s32 s3, s5;
	[dreg:$0x0] =	wrdreg $0x0  }
0xb7: {  	s5 =	sshll.u32 s28, $0x1;
	[dreg:$0x2] =	wrdreg s3  }
0xb8: {  	[dreg:$0x3] =	wrdreg s5  }
0xb9: {  	[dreg:$0x4] =	wrdreg $0xC0  }
0xba: {  	_ =	task [dreg:s22], $0x5FFFF  }
0xbb: {  	[dreg:$0x1] =	wrdreg $0xFFFFFFFF  }
0xbc: {  	[dreg:$0x0] =	wrdreg $0x60  }
0xbd: {  	[dreg:$0x2] =	wrdreg s24  }
0xbe: {  	[dreg:$0x3] =	wrdreg $0xC  }
0xbf: {  	_ =	task.clear_ibuf [dreg:s22], $0x4FFFF;
	_ =	strace $0x9000004F  }
0xc0: {  	s29 =	simm.s32 $0xC;
	_ =	strace $0x80000051  }
0xc1: {  	_ =	swait.ge [sflag:s29], $0x1  }
0xc2: {  	[sflag:s29] =	ssyncadd.s32 $0xFFFFFFFF  }
0xc3: {  	_ =	strace $0x90000051  }
0xc4: {  	_ =	sfence  }
0xc5: {  	s30 =	sld [smem:$0x0];
	_ =	sdelay $0x2  }
0xc6: {  	s31 =	sshll.u32 s1, $0xD;
	s1 =	sshrl.u32 s1, $0x2  }
0xc7: {  	s4 =	sand.u32 $0x4000, s31;
	s1 =	sadd.s32 s1, s30  }
0xc8: {  	s0 =	sor.u32 s4, s0;
	s1 =	sshll.u32 s1, $0x11  }
0xc9: {  	s0 =	sor.u32 s1, s0  }
0xca: {  	s0 =	sadd.s32 $0x8F2B, s0  }
0xcb: {  	[sflag:s0] =	ssyncadd.remote.s32 $0x1  }
0xcc: {  	_ =	sfence.sel $0xFFFF  }
0xcd: {  	[dreg:$0x0] =	wrdreg $0xFFFFFFFF;
	(pc) =	sbr.abs _section_cstart, $3  }
0xce: {  	[dreg:$0x1] =	wrdreg $0xFFFFFFFF  }
0xcf: {  	_ =	task.clear_ibuf [dreg:s22], $0x2FFFF;
	_ =	strace $0x9FFFFFFF  }
0xd0: {  	(tm) =	ssettm $0x7FFFFFFF  }
0xd1: {  	_ =	shalt  }
tec
execute0_lowered:
.L_overlay_start_1:
0x0: {  	(tag) =	ssettag $0x1  }
0x1: {  	s0 =	srdreg.scid  }
0x2: {  	s7 =	stileid.u32;
	s1 =	rddreg [dreg:$0x0];
	s2 =	simm.s32 $0x0  }
0x3: {  	s11 =	simm.s32 $0x9;
	s12 =	simm.s32 $0x80;
	s13 =	simm.s32 $0x1400  }
0x4: {  	s14 =	simm.s32 $0x5400;
	s16 =	simm.s32 $0x9400;
	s18 =	simm.s32 $0xD400  }
0x5: {  	s19 =	simm.s32 $0x1;
	s20 =	simm.s32 $0x2;
	s21 =	simm.s32 $0x3  }
0x6: {  	s22 =	simm.s32 $0x4;
	s23 =	simm.s32 $0x5;
	s24 =	simm.s32 $0x6  }
0x7: {  	s25 =	simm.s32 $0x7;
	s0 =	sand.u32 $0x1, s0;
	s3 =	sshll.u32 s7, $0x1  }
0x8: {  	s28 =	simm.s32 $0x0;
	s8 =	smul.u32 $0x140000, s7;
	s3 =	sor.u32 s0, s3  }
0x9: {  	[smem:$0x7FF] =	sst s2;
	s6 =	ssub.s32 $0x2, s0;
	s4 =	smul.u32 $0x280, s3  }
0xa: {  	_ =	strace $0x80000050;
	s5 =	smul.u32 $0xA0000, s3;
	s26 =	sshrl.u32 s6, $0x1  }
0xb: {  	s0 =	smul.u32 $0xA0000, s0;
	s3 =	sadd.s32 $0x6800, s1;
	s10 =	ssub.s32 s6, s26  }
0xc: {  	s4 =	sadd.s32 s4, s1;
	s1 =	sadd.s32 $0x7E3A00, s1;
	s5 =	sshrl.u32 s5, $0x3  }
0xd: {  	s0 =	sadd.s32 s0, s8;
	s9 =	sadd.s32 s1, s5;
	s4 =	sadd.s32 $0x5EA00, s4  }
0xe: {  	s26 =	simm.s32 $0x8;
	[dreg:$0x2] =	wrdreg s4;
	s29 =	sadd.s32 $0x12000, s9  }
0xf: {  	s0 =	sshrl.u32 s0, $0x3;
	s30 =	sadd.s32 $0x12800, s9;
	[dreg:$0x3] =	wrdreg s29  }
0x10: {  	s31 =	sadd.s32 $0x13000, s9;
	s8 =	sadd.s32 $0x13800, s9;
	[dreg:$0x4] =	wrdreg s30  }
0x11: {  	s9 =	smax.u32 s10, $0x1;
	s10 =	sadd.s32 s0, s1;
	[dreg:$0x5] =	wrdreg s31  }
.LBB2_1:
0x12: {  	s0 =	rddreg [dreg:$0x2]  }
0x13: {  	[tilespmem:s2], [sflag:$0x9] =	stream.linear.gather [hbm4b:s0+s2], $0x1400, $0x38;
	[tilespmem:$0x11400] =	vst v63  }
0x14: {  	_ =	swait.ge [sflag:s11], $0x1400  }
0x15: {  	[sflag:s11] =	ssyncset.done $0x0  }
0x16: {  	[sflag:s11] =	ssyncadd.s32 $0xFFFFEC00  }
0x17: {  	[tilespmem:s13], [sflag:$0x1] =	stream.indirect.gather [hbm4b:s3+s12], $0x80, s2, s12, $0xb8;
	[tilespmem:$0x11400] =	vst v63  }
0x18: {  	_ = 	snop  }
0x19: {  	[tilespmem:s14], [sflag:$0x2] =	stream.indirect.gather [hbm4b:s3+s12], $0x80, s12, s12, $0xb8;
	[tilespmem:$0x11400] =	vst v63  }
0x1a: {  	s15 =	simm.s32 $0x100;
	s1 =	sand.u32 $0x3, s2  }
0x1b: {  	[tilespmem:s16], [sflag:$0x3] =	stream.indirect.gather [hbm4b:s3+s12], $0x80, s15, s12, $0xb8;
	[tilespmem:$0x11400] =	vst v63  }
0x1c: {  	s17 =	simm.s32 $0x180;
	s30 =	sadd.s32 $0x1, s1  }
0x1d: {  	[tilespmem:s18], [sflag:$0x4] =	stream.indirect.gather [hbm4b:s3+s12], $0x80, s17, s12, $0xb8;
	[tilespmem:$0x11400] =	vst v63  }
0x1e: {  	s31 =	simm.s32 $0x1;
	_ =	swait.ge [sflag:s30], $0x4000  }
0x1f: {  	s29 =	simm.s32 $0x280;
	s4 =	sshll.u32 s1, $0xE;
	[sflag:s30] =	ssyncset.done $0x0  }
0x20: {  	s15 =	sor.u32 $0x1400, s4;
	s17 =	sadd.s32 $0x5, s1;
	[sflag:s30] =	ssyncadd.s32 $0xFFFFC000  }
0x21: {  	[hbm4b:s10+s2] =	stream.linear.scatter [tilespmem:s15], [sflag:s17], $0x4000, $0x38;
	[tilespmem:$0x11400] =	vst v63  }
0x22: {  	s0 =	simm.s32 $0x200;
	s4 =	simm.s32 $0x2;
	_ =	swait.ge [sflag:s17], $0x4000  }
0x23: {  	s1 =	sand.u32 $0x3, s31;
	s31 =	sadd.s32 $0x800, s10;
	[sflag:s17] =	ssyncset.done $0x0  }
.LBB2_2:
0x24: {  	s5 =	sadd.s32 $0x1, s1;
	[sflag:s17] =	ssyncadd.s32 $0xFFFFC000  }
0x25: {  	s6 =	smov.u32 s4;
	s7 =	sadd.s32 $0x1, s4;
	p0 =	sne.s32 s4, $0x23  }
0x26: {  	[tilespmem:s15], [sflag:s30] =	stream.indirect.gather [hbm4b:s3+s12], $0x80, s0, s12, $0xb8;
	[tilespmem:$0x11400] =	vst v63  }
0x27: {  	s17 =	sadd.s32 $0x5, s1;
	s30 =	smov.u32 s5;
	_ =	swait.ge [sflag:s5], $0x4000  }
.Ltmp0:
0x28: {  	s0 =	sshll.u32 s1, $0xE;
	[sflag:s30] =	ssyncset.done $0x0;
	(pc) =	sbr.rel @p0 .LBB2_2-.Ltmp0, $4  }
0x29: {  	s1 =	sand.u32 $0x3, s6;
	s15 =	sor.u32 $0x1400, s0;
	[sflag:s30] =	ssyncadd.s32 $0xFFFFC000  }
0x2a: {  	[hbm4b:s31+s2] =	stream.linear.scatter [tilespmem:s15], [sflag:s17], $0x4000, $0x38;
	[tilespmem:$0x11400] =	vst v63  }
0x2b: {  	s0 =	smov.u32 s29;
	s29 =	sadd.s32 $0x80, s29;
	_ =	swait.ge [sflag:s17], $0x4000  }
0x2c: {  	s4 =	smov.u32 s7;
	s31 =	sadd.s32 $0x800, s31;
	[sflag:s17] =	ssyncset.done $0x0  }
0x2d: {  	[sflag:s17] =	ssyncadd.s32 $0xFFFFC000  }
0x2e: {  	[tilespmem:s15], [sflag:s30] =	stream.indirect.gather [hbm4b:s3+s12], $0x80, s0, s12, $0xb8;
	[tilespmem:$0x11400] =	vst v63  }
0x2f: {  	s15 =	sadd.s32 $0x1, s1  }
0x30: {  	_ =	swait.ge [sflag:s15], $0x4000  }
0x31: {  	s4 =	sshll.u32 s1, $0xE;
	[sflag:s15] =	ssyncset.done $0x0  }
0x32: {  	s17 =	sadd.s32 $0x5, s1;
	s4 =	sor.u32 $0x1400, s4;
	[sflag:s15] =	ssyncadd.s32 $0xFFFFC000  }
0x33: {  	[hbm4b:s31+s2] =	stream.linear.scatter [tilespmem:s4], [sflag:s17], $0x4000, $0x38;
	[tilespmem:$0x11400] =	vst v63  }
0x34: {  	_ =	swait.ge [sflag:s17], $0x4000  }
0x35: {  	[sflag:s17] =	ssyncset.done $0x0  }
0x36: {  	[sflag:s17] =	ssyncadd.s32 $0xFFFFC000  }
0x37: {  	[tilespmem:s4], [sflag:s15] =	stream.indirect.gather [hbm4b:s3+s12], $0x80, s29, s12, $0xb8;
	[tilespmem:$0x11400] =	vst v63  }
0x38: {  	_ =	swait.ge [sflag:s19], $0x4000  }
0x39: {  	[sflag:s19] =	ssyncset.done $0x0  }
0x3a: {  	s29 =	rddreg [dreg:$0x3];
	[sflag:s19] =	ssyncadd.s32 $0xFFFFC000  }
0x3b: {  	[hbm4b:s29+s2] =	stream.linear.scatter [tilespmem:s13], [sflag:$0x5], $0x4000, $0x38;
	[tilespmem:$0x11400] =	vst v63  }
0x3c: {  	_ =	swait.ge [sflag:s20], $0x4000  }
0x3d: {  	[sflag:s20] =	ssyncset.done $0x0  }
0x3e: {  	s30 =	rddreg [dreg:$0x4];
	[sflag:s20] =	ssyncadd.s32 $0xFFFFC000  }
0x3f: {  	[hbm4b:s30+s2] =	stream.linear.scatter [tilespmem:s14], [sflag:$0x6], $0x4000, $0x38;
	[tilespmem:$0x11400] =	vst v63  }
0x40: {  	_ =	swait.ge [sflag:s21], $0x4000  }
0x41: {  	[sflag:s21] =	ssyncset.done $0x0  }
0x42: {  	s31 =	rddreg [dreg:$0x5];
	[sflag:s21] =	ssyncadd.s32 $0xFFFFC000  }
0x43: {  	[hbm4b:s31+s2] =	stream.linear.scatter [tilespmem:s16], [sflag:$0x7], $0x4000, $0x38;
	[tilespmem:$0x11400] =	vst v63  }
0x44: {  	_ =	swait.ge [sflag:s22], $0x4000  }
0x45: {  	[sflag:s22] =	ssyncset.done $0x0  }
0x46: {  	[sflag:s22] =	ssyncadd.s32 $0xFFFFC000  }
0x47: {  	[hbm4b:s8+s2] =	stream.linear.scatter [tilespmem:s18], [sflag:$0x8], $0x4000, $0x38;
	[tilespmem:$0x11400] =	vst v63  }
0x48: {  	_ =	swait.ge [sflag:s23], $0x4000  }
0x49: {  	[sflag:s23] =	ssyncset.done $0x0  }
0x4a: {  	[sflag:s23] =	ssyncadd.s32 $0xFFFFC000  }
0x4b: {  	_ =	swait.ge [sflag:s24], $0x4000  }
0x4c: {  	[sflag:s24] =	ssyncset.done $0x0  }
0x4d: {  	s28 =	sadd.s32 $0x1, s28;
	[sflag:s24] =	ssyncadd.s32 $0xFFFFC000  }
0x4e: {  	p0 =	sne.s32 s28, s9;
	_ =	swait.ge [sflag:s25], $0x4000  }
.Ltmp1:
0x4f: {  	[sflag:s25] =	ssyncset.done $0x0;
	(pc) =	sbr.rel @p0 .LBB2_1-.Ltmp1, $4  }
0x50: {  	[sflag:s25] =	ssyncadd.s32 $0xFFFFC000  }
0x51: {  	_ =	swait.ge [sflag:s26], $0x4000  }
0x52: {  	[sflag:s26] =	ssyncset.done $0x0  }
0x53: {  	[sflag:s26] =	ssyncadd.s32 $0xFFFFC000  }
0x54: {  	_ =	sfence.sel $0x180000  }
0x55: {  	[bflag:$0x0] =	sbarrier.arrive $0xFFFF  }
0x56: {  	_ =	strace $0x90000050  }
0x57: {  	s0 =	stileid.u32;
	[bflag:$0x2] =	sbarrier.arrive $0xFFFF  }
0x58: {  	p0 =	sne.s32 s0, $0x0;
	s0 =	rddreg [dreg:$0x1]  }
0x59: {  	s0 =	sadd.s32 @!p0 $0x100000, s0  }
0x5a: {  	[sflag:s0] =	ssyncadd.tile.s32 @!p0 $0x1;
	_ =	shalt  }
.Lfunc_end2:
_tile_overlayer_lowered:
.L_overlay_start_2:
0x5b: {  	(tag) =	ssettag $0x2  }
0x5c: {  	s0 =	rddreg [dreg:$0x0];
	s2 =	stileid.u32  }
0x5d: {  	s1 =	rddreg [dreg:$0x1];
	p0 =	sne.s32 s2, $0x0  }
0x5e: {  	s3 =	rddreg [dreg:$0x2];
	[bflag:$0x3] =	sbarrier.arrive $0xFFFF;
	s2 =	simm.s32 @!p0 $0x1C09  }
0x5f: {  	[timem:s3], [sflag:s2] =	dma.local @!p0 [hbm:s0], s1  }
0x60: {  	s0 =	simm.s32 @!p0 $0x9  }
0x61: {  	_ =	swait.ge @!p0 [sflag:s0], s1  }
0x62: {  	s1 =	ssub.s32 @!p0 $0x0, s1;
	[sflag:s0] =	ssyncset.done @!p0 $0x0  }
0x63: {  	[sflag:s0] =	ssyncadd.s32 @!p0 s1  }
0x64: {  	[bflag:$0x3] =	sbarrier.arrive $0xFFFF  }
0x65: {  	_ =	shalt  }

</sc_bundles>
